<compile_context>
chip_gen: v7x
topology: tpu7x:2x2x1
jax: 0.10.2.dev20260603
libtpu: 0.0.44.dev20260713+nightly
codegen_flags: <defaults>
</compile_context>

<pallas_src>
import functools
import math

import jax
import jax.numpy as jnp
from jax import lax
from jax.experimental import pallas as pl
from jax.experimental.pallas import tpu as pltpu
from jax.experimental.pallas import tpu_sc as plsc

N = 10000
E = 320000
D = 128
H = 8
DH = 16
DFF = 512

NC = 2
NS = 16
NW = NC * NS
EW = E // NW
CH = 40
NCHUNK = EW // CH
ROWW = D + 16
NPAD = 10240
RPT = NPAD // NS



def _qkv_body(feat_ref, wq_ref, wkv_ref, bq_ref, bkv_ref, q_ref, kv_ref):
    x = feat_ref[...]
    q_ref[...] = (jnp.dot(x, wq_ref[...], preferred_element_type=jnp.float32)
                  + bq_ref[...]) * (1.0 / math.sqrt(D))
    kv_ref[...] = jnp.dot(x, wkv_ref[...], preferred_element_type=jnp.float32) + bkv_ref[...]


def _qkv(feat, wq, wkv, bq, bkv):
    blk = 2000
    grid = N // blk
    return pl.pallas_call(
        _qkv_body,
        grid=(grid,),
        in_specs=[
            pl.BlockSpec((blk, D), lambda i: (i, 0)),
            pl.BlockSpec((D, D), lambda i: (0, 0)),
            pl.BlockSpec((D, 2 * D), lambda i: (0, 0)),
            pl.BlockSpec((1, D), lambda i: (0, 0)),
            pl.BlockSpec((1, 2 * D), lambda i: (0, 0)),
        ],
        out_specs=[
            pl.BlockSpec((blk, D), lambda i: (i, 0)),
            pl.BlockSpec((blk, 2 * D), lambda i: (i, 0)),
        ],
        out_shape=[
            jax.ShapeDtypeStruct((N, D), jnp.float32),
            jax.ShapeDtypeStruct((N, 2 * D), jnp.float32),
        ],
    )(feat, wq, wkv, bq, bkv)



def _edge_body(kv_hbm, q_hbm, src_hbm, dst_hbm, part_hbm,
               acc, sd_idx, kv_rows, q_rows, m_st,
               sem_i0, sem_i1, sem_kv0, sem_kv1, sem_q0, sem_q1):
    cid = lax.axis_index("c")
    sid = lax.axis_index("s")
    sem_i = (sem_i0, sem_i1)
    sem_kv = (sem_kv0, sem_kv1)
    sem_q = (sem_q0, sem_q1)

    def _zrow(i, _):
        for jj in range(ROWW // 16):
            m_st[i, pl.ds(jj * 16, 16)] = jnp.zeros((16,), jnp.float32)
        return _
    lax.fori_loop(0, CH, _zrow, None)

    def _zcp(b, _):
        pltpu.sync_copy(m_st, acc.at[pl.ds(sid * RPT + b * CH, CH)])
        return _
    lax.fori_loop(0, RPT // CH, _zcp, None)
    plsc.subcore_barrier()

    wid = sid * NC + cid
    lane = lax.iota(jnp.int32, 16)
    _gdn = lax.GatherDimensionNumbers(
        offset_dims=(), collapsed_slice_dims=(0,), start_index_map=(0,))

    def _shuf(x, idx):
        return lax.gather(x, idx, _gdn, (1,),
                          mode=lax.GatherScatterMode.PROMISE_IN_BOUNDS)

    cbase = wid * NCHUNK

    ix = [(lane ^ sh)[:, None] for sh in (8, 4, 2, 1)]
    b3z = (lane & 8) == 0
    b2z = (lane & 4) == 0
    b1z = (lane & 2) == 0
    _b = lane & 7
    idx_den = (2 * ((_b >> 2) & 1) + 4 * ((_b >> 1) & 1) + 8 * (_b & 1))[:, None]
    loh = [2 * ((h >> 2) & 1) + 4 * ((h >> 1) & 1) + 8 * (h & 1) for h in range(H)]
    idx_bc = [jnp.broadcast_to(jnp.int32(loh[h]), (16,))[:, None] for h in range(H)]

    def _start_idx(c, b):
        off = (cbase + c) * CH
        pltpu.async_copy(src_hbm.at[pl.ds(off, CH)],
                         sd_idx.at[b, pl.ds(0, CH)], sem_i[b])
        pltpu.async_copy(dst_hbm.at[pl.ds(off, CH)],
                         sd_idx.at[b, pl.ds(CH, CH)], sem_i[b])

    def _wait_idx(b):
        pltpu.make_async_copy(src_hbm.at[pl.ds(0, CH)],
                              sd_idx.at[b, pl.ds(0, CH)], sem_i[b]).wait()
        pltpu.make_async_copy(dst_hbm.at[pl.ds(0, CH)],
                              sd_idx.at[b, pl.ds(CH, CH)], sem_i[b]).wait()

    def _start_gathers(b):
        pltpu.async_copy(kv_hbm.at[sd_idx.at[b, pl.ds(0, CH)]],
                         kv_rows.at[b], sem_kv[b])
        pltpu.async_copy(q_hbm.at[sd_idx.at[b, pl.ds(CH, CH)]],
                         q_rows.at[b], sem_q[b])

    def _wait_gathers(b):
        pltpu.make_async_copy(kv_hbm.at[sd_idx.at[b, pl.ds(0, CH)]],
                              kv_rows.at[b], sem_kv[b]).wait()
        pltpu.make_async_copy(q_hbm.at[sd_idx.at[b, pl.ds(CH, CH)]],
                              q_rows.at[b], sem_q[b]).wait()

    def _stage(c, b):
        bn = 1 - b

        @pl.when(c + 1 < NCHUNK)
        def _p1():
            _wait_idx(bn)
            _start_gathers(bn)

        _wait_gathers(b)

        @plsc.parallel_loop(0, CH, unroll=2)
        def _edge(e):
            p = [kv_rows[b, e, pl.ds(h * DH, 16)] * q_rows[b, e, pl.ds(h * DH, 16)]
                 for h in range(H)]
            a = [x + _shuf(x, ix[0]) for x in p]
            m1 = [jnp.where(b3z, a[2 * i], a[2 * i + 1]) for i in range(4)]
            f4 = [x + _shuf(x, ix[1]) for x in m1]
            m2 = [jnp.where(b2z, f4[2 * j], f4[2 * j + 1]) for j in range(2)]
            g2 = [x + _shuf(x, ix[2]) for x in m2]
            m3 = jnp.where(b1z, g2[0], g2[1])
            ee = jnp.exp(m3 + _shuf(m3, ix[3]))
            m_st[e, pl.ds(D, 16)] = _shuf(ee, idx_den)
            for h in range(H):
                m_st[e, pl.ds(h * DH, 16)] = (
                    _shuf(ee, idx_bc[h]) * kv_rows[b, e, pl.ds(D + h * DH, 16)])

        pltpu.sync_copy(m_st, acc.at[sd_idx.at[b, pl.ds(CH, CH)]], add=True)

        @pl.when(c + 2 < NCHUNK)
        def _p2():
            _start_idx(c + 2, b)

    _start_idx(0, 0)
    _wait_idx(0)
    _start_gathers(0)
    _start_idx(1, 1)

    def _pair(t, _):
        _stage(2 * t, 0)
        _stage(2 * t + 1, 1)
        return _
    lax.fori_loop(0, NCHUNK // 2, _pair, None)
    plsc.subcore_barrier()

    pltpu.sync_copy(acc.at[pl.ds(sid * RPT, RPT)],
                    part_hbm.at[cid, pl.ds(sid * RPT, RPT)])


_edge_kernel = functools.partial(
    pl.kernel,
    out_type=jax.ShapeDtypeStruct((NC, NPAD, ROWW), jnp.float32),
    mesh=plsc.VectorSubcoreMesh(core_axis_name="c", subcore_axis_name="s"),
    compiler_params=pltpu.CompilerParams(use_tc_tiling_on_sc=False),
    scratch_types=[
        pltpu.VMEM_SHARED((NPAD, ROWW), jnp.float32),
        pltpu.VMEM((2, 2 * CH), jnp.int32),
        pltpu.VMEM((2, CH, 2 * D), jnp.float32),
        pltpu.VMEM((2, CH, D), jnp.float32),
        pltpu.VMEM((CH, ROWW), jnp.float32),
        pltpu.SemaphoreType.DMA,
        pltpu.SemaphoreType.DMA,
        pltpu.SemaphoreType.DMA,
        pltpu.SemaphoreType.DMA,
        pltpu.SemaphoreType.DMA,
        pltpu.SemaphoreType.DMA,
    ],
)(_edge_body)



def _fin_body(p_ref, feat_ref, lng_ref, lnb_ref, w1_ref, b1_ref, alpha_ref,
              w2_ref, b2_ref, out_ref):
    p = p_ref[0] + p_ref[1]
    ft2 = p[:, :D]
    den8 = p[:, D:D + H]
    hh = lax.broadcasted_iota(jnp.int32, (H, D), 0)
    jj = lax.broadcasted_iota(jnp.int32, (H, D), 1)
    sel = (jj // DH == hh).astype(jnp.float32)
    den = jnp.dot(den8, sel, preferred_element_type=jnp.float32)
    den = jnp.where(den > 0.0, den, 1.0)
    rst = ft2 / den + feat_ref[...]

    g = lng_ref[...]
    b = lnb_ref[...]

    def ln(x):
        mu = jnp.mean(x, axis=-1, keepdims=True)
        var = jnp.mean((x - mu) ** 2, axis=-1, keepdims=True)
        return (x - mu) / jnp.sqrt(var + 1e-5) * g + b

    rst = ln(rst)
    h1 = jnp.dot(rst, w1_ref[...], preferred_element_type=jnp.float32) + b1_ref[...]
    h1 = jnp.where(h1 >= 0.0, h1, alpha_ref[...] * h1)
    ffn = jnp.dot(h1, w2_ref[...], preferred_element_type=jnp.float32) + b2_ref[...]
    out_ref[...] = ln(rst + ffn)


def _final(part, feat, ln_g, ln_b, w1, b1, alpha, w2, b2):
    blk = 2000
    grid = N // blk
    return pl.pallas_call(
        _fin_body,
        grid=(grid,),
        in_specs=[
            pl.BlockSpec((NC, blk, ROWW), lambda i: (0, i, 0)),
            pl.BlockSpec((blk, D), lambda i: (i, 0)),
            pl.BlockSpec((1, D), lambda i: (0, 0)),
            pl.BlockSpec((1, D), lambda i: (0, 0)),
            pl.BlockSpec((D, DFF), lambda i: (0, 0)),
            pl.BlockSpec((1, DFF), lambda i: (0, 0)),
            pl.BlockSpec((1, DFF), lambda i: (0, 0)),
            pl.BlockSpec((DFF, D), lambda i: (0, 0)),
            pl.BlockSpec((1, D), lambda i: (0, 0)),
        ],
        out_specs=pl.BlockSpec((blk, D), lambda i: (i, 0)),
        out_shape=jax.ShapeDtypeStruct((N, D), jnp.float32),
    )(part, feat, ln_g, ln_b, w1, b1, alpha, w2, b2)



def kernel(feat, edge_index, Wq, bq, Wk, bk, Wv, bv, ln_g, ln_b, W1, bf1,
           alpha, W2, bf2):
    wkv = jnp.concatenate([Wk, Wv], axis=1)
    bkv = jnp.concatenate([bk, bv]).reshape(1, 2 * D)
    q, kv = _qkv(feat, Wq, wkv, bq.reshape(1, D), bkv)

    src = edge_index[0].astype(jnp.int32)
    dst = edge_index[1].astype(jnp.int32)
    part = _edge_kernel(kv, q, src, dst)

    return _final(part, feat, ln_g.reshape(1, D), ln_b.reshape(1, D),
                  W1, bf1.reshape(1, DFF), alpha.reshape(1, DFF),
                  W2, bf2.reshape(1, D))

# --- scband reference (transcript-rebuilt; emitter-appended) ---
"""Pipeline reference for scband-gat-31988916421098 (READ-ONLY COPY).

The authoritative reference and input builder live on the scoring server;
editing this copy changes nothing except your own understanding.
"""

import jax, jax.numpy as jnp
import numpy as np

N = 10000
E = 320000
D = 128
H = 8
DH = D // H
DFF = 4 * D


def _layernorm(x, g, b):
    mu = jnp.mean(x, axis=-1, keepdims=True)
    var = jnp.var(x, axis=-1, keepdims=True)
    return (x - mu) / jnp.sqrt(var + 1e-5) * g + b


def _prelu(x, alpha):
    return jnp.where(x >= 0, x, alpha * x)


def setup_inputs(seed: int = 0) -> dict:
    key = jax.random.key(seed)
    ks = jax.random.split(key, 12)
    feat = jax.random.normal(ks[0], (N, D), dtype=jnp.float32)
    edge_index = jax.random.randint(ks[1], (2, E), 0, N)
    Wq = jax.random.normal(ks[2], (D, D), dtype=jnp.float32) * 0.05
    bq = jnp.zeros((D,), dtype=jnp.float32)
    Wk = jax.random.normal(ks[3], (D, D), dtype=jnp.float32) * 0.05
    bk = jnp.zeros((D,), dtype=jnp.float32)
    Wv = jax.random.normal(ks[4], (D, D), dtype=jnp.float32) * 0.05
    bv = jnp.zeros((D,), dtype=jnp.float32)
    ln_g = jnp.ones((D,), dtype=jnp.float32)
    ln_b = jnp.zeros((D,), dtype=jnp.float32)
    W1 = jax.random.normal(ks[5], (D, DFF), dtype=jnp.float32) * 0.05
    bf1 = jnp.zeros((DFF,), dtype=jnp.float32)
    alpha = jnp.full((DFF,), 0.25, dtype=jnp.float32)
    W2 = jax.random.normal(ks[6], (DFF, D), dtype=jnp.float32) * 0.05
    bf2 = jnp.zeros((D,), dtype=jnp.float32)
    return {"feat": feat, "edge_index": edge_index, "Wq": Wq, "bq": bq, "Wk": Wk, "bk": bk, "Wv": Wv, "bv": bv, "ln_g": ln_g, "ln_b": ln_b, "W1": W1, "bf1": bf1, "alpha": alpha, "W2": W2, "bf2": bf2}


def reference(feat, edge_index, Wq, bq, Wk, bk, Wv, bv, ln_g, ln_b, W1, bf1, alpha, W2, bf2):
    # feat_c = feat.clone().detach() in the torch module
    feat_c = jax.lax.stop_gradient(feat)
    q = (feat @ Wq + bq).reshape(N, H, DH)
    k = (feat_c @ Wk + bk).reshape(N, H, DH)
    v = (feat_c @ Wv + bv).reshape(N, H, DH)
    src = edge_index[0]
    dst = edge_index[1]
    # u_dot_v('el','er'): el=k at src node u, er=q at dst node v
    e = jnp.sum(k[src] * q[dst], axis=-1) / jnp.sqrt(jnp.float32(D))  # [E, H]
    # edge_softmax: softmax over incoming edges per destination node
    emax = jax.ops.segment_max(e, dst, num_segments=N)
    ee = jnp.exp(e - emax[dst])
    denom = jax.ops.segment_sum(ee, dst, num_segments=N)
    a = ee / denom[dst]  # [E, H]
    # u_mul_e + sum aggregation
    m = v[src] * a[:, :, None]  # [E, H, DH]
    ft2 = jax.ops.segment_sum(m, dst, num_segments=N)  # [N, H, DH]
    rst = ft2.reshape(N, D) + feat
    rst = _layernorm(rst, ln_g, ln_b)
    h = _prelu(rst @ W1 + bf1, alpha)
    ffn = h @ W2 + bf2
    # NOTE: original module applies ln1 twice (ln2 is unused); kept faithful
    rst = _layernorm(rst + ffn, ln_g, ln_b)
    return rst

if __name__ == "__main__":
    import jax
    _d = setup_inputs()
    print(jax.jit(kernel)(*tuple(_d.values())))

</pallas_src>

<mosaic_0001>
#map = affine_map<(d0, d1) -> (0, 0)>
#map1 = affine_map<(d0, d1) -> (0)>
#map2 = affine_map<(d0, d1) -> (0, 0, 0)>
module attributes {stable_mosaic.version = 14 : i64} {
  func.func @_edge_body(%arg0: i32, %arg1: i32, %arg2: memref<10000x256xf32, #tpu.memory_space<hbm>>, %arg3: memref<10000x128xf32, #tpu.memory_space<hbm>>, %arg4: memref<320000xi32, #tpu.memory_space<hbm>>, %arg5: memref<320000xi32, #tpu.memory_space<hbm>>, %arg6: memref<2x10240x144xf32, #tpu.memory_space<hbm>>, %arg7: memref<10240x144xf32, #tpu.memory_space<vmem_shared>>, %arg8: memref<2x80xi32, #tpu.memory_space<vmem>>, %arg9: memref<2x40x256xf32, #tpu.memory_space<vmem>>, %arg10: memref<2x40x128xf32, #tpu.memory_space<vmem>>, %arg11: memref<40x144xf32, #tpu.memory_space<vmem>>, %arg12: memref<!tpu.dma_semaphore, #tpu.memory_space<semaphore_mem>>, %arg13: memref<!tpu.dma_semaphore, #tpu.memory_space<semaphore_mem>>, %arg14: memref<!tpu.dma_semaphore, #tpu.memory_space<semaphore_mem>>, %arg15: memref<!tpu.dma_semaphore, #tpu.memory_space<semaphore_mem>>, %arg16: memref<!tpu.dma_semaphore, #tpu.memory_space<semaphore_mem>>, %arg17: memref<!tpu.dma_semaphore, #tpu.memory_space<semaphore_mem>>) attributes {dimension_semantics = [#tpu.dimension_semantics<core_parallel>, #tpu.dimension_semantics<subcore_parallel>], iteration_bounds = array<i64: 2, 16>, scalar_prefetch = 0 : i64, scratch_operands = 11 : i64, tpu.core_type = #tpu.core_type<sc_vector_subcore>, window_params = [{transform_indices = #map}, {transform_indices = #map}, {transform_indices = #map1}, {transform_indices = #map1}, {transform_indices = #map2}]} {
    %scan3A = arith.constant 0 : i32
    %scan3A_0 = arith.constant 40 : i32
    %scan3A_1 = arith.addi %scan3A, %scan3A_0 : i32
    %scan3A_2 = arith.constant 1 : i32
    scf.for %scan3A_193 = %scan3A to %scan3A_1 step %scan3A_2  : i32 {
      %broadcast_in_dim3A_194 = arith.constant 0.000000e+00 : f32
      %broadcast_in_dim3A_195 = vector.broadcast %broadcast_in_dim3A_194 : f32 to vector<16xf32>
      %swap3A = arith.index_cast %scan3A_193 : i32 to index
      %swap3A_196 = arith.constant 0 : index
      %swap3A_197 = tpu.vector_load %arg11[%swap3A, %swap3A_196] {strides = array<i32>} : memref<40x144xf32, #tpu.memory_space<vmem>>, vector<1x16xf32>,
      %swap3A_198 = vector.shape_cast %swap3A_197 : vector<1x16xf32> to vector<16xf32>
      %swap3A_199 = vector.shape_cast %broadcast_in_dim3A_195 : vector<16xf32> to vector<1x16xf32>
      tpu.vector_store %arg11[%swap3A, %swap3A_196], %swap3A_199 {strides = array<i32>} : memref<40x144xf32, #tpu.memory_space<vmem>>, vector<1x16xf32>,
      %broadcast_in_dim3A_200 = arith.constant 0.000000e+00 : f32
      %broadcast_in_dim3A_201 = vector.broadcast %broadcast_in_dim3A_200 : f32 to vector<16xf32>
      %swap3A_202 = arith.index_cast %scan3A_193 : i32 to index
      %swap3A_203 = arith.constant 16 : index
      %swap3A_204 = tpu.vector_load %arg11[%swap3A_202, %swap3A_203] {strides = array<i32>} : memref<40x144xf32, #tpu.memory_space<vmem>>, vector<1x16xf32>,
      %swap3A_205 = vector.shape_cast %swap3A_204 : vector<1x16xf32> to vector<16xf32>
      %swap3A_206 = vector.shape_cast %broadcast_in_dim3A_201 : vector<16xf32> to vector<1x16xf32>
      tpu.vector_store %arg11[%swap3A_202, %swap3A_203], %swap3A_206 {strides = array<i32>} : memref<40x144xf32, #tpu.memory_space<vmem>>, vector<1x16xf32>,
      %broadcast_in_dim3A_207 = arith.constant 0.000000e+00 : f32
      %broadcast_in_dim3A_208 = vector.broadcast %broadcast_in_dim3A_207 : f32 to vector<16xf32>
      %swap3A_209 = arith.index_cast %scan3A_193 : i32 to index
      %swap3A_210 = arith.constant 32 : index
      %swap3A_211 = tpu.vector_load %arg11[%swap3A_209, %swap3A_210] {strides = array<i32>} : memref<40x144xf32, #tpu.memory_space<vmem>>, vector<1x16xf32>,
      %swap3A_212 = vector.shape_cast %swap3A_211 : vector<1x16xf32> to vector<16xf32>
      %swap3A_213 = vector.shape_cast %broadcast_in_dim3A_208 : vector<16xf32> to vector<1x16xf32>
      tpu.vector_store %arg11[%swap3A_209, %swap3A_210], %swap3A_213 {strides = array<i32>} : memref<40x144xf32, #tpu.memory_space<vmem>>, vector<1x16xf32>,
      %broadcast_in_dim3A_214 = arith.constant 0.000000e+00 : f32
      %broadcast_in_dim3A_215 = vector.broadcast %broadcast_in_dim3A_214 : f32 to vector<16xf32>
      %swap3A_216 = arith.index_cast %scan3A_193 : i32 to index
      %swap3A_217 = arith.constant 48 : index
      %swap3A_218 = tpu.vector_load %arg11[%swap3A_216, %swap3A_217] {strides = array<i32>} : memref<40x144xf32, #tpu.memory_space<vmem>>, vector<1x16xf32>,
      %swap3A_219 = vector.shape_cast %swap3A_218 : vector<1x16xf32> to vector<16xf32>
      %swap3A_220 = vector.shape_cast %broadcast_in_dim3A_215 : vector<16xf32> to vector<1x16xf32>
      tpu.vector_store %arg11[%swap3A_216, %swap3A_217], %swap3A_220 {strides = array<i32>} : memref<40x144xf32, #tpu.memory_space<vmem>>, vector<1x16xf32>,
      %broadcast_in_dim3A_221 = arith.constant 0.000000e+00 : f32
      %broadcast_in_dim3A_222 = vector.broadcast %broadcast_in_dim3A_221 : f32 to vector<16xf32>
      %swap3A_223 = arith.index_cast %scan3A_193 : i32 to index
      %swap3A_224 = arith.constant 64 : index
      %swap3A_225 = tpu.vector_load %arg11[%swap3A_223, %swap3A_224] {strides = array<i32>} : memref<40x144xf32, #tpu.memory_space<vmem>>, vector<1x16xf32>,
      %swap3A_226 = vector.shape_cast %swap3A_225 : vector<1x16xf32> to vector<16xf32>
      %swap3A_227 = vector.shape_cast %broadcast_in_dim3A_222 : vector<16xf32> to vector<1x16xf32>
      tpu.vector_store %arg11[%swap3A_223, %swap3A_224], %swap3A_227 {strides = array<i32>} : memref<40x144xf32, #tpu.memory_space<vmem>>, vector<1x16xf32>,
      %broadcast_in_dim3A_228 = arith.constant 0.000000e+00 : f32
      %broadcast_in_dim3A_229 = vector.broadcast %broadcast_in_dim3A_228 : f32 to vector<16xf32>
      %swap3A_230 = arith.index_cast %scan3A_193 : i32 to index
      %swap3A_231 = arith.constant 80 : index
      %swap3A_232 = tpu.vector_load %arg11[%swap3A_230, %swap3A_231] {strides = array<i32>} : memref<40x144xf32, #tpu.memory_space<vmem>>, vector<1x16xf32>,
      %swap3A_233 = vector.shape_cast %swap3A_232 : vector<1x16xf32> to vector<16xf32>
      %swap3A_234 = vector.shape_cast %broadcast_in_dim3A_229 : vector<16xf32> to vector<1x16xf32>
      tpu.vector_store %arg11[%swap3A_230, %swap3A_231], %swap3A_234 {strides = array<i32>} : memref<40x144xf32, #tpu.memory_space<vmem>>, vector<1x16xf32>,
      %broadcast_in_dim3A_235 = arith.constant 0.000000e+00 : f32
      %broadcast_in_dim3A_236 = vector.broadcast %broadcast_in_dim3A_235 : f32 to vector<16xf32>
      %swap3A_237 = arith.index_cast %scan3A_193 : i32 to index
      %swap3A_238 = arith.constant 96 : index
      %swap3A_239 = tpu.vector_load %arg11[%swap3A_237, %swap3A_238] {strides = array<i32>} : memref<40x144xf32, #tpu.memory_space<vmem>>, vector<1x16xf32>,
      %swap3A_240 = vector.shape_cast %swap3A_239 : vector<1x16xf32> to vector<16xf32>
      %swap3A_241 = vector.shape_cast %broadcast_in_dim3A_236 : vector<16xf32> to vector<1x16xf32>
      tpu.vector_store %arg11[%swap3A_237, %swap3A_238], %swap3A_241 {strides = array<i32>} : memref<40x144xf32, #tpu.memory_space<vmem>>, vector<1x16xf32>,
      %broadcast_in_dim3A_242 = arith.constant 0.000000e+00 : f32
      %broadcast_in_dim3A_243 = vector.broadcast %broadcast_in_dim3A_242 : f32 to vector<16xf32>
      %swap3A_244 = arith.index_cast %scan3A_193 : i32 to index
      %swap3A_245 = arith.constant 112 : index
      %swap3A_246 = tpu.vector_load %arg11[%swap3A_244, %swap3A_245] {strides = array<i32>} : memref<40x144xf32, #tpu.memory_space<vmem>>, vector<1x16xf32>,
      %swap3A_247 = vector.shape_cast %swap3A_246 : vector<1x16xf32> to vector<16xf32>
      %swap3A_248 = vector.shape_cast %broadcast_in_dim3A_243 : vector<16xf32> to vector<1x16xf32>
      tpu.vector_store %arg11[%swap3A_244, %swap3A_245], %swap3A_248 {strides = array<i32>} : memref<40x144xf32, #tpu.memory_space<vmem>>, vector<1x16xf32>,
      %broadcast_in_dim3A_249 = arith.constant 0.000000e+00 : f32
      %broadcast_in_dim3A_250 = vector.broadcast %broadcast_in_dim3A_249 : f32 to vector<16xf32>
      %swap3A_251 = arith.index_cast %scan3A_193 : i32 to index
      %swap3A_252 = arith.constant 128 : index
      %swap3A_253 = tpu.vector_load %arg11[%swap3A_251, %swap3A_252] {strides = array<i32>} : memref<40x144xf32, #tpu.memory_space<vmem>>, vector<1x16xf32>,
      %swap3A_254 = vector.shape_cast %swap3A_253 : vector<1x16xf32> to vector<16xf32>
      %swap3A_255 = vector.shape_cast %broadcast_in_dim3A_250 : vector<16xf32> to vector<1x16xf32>
      tpu.vector_store %arg11[%swap3A_251, %swap3A_252], %swap3A_255 {strides = array<i32>} : memref<40x144xf32, #tpu.memory_space<vmem>>, vector<1x16xf32>,
    }
    %scan3A_3 = arith.constant 40 : i32
    %scan3A_4 = arith.constant 0 : i32
    %scan3A_5 = arith.constant 16 : i32
    %scan3A_6 = arith.addi %scan3A_4, %scan3A_5 : i32
    %scan3A_7 = arith.constant 1 : i32
    scf.for %scan3A_193 = %scan3A_4 to %scan3A_6 step %scan3A_7  : i32 {
      %mul3A_194 = arith.constant 640 : i32
      %mul3A_195 = arith.muli %arg1, %mul3A_194 : i32
      %mul3A_196 = arith.constant 40 : i32
      %mul3A_197 = arith.muli %scan3A_193, %mul3A_196 : i32
      %add3A_198 = arith.addi %mul3A_195, %mul3A_197 : i32
      "tpu.region"() ({
        %run_scoped3A = tpu.sem_alloc : memref<!tpu.dma_semaphore, #tpu.memory_space<semaphore_mem>>
        %dma_start3A_199 = arith.constant 0 : i32
        %dma_start3A_200 = tpu.memref_slice %arg7[%add3A_198, %dma_start3A_199] : memref<10240x144xf32, #tpu.memory_space<vmem_shared>> -> memref<40x144xf32, #tpu.memory_space<vmem_shared>>
        %dma_start3A_201 = arith.constant 0 : i32
        %dma_start3A_202 = tpu.memref_slice %arg7[%add3A_198, %dma_start3A_201] : memref<10240x144xf32, #tpu.memory_space<vmem_shared>> -> memref<40x144xf32, #tpu.memory_space<vmem_shared>>
        tpu.enqueue_dma source(%arg11 : memref<40x144xf32, #tpu.memory_space<vmem>>) target(%dma_start3A_202 : memref<40x144xf32, #tpu.memory_space<vmem_shared>>) target_semaphore(%run_scoped3A : memref<!tpu.dma_semaphore, #tpu.memory_space<semaphore_mem>>)
        %dma_wait3A_203 = arith.constant 0 : i32
        %dma_wait3A_204 = tpu.memref_slice %arg7[%add3A_198, %dma_wait3A_203] : memref<10240x144xf32, #tpu.memory_space<vmem_shared>> -> memref<40x144xf32, #tpu.memory_space<vmem_shared>>
        %dma_wait3A_205 = arith.constant 0 : i32
        %dma_wait3A_206 = tpu.memref_slice %arg7[%add3A_198, %dma_wait3A_205] : memref<10240x144xf32, #tpu.memory_space<vmem_shared>> -> memref<40x144xf32, #tpu.memory_space<vmem_shared>>
        tpu.wait_dma2 semaphore(%run_scoped3A : memref<!tpu.dma_semaphore, #tpu.memory_space<semaphore_mem>>) src(%arg11 : memref<40x144xf32, #tpu.memory_space<vmem>>) dst(%dma_wait3A_206 : memref<40x144xf32, #tpu.memory_space<vmem_shared>>)
        tpu.yield
      }) : () -> ()
    }
    %scan3A_8 = arith.constant 16 : i32
    %barrier3A = arith.constant 0 : index
    tpu.barrier barrier_id(%barrier3A)
    %mul3A = arith.constant 2 : i32
    %mul3A_9 = arith.muli %arg1, %mul3A : i32
    %add3A = arith.addi %mul3A_9, %arg0 : i32
    %iota3A = tpu.iota {dimensions = array<i32: 0>} : vector<16xi32>
    %mul3A_10 = arith.constant 250 : i32
    %mul3A_11 = arith.muli %add3A, %mul3A_10 : i32
    %xor3A = arith.constant 8 : i32
    %xor3A_12 = vector.broadcast %xor3A : i32 to vector<16xi32>
    %xor3A_13 = arith.xori %iota3A, %xor3A_12 : vector<16xi32>
    %broadcast_in_dim3A = vector.shape_cast %xor3A_13 : vector<16xi32> to vector<16x1xi32>
    %xor3A_14 = arith.constant 4 : i32
    %xor3A_15 = vector.broadcast %xor3A_14 : i32 to vector<16xi32>
    %xor3A_16 = arith.xori %iota3A, %xor3A_15 : vector<16xi32>
    %broadcast_in_dim3A_17 = vector.shape_cast %xor3A_16 : vector<16xi32> to vector<16x1xi32>
    %xor3A_18 = arith.constant 2 : i32
    %xor3A_19 = vector.broadcast %xor3A_18 : i32 to vector<16xi32>
    %xor3A_20 = arith.xori %iota3A, %xor3A_19 : vector<16xi32>
    %broadcast_in_dim3A_21 = vector.shape_cast %xor3A_20 : vector<16xi32> to vector<16x1xi32>
    %xor3A_22 = arith.constant 1 : i32
    %xor3A_23 = vector.broadcast %xor3A_22 : i32 to vector<16xi32>
    %xor3A_24 = arith.xori %iota3A, %xor3A_23 : vector<16xi32>
    %broadcast_in_dim3A_25 = vector.shape_cast %xor3A_24 : vector<16xi32> to vector<16x1xi32>
    %and3A = arith.constant 8 : i32
    %and3A_26 = vector.broadcast %and3A : i32 to vector<16xi32>
    %and3A_27 = arith.andi %iota3A, %and3A_26 : vector<16xi32>
    %eq3A = arith.constant 0 : i32
    %eq3A_28 = vector.broadcast %eq3A : i32 to vector<16xi32>
    %eq3A_29 = arith.cmpi eq, %and3A_27, %eq3A_28 : vector<16xi32>
    %and3A_30 = arith.constant 4 : i32
    %and3A_31 = vector.broadcast %and3A_30 : i32 to vector<16xi32>
    %and3A_32 = arith.andi %iota3A, %and3A_31 : vector<16xi32>
    %eq3A_33 = arith.constant 0 : i32
    %eq3A_34 = vector.broadcast %eq3A_33 : i32 to vector<16xi32>
    %eq3A_35 = arith.cmpi eq, %and3A_32, %eq3A_34 : vector<16xi32>
    %and3A_36 = arith.constant 2 : i32
    %and3A_37 = vector.broadcast %and3A_36 : i32 to vector<16xi32>
    %and3A_38 = arith.andi %iota3A, %and3A_37 : vector<16xi32>
    %eq3A_39 = arith.constant 0 : i32
    %eq3A_40 = vector.broadcast %eq3A_39 : i32 to vector<16xi32>
    %eq3A_41 = arith.cmpi eq, %and3A_38, %eq3A_40 : vector<16xi32>
    %and3A_42 = arith.constant 7 : i32
    %and3A_43 = vector.broadcast %and3A_42 : i32 to vector<16xi32>
    %and3A_44 = arith.andi %iota3A, %and3A_43 : vector<16xi32>
    %shift_right_arithmetic3A = arith.constant 2 : i32
    %shift_right_arithmetic3A_45 = vector.broadcast %shift_right_arithmetic3A : i32 to vector<16xi32>
    %shift_right_arithmetic3A_46 = arith.shrsi %and3A_44, %shift_right_arithmetic3A_45 : vector<16xi32>
    %and3A_47 = arith.constant 1 : i32
    %and3A_48 = vector.broadcast %and3A_47 : i32 to vector<16xi32>
    %and3A_49 = arith.andi %shift_right_arithmetic3A_46, %and3A_48 : vector<16xi32>
    %mul3A_50 = arith.constant 2 : i32
    %mul3A_51 = vector.broadcast %mul3A_50 : i32 to vector<16xi32>
    %mul3A_52 = arith.muli %mul3A_51, %and3A_49 : vector<16xi32>
    %shift_right_arithmetic3A_53 = arith.constant 1 : i32
    %shift_right_arithmetic3A_54 = vector.broadcast %shift_right_arithmetic3A_53 : i32 to vector<16xi32>
    %shift_right_arithmetic3A_55 = arith.shrsi %and3A_44, %shift_right_arithmetic3A_54 : vector<16xi32>
    %and3A_56 = arith.constant 1 : i32
    %and3A_57 = vector.broadcast %and3A_56 : i32 to vector<16xi32>
    %and3A_58 = arith.andi %shift_right_arithmetic3A_55, %and3A_57 : vector<16xi32>
    %mul3A_59 = arith.constant 4 : i32
    %mul3A_60 = vector.broadcast %mul3A_59 : i32 to vector<16xi32>
    %mul3A_61 = arith.muli %mul3A_60, %and3A_58 : vector<16xi32>
    %add3A_62 = arith.addi %mul3A_52, %mul3A_61 : vector<16xi32>
    %and3A_63 = arith.constant 1 : i32
    %and3A_64 = vector.broadcast %and3A_63 : i32 to vector<16xi32>
    %and3A_65 = arith.andi %and3A_44, %and3A_64 : vector<16xi32>
    %mul3A_66 = arith.constant 8 : i32
    %mul3A_67 = vector.broadcast %mul3A_66 : i32 to vector<16xi32>
    %mul3A_68 = arith.muli %mul3A_67, %and3A_65 : vector<16xi32>
    %add3A_69 = arith.addi %add3A_62, %mul3A_68 : vector<16xi32>
    %broadcast_in_dim3A_70 = vector.shape_cast %add3A_69 : vector<16xi32> to vector<16x1xi32>
    %broadcast_in_dim3A_71 = arith.constant 0 : i32
    %broadcast_in_dim3A_72 = vector.broadcast %broadcast_in_dim3A_71 : i32 to vector<16xi32>
    %broadcast_in_dim3A_73 = vector.shape_cast %broadcast_in_dim3A_72 : vector<16xi32> to vector<16x1xi32>
    %broadcast_in_dim3A_74 = arith.constant 8 : i32
    %broadcast_in_dim3A_75 = vector.broadcast %broadcast_in_dim3A_74 : i32 to vector<16xi32>
    %broadcast_in_dim3A_76 = vector.shape_cast %broadcast_in_dim3A_75 : vector<16xi32> to vector<16x1xi32>
    %broadcast_in_dim3A_77 = arith.constant 4 : i32
    %broadcast_in_dim3A_78 = vector.broadcast %broadcast_in_dim3A_77 : i32 to vector<16xi32>
    %broadcast_in_dim3A_79 = vector.shape_cast %broadcast_in_dim3A_78 : vector<16xi32> to vector<16x1xi32>
    %broadcast_in_dim3A_80 = arith.constant 12 : i32
    %broadcast_in_dim3A_81 = vector.broadcast %broadcast_in_dim3A_80 : i32 to vector<16xi32>
    %broadcast_in_dim3A_82 = vector.shape_cast %broadcast_in_dim3A_81 : vector<16xi32> to vector<16x1xi32>
    %broadcast_in_dim3A_83 = arith.constant 2 : i32
    %broadcast_in_dim3A_84 = vector.broadcast %broadcast_in_dim3A_83 : i32 to vector<16xi32>
    %broadcast_in_dim3A_85 = vector.shape_cast %broadcast_in_dim3A_84 : vector<16xi32> to vector<16x1xi32>
    %broadcast_in_dim3A_86 = arith.constant 10 : i32
    %broadcast_in_dim3A_87 = vector.broadcast %broadcast_in_dim3A_86 : i32 to vector<16xi32>
    %broadcast_in_dim3A_88 = vector.shape_cast %broadcast_in_dim3A_87 : vector<16xi32> to vector<16x1xi32>
    %broadcast_in_dim3A_89 = arith.constant 6 : i32
    %broadcast_in_dim3A_90 = vector.broadcast %broadcast_in_dim3A_89 : i32 to vector<16xi32>
    %broadcast_in_dim3A_91 = vector.shape_cast %broadcast_in_dim3A_90 : vector<16xi32> to vector<16x1xi32>
    %broadcast_in_dim3A_92 = arith.constant 14 : i32
    %broadcast_in_dim3A_93 = vector.broadcast %broadcast_in_dim3A_92 : i32 to vector<16xi32>
    %broadcast_in_dim3A_94 = vector.shape_cast %broadcast_in_dim3A_93 : vector<16xi32> to vector<16x1xi32>
    %add3A_95 = arith.constant 0 : i32
    %add3A_96 = arith.addi %mul3A_11, %add3A_95 : i32
    %mul3A_97 = arith.constant 40 : i32
    %mul3A_98 = arith.muli %add3A_96, %mul3A_97 : i32
    %dma_start3A = arith.constant 0 : i32
    %dma_start3A_99 = arith.constant 0 : i32
    %dma_start3A_100 = tpu.memref_slice %arg8[%dma_start3A, %dma_start3A_99] : memref<2x80xi32, #tpu.memory_space<vmem>> -> memref<1x40xi32, #tpu.memory_space<vmem>>
    %dma_start3A_101 = tpu.memref_squeeze %dma_start3A_100 : memref<1x40xi32, #tpu.memory_space<vmem>> -> memref<40xi32, #tpu.memory_space<vmem>>
    %dma_start3A_102 = tpu.memref_slice %arg4[%mul3A_98] : memref<320000xi32, #tpu.memory_space<hbm>> -> memref<40xi32, #tpu.memory_space<hbm>>
    %dma_start3A_103 = arith.constant 0 : i32
    %dma_start3A_104 = tpu.memref_slice %arg8[%dma_start3A, %dma_start3A_103] : memref<2x80xi32, #tpu.memory_space<vmem>> -> memref<1x40xi32, #tpu.memory_space<vmem>>
    %dma_start3A_105 = tpu.memref_squeeze %dma_start3A_104 : memref<1x40xi32, #tpu.memory_space<vmem>> -> memref<40xi32, #tpu.memory_space<vmem>>
    %dma_start3A_106 = tpu.memref_slice %arg4[%mul3A_98] : memref<320000xi32, #tpu.memory_space<hbm>> -> memref<40xi32, #tpu.memory_space<hbm>>
    tpu.enqueue_dma source(%dma_start3A_106 : memref<40xi32, #tpu.memory_space<hbm>>) target(%dma_start3A_105 : memref<40xi32, #tpu.memory_space<vmem>>) target_semaphore(%arg12 : memref<!tpu.dma_semaphore, #tpu.memory_space<semaphore_mem>>)
    %dma_start3A_107 = arith.constant 0 : i32
    %dma_start3A_108 = arith.constant 40 : i32
    %dma_start3A_109 = tpu.memref_slice %arg8[%dma_start3A_107, %dma_start3A_108] : memref<2x80xi32, #tpu.memory_space<vmem>> -> memref<1x40xi32, #tpu.memory_space<vmem>>
    %dma_start3A_110 = tpu.memref_squeeze %dma_start3A_109 : memref<1x40xi32, #tpu.memory_space<vmem>> -> memref<40xi32, #tpu.memory_space<vmem>>
    %dma_start3A_111 = tpu.memref_slice %arg5[%mul3A_98] : memref<320000xi32, #tpu.memory_space<hbm>> -> memref<40xi32, #tpu.memory_space<hbm>>
    %dma_start3A_112 = arith.constant 40 : i32
    %dma_start3A_113 = tpu.memref_slice %arg8[%dma_start3A_107, %dma_start3A_112] : memref<2x80xi32, #tpu.memory_space<vmem>> -> memref<1x40xi32, #tpu.memory_space<vmem>>
    %dma_start3A_114 = tpu.memref_squeeze %dma_start3A_113 : memref<1x40xi32, #tpu.memory_space<vmem>> -> memref<40xi32, #tpu.memory_space<vmem>>
    %dma_start3A_115 = tpu.memref_slice %arg5[%mul3A_98] : memref<320000xi32, #tpu.memory_space<hbm>> -> memref<40xi32, #tpu.memory_space<hbm>>
    tpu.enqueue_dma source(%dma_start3A_115 : memref<40xi32, #tpu.memory_space<hbm>>) target(%dma_start3A_114 : memref<40xi32, #tpu.memory_space<vmem>>) target_semaphore(%arg12 : memref<!tpu.dma_semaphore, #tpu.memory_space<semaphore_mem>>)
    %dma_wait3A = arith.constant 0 : i32
    %dma_wait3A_116 = arith.constant 0 : i32
    %dma_wait3A_117 = tpu.memref_slice %arg8[%dma_wait3A, %dma_wait3A_116] : memref<2x80xi32, #tpu.memory_space<vmem>> -> memref<1x40xi32, #tpu.memory_space<vmem>>
    %dma_wait3A_118 = tpu.memref_squeeze %dma_wait3A_117 : memref<1x40xi32, #tpu.memory_space<vmem>> -> memref<40xi32, #tpu.memory_space<vmem>>
    %dma_wait3A_119 = arith.constant 0 : i32
    %dma_wait3A_120 = tpu.memref_slice %arg4[%dma_wait3A_119] : memref<320000xi32, #tpu.memory_space<hbm>> -> memref<40xi32, #tpu.memory_space<hbm>>
    %dma_wait3A_121 = arith.constant 0 : i32
    %dma_wait3A_122 = tpu.memref_slice %arg8[%dma_wait3A, %dma_wait3A_121] : memref<2x80xi32, #tpu.memory_space<vmem>> -> memref<1x40xi32, #tpu.memory_space<vmem>>
    %dma_wait3A_123 = tpu.memref_squeeze %dma_wait3A_122 : memref<1x40xi32, #tpu.memory_space<vmem>> -> memref<40xi32, #tpu.memory_space<vmem>>
    %dma_wait3A_124 = arith.constant 0 : i32
    %dma_wait3A_125 = tpu.memref_slice %arg4[%dma_wait3A_124] : memref<320000xi32, #tpu.memory_space<hbm>> -> memref<40xi32, #tpu.memory_space<hbm>>
    tpu.wait_dma2 semaphore(%arg12 : memref<!tpu.dma_semaphore, #tpu.memory_space<semaphore_mem>>) src(%dma_wait3A_125 : memref<40xi32, #tpu.memory_space<hbm>>) dst(%dma_wait3A_123 : memref<40xi32, #tpu.memory_space<vmem>>)
    %dma_wait3A_126 = arith.constant 0 : i32
    %dma_wait3A_127 = arith.constant 40 : i32
    %dma_wait3A_128 = tpu.memref_slice %arg8[%dma_wait3A_126, %dma_wait3A_127] : memref<2x80xi32, #tpu.memory_space<vmem>> -> memref<1x40xi32, #tpu.memory_space<vmem>>
    %dma_wait3A_129 = tpu.memref_squeeze %dma_wait3A_128 : memref<1x40xi32, #tpu.memory_space<vmem>> -> memref<40xi32, #tpu.memory_space<vmem>>
    %dma_wait3A_130 = arith.constant 0 : i32
    %dma_wait3A_131 = tpu.memref_slice %arg5[%dma_wait3A_130] : memref<320000xi32, #tpu.memory_space<hbm>> -> memref<40xi32, #tpu.memory_space<hbm>>
    %dma_wait3A_132 = arith.constant 40 : i32
    %dma_wait3A_133 = tpu.memref_slice %arg8[%dma_wait3A_126, %dma_wait3A_132] : memref<2x80xi32, #tpu.memory_space<vmem>> -> memref<1x40xi32, #tpu.memory_space<vmem>>
    %dma_wait3A_134 = tpu.memref_squeeze %dma_wait3A_133 : memref<1x40xi32, #tpu.memory_space<vmem>> -> memref<40xi32, #tpu.memory_space<vmem>>
    %dma_wait3A_135 = arith.constant 0 : i32
    %dma_wait3A_136 = tpu.memref_slice %arg5[%dma_wait3A_135] : memref<320000xi32, #tpu.memory_space<hbm>> -> memref<40xi32, #tpu.memory_space<hbm>>
    tpu.wait_dma2 semaphore(%arg12 : memref<!tpu.dma_semaphore, #tpu.memory_space<semaphore_mem>>) src(%dma_wait3A_136 : memref<40xi32, #tpu.memory_space<hbm>>) dst(%dma_wait3A_134 : memref<40xi32, #tpu.memory_space<vmem>>)
    %dma_start3A_137 = arith.constant 0 : i32
    %dma_start3A_138 = arith.constant 0 : i32
    %dma_start3A_139 = arith.constant 0 : i32
    %dma_start3A_140 = arith.constant 0 : i32
    %dma_start3A_141 = tpu.memref_slice %arg9[%dma_start3A_138, %dma_start3A_139, %dma_start3A_140] : memref<2x40x256xf32, #tpu.memory_space<vmem>> -> memref<1x40x256xf32, #tpu.memory_space<vmem>>
    %dma_start3A_142 = tpu.memref_squeeze %dma_start3A_141 : memref<1x40x256xf32, #tpu.memory_space<vmem>> -> memref<40x256xf32, #tpu.memory_space<vmem>>
    %dma_start3A_143 = arith.constant 0 : i32
    %dma_start3A_144 = tpu.memref_slice %arg8[%dma_start3A_137, %dma_start3A_143] : memref<2x80xi32, #tpu.memory_space<vmem>> -> memref<1x40xi32, #tpu.memory_space<vmem>>
    %dma_start3A_145 = tpu.memref_squeeze %dma_start3A_144 : memref<1x40xi32, #tpu.memory_space<vmem>> -> memref<40xi32, #tpu.memory_space<vmem>>
    %dma_start3A_146 = arith.constant 0 : i32
    %dma_start3A_147 = arith.constant 0 : i32
    %dma_start3A_148 = tpu.memref_slice %arg2[%dma_start3A_146, %dma_start3A_147] : memref<10000x256xf32, #tpu.memory_space<hbm>> -> memref<10000x256xf32, #tpu.memory_space<hbm>>
    tpu.enqueue_indirect_dma source(%dma_start3A_148 : memref<10000x256xf32, #tpu.memory_space<hbm>>) target(%dma_start3A_142 : memref<40x256xf32, #tpu.memory_space<vmem>>) offsets(%dma_start3A_145 : memref<40xi32, #tpu.memory_space<vmem>>) semaphore(%arg14 : memref<!tpu.dma_semaphore, #tpu.memory_space<semaphore_mem>>)
    %dma_start3A_149 = arith.constant 0 : i32
    %dma_start3A_150 = arith.constant 0 : i32
    %dma_start3A_151 = arith.constant 0 : i32
    %dma_start3A_152 = arith.constant 0 : i32
    %dma_start3A_153 = tpu.memref_slice %arg10[%dma_start3A_150, %dma_start3A_151, %dma_start3A_152] : memref<2x40x128xf32, #tpu.memory_space<vmem>> -> memref<1x40x128xf32, #tpu.memory_space<vmem>>
    %dma_start3A_154 = tpu.memref_squeeze %dma_start3A_153 : memref<1x40x128xf32, #tpu.memory_space<vmem>> -> memref<40x128xf32, #tpu.memory_space<vmem>>
    %dma_start3A_155 = arith.constant 40 : i32
    %dma_start3A_156 = tpu.memref_slice %arg8[%dma_start3A_149, %dma_start3A_155] : memref<2x80xi32, #tpu.memory_space<vmem>> -> memref<1x40xi32, #tpu.memory_space<vmem>>
    %dma_start3A_157 = tpu.memref_squeeze %dma_start3A_156 : memref<1x40xi32, #tpu.memory_space<vmem>> -> memref<40xi32, #tpu.memory_space<vmem>>
    %dma_start3A_158 = arith.constant 0 : i32
    %dma_start3A_159 = arith.constant 0 : i32
    %dma_start3A_160 = tpu.memref_slice %arg3[%dma_start3A_158, %dma_start3A_159] : memref<10000x128xf32, #tpu.memory_space<hbm>> -> memref<10000x128xf32, #tpu.memory_space<hbm>>
    tpu.enqueue_indirect_dma source(%dma_start3A_160 : memref<10000x128xf32, #tpu.memory_space<hbm>>) target(%dma_start3A_154 : memref<40x128xf32, #tpu.memory_space<vmem>>) offsets(%dma_start3A_157 : memref<40xi32, #tpu.memory_space<vmem>>) semaphore(%arg16 : memref<!tpu.dma_semaphore, #tpu.memory_space<semaphore_mem>>)
    %add3A_161 = arith.constant 1 : i32
    %add3A_162 = arith.addi %mul3A_11, %add3A_161 : i32
    %mul3A_163 = arith.constant 40 : i32
    %mul3A_164 = arith.muli %add3A_162, %mul3A_163 : i32
    %dma_start3A_165 = arith.constant 1 : i32
    %dma_start3A_166 = arith.constant 0 : i32
    %dma_start3A_167 = tpu.memref_slice %arg8[%dma_start3A_165, %dma_start3A_166] : memref<2x80xi32, #tpu.memory_space<vmem>> -> memref<1x40xi32, #tpu.memory_space<vmem>>
    %dma_start3A_168 = tpu.memref_squeeze %dma_start3A_167 : memref<1x40xi32, #tpu.memory_space<vmem>> -> memref<40xi32, #tpu.memory_space<vmem>>
    %dma_start3A_169 = tpu.memref_slice %arg4[%mul3A_164] : memref<320000xi32, #tpu.memory_space<hbm>> -> memref<40xi32, #tpu.memory_space<hbm>>
    %dma_start3A_170 = arith.constant 0 : i32
    %dma_start3A_171 = tpu.memref_slice %arg8[%dma_start3A_165, %dma_start3A_170] : memref<2x80xi32, #tpu.memory_space<vmem>> -> memref<1x40xi32, #tpu.memory_space<vmem>>
    %dma_start3A_172 = tpu.memref_squeeze %dma_start3A_171 : memref<1x40xi32, #tpu.memory_space<vmem>> -> memref<40xi32, #tpu.memory_space<vmem>>
    %dma_start3A_173 = tpu.memref_slice %arg4[%mul3A_164] : memref<320000xi32, #tpu.memory_space<hbm>> -> memref<40xi32, #tpu.memory_space<hbm>>
    tpu.enqueue_dma source(%dma_start3A_173 : memref<40xi32, #tpu.memory_space<hbm>>) target(%dma_start3A_172 : memref<40xi32, #tpu.memory_space<vmem>>) target_semaphore(%arg13 : memref<!tpu.dma_semaphore, #tpu.memory_space<semaphore_mem>>)
    %dma_start3A_174 = arith.constant 1 : i32
    %dma_start3A_175 = arith.constant 40 : i32
    %dma_start3A_176 = tpu.memref_slice %arg8[%dma_start3A_174, %dma_start3A_175] : memref<2x80xi32, #tpu.memory_space<vmem>> -> memref<1x40xi32, #tpu.memory_space<vmem>>
    %dma_start3A_177 = tpu.memref_squeeze %dma_start3A_176 : memref<1x40xi32, #tpu.memory_space<vmem>> -> memref<40xi32, #tpu.memory_space<vmem>>
    %dma_start3A_178 = tpu.memref_slice %arg5[%mul3A_164] : memref<320000xi32, #tpu.memory_space<hbm>> -> memref<40xi32, #tpu.memory_space<hbm>>
    %dma_start3A_179 = arith.constant 40 : i32
    %dma_start3A_180 = tpu.memref_slice %arg8[%dma_start3A_174, %dma_start3A_179] : memref<2x80xi32, #tpu.memory_space<vmem>> -> memref<1x40xi32, #tpu.memory_space<vmem>>
    %dma_start3A_181 = tpu.memref_squeeze %dma_start3A_180 : memref<1x40xi32, #tpu.memory_space<vmem>> -> memref<40xi32, #tpu.memory_space<vmem>>
    %dma_start3A_182 = tpu.memref_slice %arg5[%mul3A_164] : memref<320000xi32, #tpu.memory_space<hbm>> -> memref<40xi32, #tpu.memory_space<hbm>>
    tpu.enqueue_dma source(%dma_start3A_182 : memref<40xi32, #tpu.memory_space<hbm>>) target(%dma_start3A_181 : memref<40xi32, #tpu.memory_space<vmem>>) target_semaphore(%arg13 : memref<!tpu.dma_semaphore, #tpu.memory_space<semaphore_mem>>)
    %scan3A_183 = arith.constant 0 : i32
    %scan3A_184 = arith.constant 125 : i32
    %scan3A_185 = arith.addi %scan3A_183, %scan3A_184 : i32
    %scan3A_186 = arith.constant 1 : i32
    scf.for %scan3A_193 = %scan3A_183 to %scan3A_185 step %scan3A_186  : i32 {
      %mul3A_194 = arith.constant 2 : i32
      %mul3A_195 = arith.muli %mul3A_194, %scan3A_193 : i32
      %add3A_196 = arith.constant 1 : i32
      %add3A_197 = arith.addi %mul3A_195, %add3A_196 : i32
      %lt3A = arith.constant 250 : i32
      %lt3A_198 = arith.cmpi slt, %add3A_197, %lt3A : i32
      %convert_element_type3A = arith.extui %lt3A_198 : i1 to i32
      %cond3A = arith.constant 0 : i32
      %cond3A_199 = arith.cmpi ne, %convert_element_type3A, %cond3A : i32
      scf.if %cond3A_199 {
        %dma_wait3A_279 = arith.constant 1 : i32
        %dma_wait3A_280 = arith.constant 0 : i32
        %dma_wait3A_281 = tpu.memref_slice %arg8[%dma_wait3A_279, %dma_wait3A_280] : memref<2x80xi32, #tpu.memory_space<vmem>> -> memref<1x40xi32, #tpu.memory_space<vmem>>
        %dma_wait3A_282 = tpu.memref_squeeze %dma_wait3A_281 : memref<1x40xi32, #tpu.memory_space<vmem>> -> memref<40xi32, #tpu.memory_space<vmem>>
        %dma_wait3A_283 = arith.constant 0 : i32
        %dma_wait3A_284 = tpu.memref_slice %arg4[%dma_wait3A_283] : memref<320000xi32, #tpu.memory_space<hbm>> -> memref<40xi32, #tpu.memory_space<hbm>>
        %dma_wait3A_285 = arith.constant 0 : i32
        %dma_wait3A_286 = tpu.memref_slice %arg8[%dma_wait3A_279, %dma_wait3A_285] : memref<2x80xi32, #tpu.memory_space<vmem>> -> memref<1x40xi32, #tpu.memory_space<vmem>>
        %dma_wait3A_287 = tpu.memref_squeeze %dma_wait3A_286 : memref<1x40xi32, #tpu.memory_space<vmem>> -> memref<40xi32, #tpu.memory_space<vmem>>
        %dma_wait3A_288 = arith.constant 0 : i32
        %dma_wait3A_289 = tpu.memref_slice %arg4[%dma_wait3A_288] : memref<320000xi32, #tpu.memory_space<hbm>> -> memref<40xi32, #tpu.memory_space<hbm>>
        tpu.wait_dma2 semaphore(%arg13 : memref<!tpu.dma_semaphore, #tpu.memory_space<semaphore_mem>>) src(%dma_wait3A_289 : memref<40xi32, #tpu.memory_space<hbm>>) dst(%dma_wait3A_287 : memref<40xi32, #tpu.memory_space<vmem>>)
        %dma_wait3A_290 = arith.constant 1 : i32
        %dma_wait3A_291 = arith.constant 40 : i32
        %dma_wait3A_292 = tpu.memref_slice %arg8[%dma_wait3A_290, %dma_wait3A_291] : memref<2x80xi32, #tpu.memory_space<vmem>> -> memref<1x40xi32, #tpu.memory_space<vmem>>
        %dma_wait3A_293 = tpu.memref_squeeze %dma_wait3A_292 : memref<1x40xi32, #tpu.memory_space<vmem>> -> memref<40xi32, #tpu.memory_space<vmem>>
        %dma_wait3A_294 = arith.constant 0 : i32
        %dma_wait3A_295 = tpu.memref_slice %arg5[%dma_wait3A_294] : memref<320000xi32, #tpu.memory_space<hbm>> -> memref<40xi32, #tpu.memory_space<hbm>>
        %dma_wait3A_296 = arith.constant 40 : i32
        %dma_wait3A_297 = tpu.memref_slice %arg8[%dma_wait3A_290, %dma_wait3A_296] : memref<2x80xi32, #tpu.memory_space<vmem>> -> memref<1x40xi32, #tpu.memory_space<vmem>>
        %dma_wait3A_298 = tpu.memref_squeeze %dma_wait3A_297 : memref<1x40xi32, #tpu.memory_space<vmem>> -> memref<40xi32, #tpu.memory_space<vmem>>
        %dma_wait3A_299 = arith.constant 0 : i32
        %dma_wait3A_300 = tpu.memref_slice %arg5[%dma_wait3A_299] : memref<320000xi32, #tpu.memory_space<hbm>> -> memref<40xi32, #tpu.memory_space<hbm>>
        tpu.wait_dma2 semaphore(%arg13 : memref<!tpu.dma_semaphore, #tpu.memory_space<semaphore_mem>>) src(%dma_wait3A_300 : memref<40xi32, #tpu.memory_space<hbm>>) dst(%dma_wait3A_298 : memref<40xi32, #tpu.memory_space<vmem>>)
        %dma_start3A_301 = arith.constant 1 : i32
        %dma_start3A_302 = arith.constant 1 : i32
        %dma_start3A_303 = arith.constant 0 : i32
        %dma_start3A_304 = arith.constant 0 : i32
        %dma_start3A_305 = tpu.memref_slice %arg9[%dma_start3A_302, %dma_start3A_303, %dma_start3A_304] : memref<2x40x256xf32, #tpu.memory_space<vmem>> -> memref<1x40x256xf32, #tpu.memory_space<vmem>>
        %dma_start3A_306 = tpu.memref_squeeze %dma_start3A_305 : memref<1x40x256xf32, #tpu.memory_space<vmem>> -> memref<40x256xf32, #tpu.memory_space<vmem>>
        %dma_start3A_307 = arith.constant 0 : i32
        %dma_start3A_308 = tpu.memref_slice %arg8[%dma_start3A_301, %dma_start3A_307] : memref<2x80xi32, #tpu.memory_space<vmem>> -> memref<1x40xi32, #tpu.memory_space<vmem>>
        %dma_start3A_309 = tpu.memref_squeeze %dma_start3A_308 : memref<1x40xi32, #tpu.memory_space<vmem>> -> memref<40xi32, #tpu.memory_space<vmem>>
        %dma_start3A_310 = arith.constant 0 : i32
        %dma_start3A_311 = arith.constant 0 : i32
        %dma_start3A_312 = tpu.memref_slice %arg2[%dma_start3A_310, %dma_start3A_311] : memref<10000x256xf32, #tpu.memory_space<hbm>> -> memref<10000x256xf32, #tpu.memory_space<hbm>>
        tpu.enqueue_indirect_dma source(%dma_start3A_312 : memref<10000x256xf32, #tpu.memory_space<hbm>>) target(%dma_start3A_306 : memref<40x256xf32, #tpu.memory_space<vmem>>) offsets(%dma_start3A_309 : memref<40xi32, #tpu.memory_space<vmem>>) semaphore(%arg15 : memref<!tpu.dma_semaphore, #tpu.memory_space<semaphore_mem>>)
        %dma_start3A_313 = arith.constant 1 : i32
        %dma_start3A_314 = arith.constant 1 : i32
        %dma_start3A_315 = arith.constant 0 : i32
        %dma_start3A_316 = arith.constant 0 : i32
        %dma_start3A_317 = tpu.memref_slice %arg10[%dma_start3A_314, %dma_start3A_315, %dma_start3A_316] : memref<2x40x128xf32, #tpu.memory_space<vmem>> -> memref<1x40x128xf32, #tpu.memory_space<vmem>>
        %dma_start3A_318 = tpu.memref_squeeze %dma_start3A_317 : memref<1x40x128xf32, #tpu.memory_space<vmem>> -> memref<40x128xf32, #tpu.memory_space<vmem>>
        %dma_start3A_319 = arith.constant 40 : i32
        %dma_start3A_320 = tpu.memref_slice %arg8[%dma_start3A_313, %dma_start3A_319] : memref<2x80xi32, #tpu.memory_space<vmem>> -> memref<1x40xi32, #tpu.memory_space<vmem>>
        %dma_start3A_321 = tpu.memref_squeeze %dma_start3A_320 : memref<1x40xi32, #tpu.memory_space<vmem>> -> memref<40xi32, #tpu.memory_space<vmem>>
        %dma_start3A_322 = arith.constant 0 : i32
        %dma_start3A_323 = arith.constant 0 : i32
        %dma_start3A_324 = tpu.memref_slice %arg3[%dma_start3A_322, %dma_start3A_323] : memref<10000x128xf32, #tpu.memory_space<hbm>> -> memref<10000x128xf32, #tpu.memory_space<hbm>>
        tpu.enqueue_indirect_dma source(%dma_start3A_324 : memref<10000x128xf32, #tpu.memory_space<hbm>>) target(%dma_start3A_318 : memref<40x128xf32, #tpu.memory_space<vmem>>) offsets(%dma_start3A_321 : memref<40xi32, #tpu.memory_space<vmem>>) semaphore(%arg17 : memref<!tpu.dma_semaphore, #tpu.memory_space<semaphore_mem>>)
      } else {
      }
      %dma_wait3A_200 = arith.constant 0 : i32
      %dma_wait3A_201 = arith.constant 0 : i32
      %dma_wait3A_202 = arith.constant 0 : i32
      %dma_wait3A_203 = arith.constant 0 : i32
      %dma_wait3A_204 = tpu.memref_slice %arg9[%dma_wait3A_201, %dma_wait3A_202, %dma_wait3A_203] : memref<2x40x256xf32, #tpu.memory_space<vmem>> -> memref<1x40x256xf32, #tpu.memory_space<vmem>>
      %dma_wait3A_205 = tpu.memref_squeeze %dma_wait3A_204 : memref<1x40x256xf32, #tpu.memory_space<vmem>> -> memref<40x256xf32, #tpu.memory_space<vmem>>
      %dma_wait3A_206 = arith.constant 0 : i32
      %dma_wait3A_207 = tpu.memref_slice %arg8[%dma_wait3A_200, %dma_wait3A_206] : memref<2x80xi32, #tpu.memory_space<vmem>> -> memref<1x40xi32, #tpu.memory_space<vmem>>
      %dma_wait3A_208 = tpu.memref_squeeze %dma_wait3A_207 : memref<1x40xi32, #tpu.memory_space<vmem>> -> memref<40xi32, #tpu.memory_space<vmem>>
      %dma_wait3A_209 = arith.constant 0 : i32
      %dma_wait3A_210 = arith.constant 0 : i32
      %dma_wait3A_211 = tpu.memref_slice %arg2[%dma_wait3A_209, %dma_wait3A_210] : memref<10000x256xf32, #tpu.memory_space<hbm>> -> memref<10000x256xf32, #tpu.memory_space<hbm>>
      tpu.wait_indirect_dma semaphore(%arg14 : memref<!tpu.dma_semaphore, #tpu.memory_space<semaphore_mem>>) src(%dma_wait3A_211 : memref<10000x256xf32, #tpu.memory_space<hbm>>) dst(%dma_wait3A_205 : memref<40x256xf32, #tpu.memory_space<vmem>>)
      %dma_wait3A_212 = arith.constant 0 : i32
      %dma_wait3A_213 = arith.constant 0 : i32
      %dma_wait3A_214 = arith.constant 0 : i32
      %dma_wait3A_215 = arith.constant 0 : i32
      %dma_wait3A_216 = tpu.memref_slice %arg10[%dma_wait3A_213, %dma_wait3A_214, %dma_wait3A_215] : memref<2x40x128xf32, #tpu.memory_space<vmem>> -> memref<1x40x128xf32, #tpu.memory_space<vmem>>
      %dma_wait3A_217 = tpu.memref_squeeze %dma_wait3A_216 : memref<1x40x128xf32, #tpu.memory_space<vmem>> -> memref<40x128xf32, #tpu.memory_space<vmem>>
      %dma_wait3A_218 = arith.constant 40 : i32
      %dma_wait3A_219 = tpu.memref_slice %arg8[%dma_wait3A_212, %dma_wait3A_218] : memref<2x80xi32, #tpu.memory_space<vmem>> -> memref<1x40xi32, #tpu.memory_space<vmem>>
      %dma_wait3A_220 = tpu.memref_squeeze %dma_wait3A_219 : memref<1x40xi32, #tpu.memory_space<vmem>> -> memref<40xi32, #tpu.memory_space<vmem>>
      %dma_wait3A_221 = arith.constant 0 : i32
      %dma_wait3A_222 = arith.constant 0 : i32
      %dma_wait3A_223 = tpu.memref_slice %arg3[%dma_wait3A_221, %dma_wait3A_222] : memref<10000x128xf32, #tpu.memory_space<hbm>> -> memref<10000x128xf32, #tpu.memory_space<hbm>>
      tpu.wait_indirect_dma semaphore(%arg16 : memref<!tpu.dma_semaphore, #tpu.memory_space<semaphore_mem>>) src(%dma_wait3A_223 : memref<10000x128xf32, #tpu.memory_space<hbm>>) dst(%dma_wait3A_217 : memref<40x128xf32, #tpu.memory_space<vmem>>)
      %parallel_loop3A = arith.constant 0 : i32
      %parallel_loop3A_224 = arith.constant 40 : i32
      %parallel_loop3A_225 = arith.constant 1 : i32
      scf.for %parallel_loop3A_279 = %parallel_loop3A to %parallel_loop3A_224 step %parallel_loop3A_225  : i32 {
        %parallel_loop3A_280 = arith.constant 0 : i32
        %parallel_loop3A_281 = arith.index_cast %parallel_loop3A_280 : i32 to index
        %parallel_loop3A_282 = arith.index_cast %parallel_loop3A_279 : i32 to index
        %parallel_loop3A_283 = arith.constant 0 : index
        %parallel_loop3A_284 = tpu.vector_load %arg9[%parallel_loop3A_281, %parallel_loop3A_282, %parallel_loop3A_283] {strides = array<i32>} : memref<2x40x256xf32, #tpu.memory_space<vmem>>, vector<1x1x16xf32>,
        %parallel_loop3A_285 = vector.shape_cast %parallel_loop3A_284 : vector<1x1x16xf32> to vector<16xf32>
        %parallel_loop3A_286 = arith.constant 0 : i32
        %parallel_loop3A_287 = arith.index_cast %parallel_loop3A_286 : i32 to index
        %parallel_loop3A_288 = arith.index_cast %parallel_loop3A_279 : i32 to index
        %parallel_loop3A_289 = arith.constant 0 : index
        %parallel_loop3A_290 = tpu.vector_load %arg10[%parallel_loop3A_287, %parallel_loop3A_288, %parallel_loop3A_289] {strides = array<i32>} : memref<2x40x128xf32, #tpu.memory_space<vmem>>, vector<1x1x16xf32>,
        %parallel_loop3A_291 = vector.shape_cast %parallel_loop3A_290 : vector<1x1x16xf32> to vector<16xf32>
        %parallel_loop3A_292 = arith.mulf %parallel_loop3A_285, %parallel_loop3A_291 : vector<16xf32>
        %parallel_loop3A_293 = arith.constant 0 : i32
        %parallel_loop3A_294 = arith.index_cast %parallel_loop3A_293 : i32 to index
        %parallel_loop3A_295 = arith.index_cast %parallel_loop3A_279 : i32 to index
        %parallel_loop3A_296 = arith.constant 16 : index
        %parallel_loop3A_297 = tpu.vector_load %arg9[%parallel_loop3A_294, %parallel_loop3A_295, %parallel_loop3A_296] {strides = array<i32>} : memref<2x40x256xf32, #tpu.memory_space<vmem>>, vector<1x1x16xf32>,
        %parallel_loop3A_298 = vector.shape_cast %parallel_loop3A_297 : vector<1x1x16xf32> to vector<16xf32>
        %parallel_loop3A_299 = arith.constant 0 : i32
        %parallel_loop3A_300 = arith.index_cast %parallel_loop3A_299 : i32 to index
        %parallel_loop3A_301 = arith.index_cast %parallel_loop3A_279 : i32 to index
        %parallel_loop3A_302 = arith.constant 16 : index
        %parallel_loop3A_303 = tpu.vector_load %arg10[%parallel_loop3A_300, %parallel_loop3A_301, %parallel_loop3A_302] {strides = array<i32>} : memref<2x40x128xf32, #tpu.memory_space<vmem>>, vector<1x1x16xf32>,
        %parallel_loop3A_304 = vector.shape_cast %parallel_loop3A_303 : vector<1x1x16xf32> to vector<16xf32>
        %parallel_loop3A_305 = arith.mulf %parallel_loop3A_298, %parallel_loop3A_304 : vector<16xf32>
        %parallel_loop3A_306 = arith.constant 0 : i32
        %parallel_loop3A_307 = arith.index_cast %parallel_loop3A_306 : i32 to index
        %parallel_loop3A_308 = arith.index_cast %parallel_loop3A_279 : i32 to index
        %parallel_loop3A_309 = arith.constant 32 : index
        %parallel_loop3A_310 = tpu.vector_load %arg9[%parallel_loop3A_307, %parallel_loop3A_308, %parallel_loop3A_309] {strides = array<i32>} : memref<2x40x256xf32, #tpu.memory_space<vmem>>, vector<1x1x16xf32>,
        %parallel_loop3A_311 = vector.shape_cast %parallel_loop3A_310 : vector<1x1x16xf32> to vector<16xf32>
        %parallel_loop3A_312 = arith.constant 0 : i32
        %parallel_loop3A_313 = arith.index_cast %parallel_loop3A_312 : i32 to index
        %parallel_loop3A_314 = arith.index_cast %parallel_loop3A_279 : i32 to index
        %parallel_loop3A_315 = arith.constant 32 : index
        %parallel_loop3A_316 = tpu.vector_load %arg10[%parallel_loop3A_313, %parallel_loop3A_314, %parallel_loop3A_315] {strides = array<i32>} : memref<2x40x128xf32, #tpu.memory_space<vmem>>, vector<1x1x16xf32>,
        %parallel_loop3A_317 = vector.shape_cast %parallel_loop3A_316 : vector<1x1x16xf32> to vector<16xf32>
        %parallel_loop3A_318 = arith.mulf %parallel_loop3A_311, %parallel_loop3A_317 : vector<16xf32>
        %parallel_loop3A_319 = arith.constant 0 : i32
        %parallel_loop3A_320 = arith.index_cast %parallel_loop3A_319 : i32 to index
        %parallel_loop3A_321 = arith.index_cast %parallel_loop3A_279 : i32 to index
        %parallel_loop3A_322 = arith.constant 48 : index
        %parallel_loop3A_323 = tpu.vector_load %arg9[%parallel_loop3A_320, %parallel_loop3A_321, %parallel_loop3A_322] {strides = array<i32>} : memref<2x40x256xf32, #tpu.memory_space<vmem>>, vector<1x1x16xf32>,
        %parallel_loop3A_324 = vector.shape_cast %parallel_loop3A_323 : vector<1x1x16xf32> to vector<16xf32>
        %parallel_loop3A_325 = arith.constant 0 : i32
        %parallel_loop3A_326 = arith.index_cast %parallel_loop3A_325 : i32 to index
        %parallel_loop3A_327 = arith.index_cast %parallel_loop3A_279 : i32 to index
        %parallel_loop3A_328 = arith.constant 48 : index
        %parallel_loop3A_329 = tpu.vector_load %arg10[%parallel_loop3A_326, %parallel_loop3A_327, %parallel_loop3A_328] {strides = array<i32>} : memref<2x40x128xf32, #tpu.memory_space<vmem>>, vector<1x1x16xf32>,
        %parallel_loop3A_330 = vector.shape_cast %parallel_loop3A_329 : vector<1x1x16xf32> to vector<16xf32>
        %parallel_loop3A_331 = arith.mulf %parallel_loop3A_324, %parallel_loop3A_330 : vector<16xf32>
        %parallel_loop3A_332 = arith.constant 0 : i32
        %parallel_loop3A_333 = arith.index_cast %parallel_loop3A_332 : i32 to index
        %parallel_loop3A_334 = arith.index_cast %parallel_loop3A_279 : i32 to index
        %parallel_loop3A_335 = arith.constant 64 : index
        %parallel_loop3A_336 = tpu.vector_load %arg9[%parallel_loop3A_333, %parallel_loop3A_334, %parallel_loop3A_335] {strides = array<i32>} : memref<2x40x256xf32, #tpu.memory_space<vmem>>, vector<1x1x16xf32>,
        %parallel_loop3A_337 = vector.shape_cast %parallel_loop3A_336 : vector<1x1x16xf32> to vector<16xf32>
        %parallel_loop3A_338 = arith.constant 0 : i32
        %parallel_loop3A_339 = arith.index_cast %parallel_loop3A_338 : i32 to index
        %parallel_loop3A_340 = arith.index_cast %parallel_loop3A_279 : i32 to index
        %parallel_loop3A_341 = arith.constant 64 : index
        %parallel_loop3A_342 = tpu.vector_load %arg10[%parallel_loop3A_339, %parallel_loop3A_340, %parallel_loop3A_341] {strides = array<i32>} : memref<2x40x128xf32, #tpu.memory_space<vmem>>, vector<1x1x16xf32>,
        %parallel_loop3A_343 = vector.shape_cast %parallel_loop3A_342 : vector<1x1x16xf32> to vector<16xf32>
        %parallel_loop3A_344 = arith.mulf %parallel_loop3A_337, %parallel_loop3A_343 : vector<16xf32>
        %parallel_loop3A_345 = arith.constant 0 : i32
        %parallel_loop3A_346 = arith.index_cast %parallel_loop3A_345 : i32 to index
        %parallel_loop3A_347 = arith.index_cast %parallel_loop3A_279 : i32 to index
        %parallel_loop3A_348 = arith.constant 80 : index
        %parallel_loop3A_349 = tpu.vector_load %arg9[%parallel_loop3A_346, %parallel_loop3A_347, %parallel_loop3A_348] {strides = array<i32>} : memref<2x40x256xf32, #tpu.memory_space<vmem>>, vector<1x1x16xf32>,
        %parallel_loop3A_350 = vector.shape_cast %parallel_loop3A_349 : vector<1x1x16xf32> to vector<16xf32>
        %parallel_loop3A_351 = arith.constant 0 : i32
        %parallel_loop3A_352 = arith.index_cast %parallel_loop3A_351 : i32 to index
        %parallel_loop3A_353 = arith.index_cast %parallel_loop3A_279 : i32 to index
        %parallel_loop3A_354 = arith.constant 80 : index
        %parallel_loop3A_355 = tpu.vector_load %arg10[%parallel_loop3A_352, %parallel_loop3A_353, %parallel_loop3A_354] {strides = array<i32>} : memref<2x40x128xf32, #tpu.memory_space<vmem>>, vector<1x1x16xf32>,
        %parallel_loop3A_356 = vector.shape_cast %parallel_loop3A_355 : vector<1x1x16xf32> to vector<16xf32>
        %parallel_loop3A_357 = arith.mulf %parallel_loop3A_350, %parallel_loop3A_356 : vector<16xf32>
        %parallel_loop3A_358 = arith.constant 0 : i32
        %parallel_loop3A_359 = arith.index_cast %parallel_loop3A_358 : i32 to index
        %parallel_loop3A_360 = arith.index_cast %parallel_loop3A_279 : i32 to index
        %parallel_loop3A_361 = arith.constant 96 : index
        %parallel_loop3A_362 = tpu.vector_load %arg9[%parallel_loop3A_359, %parallel_loop3A_360, %parallel_loop3A_361] {strides = array<i32>} : memref<2x40x256xf32, #tpu.memory_space<vmem>>, vector<1x1x16xf32>,
        %parallel_loop3A_363 = vector.shape_cast %parallel_loop3A_362 : vector<1x1x16xf32> to vector<16xf32>
        %parallel_loop3A_364 = arith.constant 0 : i32
        %parallel_loop3A_365 = arith.index_cast %parallel_loop3A_364 : i32 to index
        %parallel_loop3A_366 = arith.index_cast %parallel_loop3A_279 : i32 to index
        %parallel_loop3A_367 = arith.constant 96 : index
        %parallel_loop3A_368 = tpu.vector_load %arg10[%parallel_loop3A_365, %parallel_loop3A_366, %parallel_loop3A_367] {strides = array<i32>} : memref<2x40x128xf32, #tpu.memory_space<vmem>>, vector<1x1x16xf32>,
        %parallel_loop3A_369 = vector.shape_cast %parallel_loop3A_368 : vector<1x1x16xf32> to vector<16xf32>
        %parallel_loop3A_370 = arith.mulf %parallel_loop3A_363, %parallel_loop3A_369 : vector<16xf32>
        %parallel_loop3A_371 = arith.constant 0 : i32
        %parallel_loop3A_372 = arith.index_cast %parallel_loop3A_371 : i32 to index
        %parallel_loop3A_373 = arith.index_cast %parallel_loop3A_279 : i32 to index
        %parallel_loop3A_374 = arith.constant 112 : index
        %parallel_loop3A_375 = tpu.vector_load %arg9[%parallel_loop3A_372, %parallel_loop3A_373, %parallel_loop3A_374] {strides = array<i32>} : memref<2x40x256xf32, #tpu.memory_space<vmem>>, vector<1x1x16xf32>,
        %parallel_loop3A_376 = vector.shape_cast %parallel_loop3A_375 : vector<1x1x16xf32> to vector<16xf32>
        %parallel_loop3A_377 = arith.constant 0 : i32
        %parallel_loop3A_378 = arith.index_cast %parallel_loop3A_377 : i32 to index
        %parallel_loop3A_379 = arith.index_cast %parallel_loop3A_279 : i32 to index
        %parallel_loop3A_380 = arith.constant 112 : index
        %parallel_loop3A_381 = tpu.vector_load %arg10[%parallel_loop3A_378, %parallel_loop3A_379, %parallel_loop3A_380] {strides = array<i32>} : memref<2x40x128xf32, #tpu.memory_space<vmem>>, vector<1x1x16xf32>,
        %parallel_loop3A_382 = vector.shape_cast %parallel_loop3A_381 : vector<1x1x16xf32> to vector<16xf32>
        %parallel_loop3A_383 = arith.mulf %parallel_loop3A_376, %parallel_loop3A_382 : vector<16xf32>
        %parallel_loop3A_384 = vector.shape_cast %broadcast_in_dim3A : vector<16x1xi32> to vector<16xi32>
        %parallel_loop3A_385 = tpu.dynamic_gather %parallel_loop3A_292[%parallel_loop3A_384] in [0] : vector<16xf32>, vector<16xi32> -> vector<16xf32>
        %parallel_loop3A_386 = arith.addf %parallel_loop3A_292, %parallel_loop3A_385 : vector<16xf32>
        %parallel_loop3A_387 = vector.shape_cast %broadcast_in_dim3A : vector<16x1xi32> to vector<16xi32>
        %parallel_loop3A_388 = tpu.dynamic_gather %parallel_loop3A_305[%parallel_loop3A_387] in [0] : vector<16xf32>, vector<16xi32> -> vector<16xf32>
        %parallel_loop3A_389 = arith.addf %parallel_loop3A_305, %parallel_loop3A_388 : vector<16xf32>
        %parallel_loop3A_390 = vector.shape_cast %broadcast_in_dim3A : vector<16x1xi32> to vector<16xi32>
        %parallel_loop3A_391 = tpu.dynamic_gather %parallel_loop3A_318[%parallel_loop3A_390] in [0] : vector<16xf32>, vector<16xi32> -> vector<16xf32>
        %parallel_loop3A_392 = arith.addf %parallel_loop3A_318, %parallel_loop3A_391 : vector<16xf32>
        %parallel_loop3A_393 = vector.shape_cast %broadcast_in_dim3A : vector<16x1xi32> to vector<16xi32>
        %parallel_loop3A_394 = tpu.dynamic_gather %parallel_loop3A_331[%parallel_loop3A_393] in [0] : vector<16xf32>, vector<16xi32> -> vector<16xf32>
        %parallel_loop3A_395 = arith.addf %parallel_loop3A_331, %parallel_loop3A_394 : vector<16xf32>
        %parallel_loop3A_396 = vector.shape_cast %broadcast_in_dim3A : vector<16x1xi32> to vector<16xi32>
        %parallel_loop3A_397 = tpu.dynamic_gather %parallel_loop3A_344[%parallel_loop3A_396] in [0] : vector<16xf32>, vector<16xi32> -> vector<16xf32>
        %parallel_loop3A_398 = arith.addf %parallel_loop3A_344, %parallel_loop3A_397 : vector<16xf32>
        %parallel_loop3A_399 = vector.shape_cast %broadcast_in_dim3A : vector<16x1xi32> to vector<16xi32>
        %parallel_loop3A_400 = tpu.dynamic_gather %parallel_loop3A_357[%parallel_loop3A_399] in [0] : vector<16xf32>, vector<16xi32> -> vector<16xf32>
        %parallel_loop3A_401 = arith.addf %parallel_loop3A_357, %parallel_loop3A_400 : vector<16xf32>
        %parallel_loop3A_402 = vector.shape_cast %broadcast_in_dim3A : vector<16x1xi32> to vector<16xi32>
        %parallel_loop3A_403 = tpu.dynamic_gather %parallel_loop3A_370[%parallel_loop3A_402] in [0] : vector<16xf32>, vector<16xi32> -> vector<16xf32>
        %parallel_loop3A_404 = arith.addf %parallel_loop3A_370, %parallel_loop3A_403 : vector<16xf32>
        %parallel_loop3A_405 = vector.shape_cast %broadcast_in_dim3A : vector<16x1xi32> to vector<16xi32>
        %parallel_loop3A_406 = tpu.dynamic_gather %parallel_loop3A_383[%parallel_loop3A_405] in [0] : vector<16xf32>, vector<16xi32> -> vector<16xf32>
        %parallel_loop3A_407 = arith.addf %parallel_loop3A_383, %parallel_loop3A_406 : vector<16xf32>
        %parallel_loop3A_408 = arith.select %eq3A_29, %parallel_loop3A_386, %parallel_loop3A_389 : vector<16xi1>, vector<16xf32>
        %parallel_loop3A_409 = arith.select %eq3A_29, %parallel_loop3A_392, %parallel_loop3A_395 : vector<16xi1>, vector<16xf32>
        %parallel_loop3A_410 = arith.select %eq3A_29, %parallel_loop3A_398, %parallel_loop3A_401 : vector<16xi1>, vector<16xf32>
        %parallel_loop3A_411 = arith.select %eq3A_29, %parallel_loop3A_404, %parallel_loop3A_407 : vector<16xi1>, vector<16xf32>
        %parallel_loop3A_412 = vector.shape_cast %broadcast_in_dim3A_17 : vector<16x1xi32> to vector<16xi32>
        %parallel_loop3A_413 = tpu.dynamic_gather %parallel_loop3A_408[%parallel_loop3A_412] in [0] : vector<16xf32>, vector<16xi32> -> vector<16xf32>
        %parallel_loop3A_414 = arith.addf %parallel_loop3A_408, %parallel_loop3A_413 : vector<16xf32>
        %parallel_loop3A_415 = vector.shape_cast %broadcast_in_dim3A_17 : vector<16x1xi32> to vector<16xi32>
        %parallel_loop3A_416 = tpu.dynamic_gather %parallel_loop3A_409[%parallel_loop3A_415] in [0] : vector<16xf32>, vector<16xi32> -> vector<16xf32>
        %parallel_loop3A_417 = arith.addf %parallel_loop3A_409, %parallel_loop3A_416 : vector<16xf32>
        %parallel_loop3A_418 = vector.shape_cast %broadcast_in_dim3A_17 : vector<16x1xi32> to vector<16xi32>
        %parallel_loop3A_419 = tpu.dynamic_gather %parallel_loop3A_410[%parallel_loop3A_418] in [0] : vector<16xf32>, vector<16xi32> -> vector<16xf32>
        %parallel_loop3A_420 = arith.addf %parallel_loop3A_410, %parallel_loop3A_419 : vector<16xf32>
        %parallel_loop3A_421 = vector.shape_cast %broadcast_in_dim3A_17 : vector<16x1xi32> to vector<16xi32>
        %parallel_loop3A_422 = tpu.dynamic_gather %parallel_loop3A_411[%parallel_loop3A_421] in [0] : vector<16xf32>, vector<16xi32> -> vector<16xf32>
        %parallel_loop3A_423 = arith.addf %parallel_loop3A_411, %parallel_loop3A_422 : vector<16xf32>
        %parallel_loop3A_424 = arith.select %eq3A_35, %parallel_loop3A_414, %parallel_loop3A_417 : vector<16xi1>, vector<16xf32>
        %parallel_loop3A_425 = arith.select %eq3A_35, %parallel_loop3A_420, %parallel_loop3A_423 : vector<16xi1>, vector<16xf32>
        %parallel_loop3A_426 = vector.shape_cast %broadcast_in_dim3A_21 : vector<16x1xi32> to vector<16xi32>
        %parallel_loop3A_427 = tpu.dynamic_gather %parallel_loop3A_424[%parallel_loop3A_426] in [0] : vector<16xf32>, vector<16xi32> -> vector<16xf32>
        %parallel_loop3A_428 = arith.addf %parallel_loop3A_424, %parallel_loop3A_427 : vector<16xf32>
        %parallel_loop3A_429 = vector.shape_cast %broadcast_in_dim3A_21 : vector<16x1xi32> to vector<16xi32>
        %parallel_loop3A_430 = tpu.dynamic_gather %parallel_loop3A_425[%parallel_loop3A_429] in [0] : vector<16xf32>, vector<16xi32> -> vector<16xf32>
        %parallel_loop3A_431 = arith.addf %parallel_loop3A_425, %parallel_loop3A_430 : vector<16xf32>
        %parallel_loop3A_432 = arith.select %eq3A_41, %parallel_loop3A_428, %parallel_loop3A_431 : vector<16xi1>, vector<16xf32>
        %parallel_loop3A_433 = vector.shape_cast %broadcast_in_dim3A_25 : vector<16x1xi32> to vector<16xi32>
        %parallel_loop3A_434 = tpu.dynamic_gather %parallel_loop3A_432[%parallel_loop3A_433] in [0] : vector<16xf32>, vector<16xi32> -> vector<16xf32>
        %parallel_loop3A_435 = arith.addf %parallel_loop3A_432, %parallel_loop3A_434 : vector<16xf32>
        %parallel_loop3A_436 = math.exp %parallel_loop3A_435 : vector<16xf32>
        %parallel_loop3A_437 = vector.shape_cast %broadcast_in_dim3A_70 : vector<16x1xi32> to vector<16xi32>
        %parallel_loop3A_438 = tpu.dynamic_gather %parallel_loop3A_436[%parallel_loop3A_437] in [0] : vector<16xf32>, vector<16xi32> -> vector<16xf32>
        %parallel_loop3A_439 = arith.index_cast %parallel_loop3A_279 : i32 to index
        %parallel_loop3A_440 = arith.constant 128 : index
        %parallel_loop3A_441 = tpu.vector_load %arg11[%parallel_loop3A_439, %parallel_loop3A_440] {strides = array<i32>} : memref<40x144xf32, #tpu.memory_space<vmem>>, vector<1x16xf32>,
        %parallel_loop3A_442 = vector.shape_cast %parallel_loop3A_441 : vector<1x16xf32> to vector<16xf32>
        %parallel_loop3A_443 = vector.shape_cast %parallel_loop3A_438 : vector<16xf32> to vector<1x16xf32>
        tpu.vector_store %arg11[%parallel_loop3A_439, %parallel_loop3A_440], %parallel_loop3A_443 {strides = array<i32>} : memref<40x144xf32, #tpu.memory_space<vmem>>, vector<1x16xf32>,
        %parallel_loop3A_444 = vector.shape_cast %broadcast_in_dim3A_73 : vector<16x1xi32> to vector<16xi32>
        %parallel_loop3A_445 = tpu.dynamic_gather %parallel_loop3A_436[%parallel_loop3A_444] in [0] : vector<16xf32>, vector<16xi32> -> vector<16xf32>
        %parallel_loop3A_446 = arith.constant 0 : i32
        %parallel_loop3A_447 = arith.index_cast %parallel_loop3A_446 : i32 to index
        %parallel_loop3A_448 = arith.index_cast %parallel_loop3A_279 : i32 to index
        %parallel_loop3A_449 = arith.constant 128 : index
        %parallel_loop3A_450 = tpu.vector_load %arg9[%parallel_loop3A_447, %parallel_loop3A_448, %parallel_loop3A_449] {strides = array<i32>} : memref<2x40x256xf32, #tpu.memory_space<vmem>>, vector<1x1x16xf32>,
        %parallel_loop3A_451 = vector.shape_cast %parallel_loop3A_450 : vector<1x1x16xf32> to vector<16xf32>
        %parallel_loop3A_452 = arith.mulf %parallel_loop3A_445, %parallel_loop3A_451 : vector<16xf32>
        %parallel_loop3A_453 = arith.index_cast %parallel_loop3A_279 : i32 to index
        %parallel_loop3A_454 = arith.constant 0 : index
        %parallel_loop3A_455 = tpu.vector_load %arg11[%parallel_loop3A_453, %parallel_loop3A_454] {strides = array<i32>} : memref<40x144xf32, #tpu.memory_space<vmem>>, vector<1x16xf32>,
        %parallel_loop3A_456 = vector.shape_cast %parallel_loop3A_455 : vector<1x16xf32> to vector<16xf32>
        %parallel_loop3A_457 = vector.shape_cast %parallel_loop3A_452 : vector<16xf32> to vector<1x16xf32>
        tpu.vector_store %arg11[%parallel_loop3A_453, %parallel_loop3A_454], %parallel_loop3A_457 {strides = array<i32>} : memref<40x144xf32, #tpu.memory_space<vmem>>, vector<1x16xf32>,
        %parallel_loop3A_458 = vector.shape_cast %broadcast_in_dim3A_76 : vector<16x1xi32> to vector<16xi32>
        %parallel_loop3A_459 = tpu.dynamic_gather %parallel_loop3A_436[%parallel_loop3A_458] in [0] : vector<16xf32>, vector<16xi32> -> vector<16xf32>
        %parallel_loop3A_460 = arith.constant 0 : i32
        %parallel_loop3A_461 = arith.index_cast %parallel_loop3A_460 : i32 to index
        %parallel_loop3A_462 = arith.index_cast %parallel_loop3A_279 : i32 to index
        %parallel_loop3A_463 = arith.constant 144 : index
        %parallel_loop3A_464 = tpu.vector_load %arg9[%parallel_loop3A_461, %parallel_loop3A_462, %parallel_loop3A_463] {strides = array<i32>} : memref<2x40x256xf32, #tpu.memory_space<vmem>>, vector<1x1x16xf32>,
        %parallel_loop3A_465 = vector.shape_cast %parallel_loop3A_464 : vector<1x1x16xf32> to vector<16xf32>
        %parallel_loop3A_466 = arith.mulf %parallel_loop3A_459, %parallel_loop3A_465 : vector<16xf32>
        %parallel_loop3A_467 = arith.index_cast %parallel_loop3A_279 : i32 to index
        %parallel_loop3A_468 = arith.constant 16 : index
        %parallel_loop3A_469 = tpu.vector_load %arg11[%parallel_loop3A_467, %parallel_loop3A_468] {strides = array<i32>} : memref<40x144xf32, #tpu.memory_space<vmem>>, vector<1x16xf32>,
        %parallel_loop3A_470 = vector.shape_cast %parallel_loop3A_469 : vector<1x16xf32> to vector<16xf32>
        %parallel_loop3A_471 = vector.shape_cast %parallel_loop3A_466 : vector<16xf32> to vector<1x16xf32>
        tpu.vector_store %arg11[%parallel_loop3A_467, %parallel_loop3A_468], %parallel_loop3A_471 {strides = array<i32>} : memref<40x144xf32, #tpu.memory_space<vmem>>, vector<1x16xf32>,
        %parallel_loop3A_472 = vector.shape_cast %broadcast_in_dim3A_79 : vector<16x1xi32> to vector<16xi32>
        %parallel_loop3A_473 = tpu.dynamic_gather %parallel_loop3A_436[%parallel_loop3A_472] in [0] : vector<16xf32>, vector<16xi32> -> vector<16xf32>
        %parallel_loop3A_474 = arith.constant 0 : i32
        %parallel_loop3A_475 = arith.index_cast %parallel_loop3A_474 : i32 to index
        %parallel_loop3A_476 = arith.index_cast %parallel_loop3A_279 : i32 to index
        %parallel_loop3A_477 = arith.constant 160 : index
        %parallel_loop3A_478 = tpu.vector_load %arg9[%parallel_loop3A_475, %parallel_loop3A_476, %parallel_loop3A_477] {strides = array<i32>} : memref<2x40x256xf32, #tpu.memory_space<vmem>>, vector<1x1x16xf32>,
        %parallel_loop3A_479 = vector.shape_cast %parallel_loop3A_478 : vector<1x1x16xf32> to vector<16xf32>
        %parallel_loop3A_480 = arith.mulf %parallel_loop3A_473, %parallel_loop3A_479 : vector<16xf32>
        %parallel_loop3A_481 = arith.index_cast %parallel_loop3A_279 : i32 to index
        %parallel_loop3A_482 = arith.constant 32 : index
        %parallel_loop3A_483 = tpu.vector_load %arg11[%parallel_loop3A_481, %parallel_loop3A_482] {strides = array<i32>} : memref<40x144xf32, #tpu.memory_space<vmem>>, vector<1x16xf32>,
        %parallel_loop3A_484 = vector.shape_cast %parallel_loop3A_483 : vector<1x16xf32> to vector<16xf32>
        %parallel_loop3A_485 = vector.shape_cast %parallel_loop3A_480 : vector<16xf32> to vector<1x16xf32>
        tpu.vector_store %arg11[%parallel_loop3A_481, %parallel_loop3A_482], %parallel_loop3A_485 {strides = array<i32>} : memref<40x144xf32, #tpu.memory_space<vmem>>, vector<1x16xf32>,
        %parallel_loop3A_486 = vector.shape_cast %broadcast_in_dim3A_82 : vector<16x1xi32> to vector<16xi32>
        %parallel_loop3A_487 = tpu.dynamic_gather %parallel_loop3A_436[%parallel_loop3A_486] in [0] : vector<16xf32>, vector<16xi32> -> vector<16xf32>
        %parallel_loop3A_488 = arith.constant 0 : i32
        %parallel_loop3A_489 = arith.index_cast %parallel_loop3A_488 : i32 to index
        %parallel_loop3A_490 = arith.index_cast %parallel_loop3A_279 : i32 to index
        %parallel_loop3A_491 = arith.constant 176 : index
        %parallel_loop3A_492 = tpu.vector_load %arg9[%parallel_loop3A_489, %parallel_loop3A_490, %parallel_loop3A_491] {strides = array<i32>} : memref<2x40x256xf32, #tpu.memory_space<vmem>>, vector<1x1x16xf32>,
        %parallel_loop3A_493 = vector.shape_cast %parallel_loop3A_492 : vector<1x1x16xf32> to vector<16xf32>
        %parallel_loop3A_494 = arith.mulf %parallel_loop3A_487, %parallel_loop3A_493 : vector<16xf32>
        %parallel_loop3A_495 = arith.index_cast %parallel_loop3A_279 : i32 to index
        %parallel_loop3A_496 = arith.constant 48 : index
        %parallel_loop3A_497 = tpu.vector_load %arg11[%parallel_loop3A_495, %parallel_loop3A_496] {strides = array<i32>} : memref<40x144xf32, #tpu.memory_space<vmem>>, vector<1x16xf32>,
        %parallel_loop3A_498 = vector.shape_cast %parallel_loop3A_497 : vector<1x16xf32> to vector<16xf32>
        %parallel_loop3A_499 = vector.shape_cast %parallel_loop3A_494 : vector<16xf32> to vector<1x16xf32>
        tpu.vector_store %arg11[%parallel_loop3A_495, %parallel_loop3A_496], %parallel_loop3A_499 {strides = array<i32>} : memref<40x144xf32, #tpu.memory_space<vmem>>, vector<1x16xf32>,
        %parallel_loop3A_500 = vector.shape_cast %broadcast_in_dim3A_85 : vector<16x1xi32> to vector<16xi32>
        %parallel_loop3A_501 = tpu.dynamic_gather %parallel_loop3A_436[%parallel_loop3A_500] in [0] : vector<16xf32>, vector<16xi32> -> vector<16xf32>
        %parallel_loop3A_502 = arith.constant 0 : i32
        %parallel_loop3A_503 = arith.index_cast %parallel_loop3A_502 : i32 to index
        %parallel_loop3A_504 = arith.index_cast %parallel_loop3A_279 : i32 to index
        %parallel_loop3A_505 = arith.constant 192 : index
        %parallel_loop3A_506 = tpu.vector_load %arg9[%parallel_loop3A_503, %parallel_loop3A_504, %parallel_loop3A_505] {strides = array<i32>} : memref<2x40x256xf32, #tpu.memory_space<vmem>>, vector<1x1x16xf32>,
        %parallel_loop3A_507 = vector.shape_cast %parallel_loop3A_506 : vector<1x1x16xf32> to vector<16xf32>
        %parallel_loop3A_508 = arith.mulf %parallel_loop3A_501, %parallel_loop3A_507 : vector<16xf32>
        %parallel_loop3A_509 = arith.index_cast %parallel_loop3A_279 : i32 to index
        %parallel_loop3A_510 = arith.constant 64 : index
        %parallel_loop3A_511 = tpu.vector_load %arg11[%parallel_loop3A_509, %parallel_loop3A_510] {strides = array<i32>} : memref<40x144xf32, #tpu.memory_space<vmem>>, vector<1x16xf32>,
        %parallel_loop3A_512 = vector.shape_cast %parallel_loop3A_511 : vector<1x16xf32> to vector<16xf32>
        %parallel_loop3A_513 = vector.shape_cast %parallel_loop3A_508 : vector<16xf32> to vector<1x16xf32>
        tpu.vector_store %arg11[%parallel_loop3A_509, %parallel_loop3A_510], %parallel_loop3A_513 {strides = array<i32>} : memref<40x144xf32, #tpu.memory_space<vmem>>, vector<1x16xf32>,
        %parallel_loop3A_514 = vector.shape_cast %broadcast_in_dim3A_88 : vector<16x1xi32> to vector<16xi32>
        %parallel_loop3A_515 = tpu.dynamic_gather %parallel_loop3A_436[%parallel_loop3A_514] in [0] : vector<16xf32>, vector<16xi32> -> vector<16xf32>
        %parallel_loop3A_516 = arith.constant 0 : i32
        %parallel_loop3A_517 = arith.index_cast %parallel_loop3A_516 : i32 to index
        %parallel_loop3A_518 = arith.index_cast %parallel_loop3A_279 : i32 to index
        %parallel_loop3A_519 = arith.constant 208 : index
        %parallel_loop3A_520 = tpu.vector_load %arg9[%parallel_loop3A_517, %parallel_loop3A_518, %parallel_loop3A_519] {strides = array<i32>} : memref<2x40x256xf32, #tpu.memory_space<vmem>>, vector<1x1x16xf32>,
        %parallel_loop3A_521 = vector.shape_cast %parallel_loop3A_520 : vector<1x1x16xf32> to vector<16xf32>
        %parallel_loop3A_522 = arith.mulf %parallel_loop3A_515, %parallel_loop3A_521 : vector<16xf32>
        %parallel_loop3A_523 = arith.index_cast %parallel_loop3A_279 : i32 to index
        %parallel_loop3A_524 = arith.constant 80 : index
        %parallel_loop3A_525 = tpu.vector_load %arg11[%parallel_loop3A_523, %parallel_loop3A_524] {strides = array<i32>} : memref<40x144xf32, #tpu.memory_space<vmem>>, vector<1x16xf32>,
        %parallel_loop3A_526 = vector.shape_cast %parallel_loop3A_525 : vector<1x16xf32> to vector<16xf32>
        %parallel_loop3A_527 = vector.shape_cast %parallel_loop3A_522 : vector<16xf32> to vector<1x16xf32>
        tpu.vector_store %arg11[%parallel_loop3A_523, %parallel_loop3A_524], %parallel_loop3A_527 {strides = array<i32>} : memref<40x144xf32, #tpu.memory_space<vmem>>, vector<1x16xf32>,
        %parallel_loop3A_528 = vector.shape_cast %broadcast_in_dim3A_91 : vector<16x1xi32> to vector<16xi32>
        %parallel_loop3A_529 = tpu.dynamic_gather %parallel_loop3A_436[%parallel_loop3A_528] in [0] : vector<16xf32>, vector<16xi32> -> vector<16xf32>
        %parallel_loop3A_530 = arith.constant 0 : i32
        %parallel_loop3A_531 = arith.index_cast %parallel_loop3A_530 : i32 to index
        %parallel_loop3A_532 = arith.index_cast %parallel_loop3A_279 : i32 to index
        %parallel_loop3A_533 = arith.constant 224 : index
        %parallel_loop3A_534 = tpu.vector_load %arg9[%parallel_loop3A_531, %parallel_loop3A_532, %parallel_loop3A_533] {strides = array<i32>} : memref<2x40x256xf32, #tpu.memory_space<vmem>>, vector<1x1x16xf32>,
        %parallel_loop3A_535 = vector.shape_cast %parallel_loop3A_534 : vector<1x1x16xf32> to vector<16xf32>
        %parallel_loop3A_536 = arith.mulf %parallel_loop3A_529, %parallel_loop3A_535 : vector<16xf32>
        %parallel_loop3A_537 = arith.index_cast %parallel_loop3A_279 : i32 to index
        %parallel_loop3A_538 = arith.constant 96 : index
        %parallel_loop3A_539 = tpu.vector_load %arg11[%parallel_loop3A_537, %parallel_loop3A_538] {strides = array<i32>} : memref<40x144xf32, #tpu.memory_space<vmem>>, vector<1x16xf32>,
        %parallel_loop3A_540 = vector.shape_cast %parallel_loop3A_539 : vector<1x16xf32> to vector<16xf32>
        %parallel_loop3A_541 = vector.shape_cast %parallel_loop3A_536 : vector<16xf32> to vector<1x16xf32>
        tpu.vector_store %arg11[%parallel_loop3A_537, %parallel_loop3A_538], %parallel_loop3A_541 {strides = array<i32>} : memref<40x144xf32, #tpu.memory_space<vmem>>, vector<1x16xf32>,
        %parallel_loop3A_542 = vector.shape_cast %broadcast_in_dim3A_94 : vector<16x1xi32> to vector<16xi32>
        %parallel_loop3A_543 = tpu.dynamic_gather %parallel_loop3A_436[%parallel_loop3A_542] in [0] : vector<16xf32>, vector<16xi32> -> vector<16xf32>
        %parallel_loop3A_544 = arith.constant 0 : i32
        %parallel_loop3A_545 = arith.index_cast %parallel_loop3A_544 : i32 to index
        %parallel_loop3A_546 = arith.index_cast %parallel_loop3A_279 : i32 to index
        %parallel_loop3A_547 = arith.constant 240 : index
        %parallel_loop3A_548 = tpu.vector_load %arg9[%parallel_loop3A_545, %parallel_loop3A_546, %parallel_loop3A_547] {strides = array<i32>} : memref<2x40x256xf32, #tpu.memory_space<vmem>>, vector<1x1x16xf32>,
        %parallel_loop3A_549 = vector.shape_cast %parallel_loop3A_548 : vector<1x1x16xf32> to vector<16xf32>
        %parallel_loop3A_550 = arith.mulf %parallel_loop3A_543, %parallel_loop3A_549 : vector<16xf32>
        %parallel_loop3A_551 = arith.index_cast %parallel_loop3A_279 : i32 to index
        %parallel_loop3A_552 = arith.constant 112 : index
        %parallel_loop3A_553 = tpu.vector_load %arg11[%parallel_loop3A_551, %parallel_loop3A_552] {strides = array<i32>} : memref<40x144xf32, #tpu.memory_space<vmem>>, vector<1x16xf32>,
        %parallel_loop3A_554 = vector.shape_cast %parallel_loop3A_553 : vector<1x16xf32> to vector<16xf32>
        %parallel_loop3A_555 = vector.shape_cast %parallel_loop3A_550 : vector<16xf32> to vector<1x16xf32>
        tpu.vector_store %arg11[%parallel_loop3A_551, %parallel_loop3A_552], %parallel_loop3A_555 {strides = array<i32>} : memref<40x144xf32, #tpu.memory_space<vmem>>, vector<1x16xf32>,
      } {sc.loop_unroll_factor = 2 : i64, sc.parallel_access}
      %run_scoped3A = arith.constant 0 : i32
      "tpu.region"() ({
        %run_scoped3A_279 = tpu.sem_alloc : memref<!tpu.dma_semaphore, #tpu.memory_space<semaphore_mem>>
        %dma_start3A_280 = arith.constant 40 : i32
        %dma_start3A_281 = tpu.memref_slice %arg8[%run_scoped3A, %dma_start3A_280] : memref<2x80xi32, #tpu.memory_space<vmem>> -> memref<1x40xi32, #tpu.memory_space<vmem>>
        %dma_start3A_282 = tpu.memref_squeeze %dma_start3A_281 : memref<1x40xi32, #tpu.memory_space<vmem>> -> memref<40xi32, #tpu.memory_space<vmem>>
        %dma_start3A_283 = arith.constant 0 : i32
        %dma_start3A_284 = arith.constant 0 : i32
        %dma_start3A_285 = tpu.memref_slice %arg7[%dma_start3A_283, %dma_start3A_284] : memref<10240x144xf32, #tpu.memory_space<vmem_shared>> -> memref<10240x144xf32, #tpu.memory_space<vmem_shared>>
        tpu.enqueue_indirect_dma source(%arg11 : memref<40x144xf32, #tpu.memory_space<vmem>>) target(%dma_start3A_285 : memref<10240x144xf32, #tpu.memory_space<vmem_shared>>) offsets(%dma_start3A_282 : memref<40xi32, #tpu.memory_space<vmem>>) semaphore(%run_scoped3A_279 : memref<!tpu.dma_semaphore, #tpu.memory_space<semaphore_mem>>) {add = true}
        %dma_wait3A_286 = arith.constant 40 : i32
        %dma_wait3A_287 = tpu.memref_slice %arg8[%run_scoped3A, %dma_wait3A_286] : memref<2x80xi32, #tpu.memory_space<vmem>> -> memref<1x40xi32, #tpu.memory_space<vmem>>
        %dma_wait3A_288 = tpu.memref_squeeze %dma_wait3A_287 : memref<1x40xi32, #tpu.memory_space<vmem>> -> memref<40xi32, #tpu.memory_space<vmem>>
        %dma_wait3A_289 = arith.constant 0 : i32
        %dma_wait3A_290 = arith.constant 0 : i32
        %dma_wait3A_291 = tpu.memref_slice %arg7[%dma_wait3A_289, %dma_wait3A_290] : memref<10240x144xf32, #tpu.memory_space<vmem_shared>> -> memref<10240x144xf32, #tpu.memory_space<vmem_shared>>
        tpu.wait_indirect_dma semaphore(%run_scoped3A_279 : memref<!tpu.dma_semaphore, #tpu.memory_space<semaphore_mem>>) src(%arg11 : memref<40x144xf32, #tpu.memory_space<vmem>>) dst(%dma_wait3A_291 : memref<10240x144xf32, #tpu.memory_space<vmem_shared>>)
        tpu.yield
      }) : () -> ()
      %add3A_226 = arith.constant 2 : i32
      %add3A_227 = arith.addi %mul3A_195, %add3A_226 : i32
      %lt3A_228 = arith.constant 250 : i32
      %lt3A_229 = arith.cmpi slt, %add3A_227, %lt3A_228 : i32
      %convert_element_type3A_230 = arith.extui %lt3A_229 : i1 to i32
      %cond3A_231 = arith.constant 0 : i32
      %cond3A_232 = arith.cmpi ne, %convert_element_type3A_230, %cond3A_231 : i32
      scf.if %cond3A_232 {
        %add3A_279 = arith.constant 2 : i32
        %add3A_280 = arith.addi %mul3A_195, %add3A_279 : i32
        %add3A_281 = arith.addi %mul3A_11, %add3A_280 : i32
        %mul3A_282 = arith.constant 40 : i32
        %mul3A_283 = arith.muli %add3A_281, %mul3A_282 : i32
        %dma_start3A_284 = arith.constant 0 : i32
        %dma_start3A_285 = arith.constant 0 : i32
        %dma_start3A_286 = tpu.memref_slice %arg8[%dma_start3A_284, %dma_start3A_285] : memref<2x80xi32, #tpu.memory_space<vmem>> -> memref<1x40xi32, #tpu.memory_space<vmem>>
        %dma_start3A_287 = tpu.memref_squeeze %dma_start3A_286 : memref<1x40xi32, #tpu.memory_space<vmem>> -> memref<40xi32, #tpu.memory_space<vmem>>
        %dma_start3A_288 = tpu.memref_slice %arg4[%mul3A_283] : memref<320000xi32, #tpu.memory_space<hbm>> -> memref<40xi32, #tpu.memory_space<hbm>>
        %dma_start3A_289 = arith.constant 0 : i32
        %dma_start3A_290 = tpu.memref_slice %arg8[%dma_start3A_284, %dma_start3A_289] : memref<2x80xi32, #tpu.memory_space<vmem>> -> memref<1x40xi32, #tpu.memory_space<vmem>>
        %dma_start3A_291 = tpu.memref_squeeze %dma_start3A_290 : memref<1x40xi32, #tpu.memory_space<vmem>> -> memref<40xi32, #tpu.memory_space<vmem>>
        %dma_start3A_292 = tpu.memref_slice %arg4[%mul3A_283] : memref<320000xi32, #tpu.memory_space<hbm>> -> memref<40xi32, #tpu.memory_space<hbm>>
        tpu.enqueue_dma source(%dma_start3A_292 : memref<40xi32, #tpu.memory_space<hbm>>) target(%dma_start3A_291 : memref<40xi32, #tpu.memory_space<vmem>>) target_semaphore(%arg12 : memref<!tpu.dma_semaphore, #tpu.memory_space<semaphore_mem>>)
        %dma_start3A_293 = arith.constant 0 : i32
        %dma_start3A_294 = arith.constant 40 : i32
        %dma_start3A_295 = tpu.memref_slice %arg8[%dma_start3A_293, %dma_start3A_294] : memref<2x80xi32, #tpu.memory_space<vmem>> -> memref<1x40xi32, #tpu.memory_space<vmem>>
        %dma_start3A_296 = tpu.memref_squeeze %dma_start3A_295 : memref<1x40xi32, #tpu.memory_space<vmem>> -> memref<40xi32, #tpu.memory_space<vmem>>
        %dma_start3A_297 = tpu.memref_slice %arg5[%mul3A_283] : memref<320000xi32, #tpu.memory_space<hbm>> -> memref<40xi32, #tpu.memory_space<hbm>>
        %dma_start3A_298 = arith.constant 40 : i32
        %dma_start3A_299 = tpu.memref_slice %arg8[%dma_start3A_293, %dma_start3A_298] : memref<2x80xi32, #tpu.memory_space<vmem>> -> memref<1x40xi32, #tpu.memory_space<vmem>>
        %dma_start3A_300 = tpu.memref_squeeze %dma_start3A_299 : memref<1x40xi32, #tpu.memory_space<vmem>> -> memref<40xi32, #tpu.memory_space<vmem>>
        %dma_start3A_301 = tpu.memref_slice %arg5[%mul3A_283] : memref<320000xi32, #tpu.memory_space<hbm>> -> memref<40xi32, #tpu.memory_space<hbm>>
        tpu.enqueue_dma source(%dma_start3A_301 : memref<40xi32, #tpu.memory_space<hbm>>) target(%dma_start3A_300 : memref<40xi32, #tpu.memory_space<vmem>>) target_semaphore(%arg12 : memref<!tpu.dma_semaphore, #tpu.memory_space<semaphore_mem>>)
      } else {
      }
      %mul3A_233 = arith.constant 2 : i32
      %mul3A_234 = arith.muli %mul3A_233, %scan3A_193 : i32
      %add3A_235 = arith.constant 1 : i32
      %add3A_236 = arith.addi %mul3A_234, %add3A_235 : i32
      %add3A_237 = arith.constant 1 : i32
      %add3A_238 = arith.addi %add3A_236, %add3A_237 : i32
      %lt3A_239 = arith.constant 250 : i32
      %lt3A_240 = arith.cmpi slt, %add3A_238, %lt3A_239 : i32
      %convert_element_type3A_241 = arith.extui %lt3A_240 : i1 to i32
      %cond3A_242 = arith.constant 0 : i32
      %cond3A_243 = arith.cmpi ne, %convert_element_type3A_241, %cond3A_242 : i32
      scf.if %cond3A_243 {
        %dma_wait3A_279 = arith.constant 0 : i32
        %dma_wait3A_280 = arith.constant 0 : i32
        %dma_wait3A_281 = tpu.memref_slice %arg8[%dma_wait3A_279, %dma_wait3A_280] : memref<2x80xi32, #tpu.memory_space<vmem>> -> memref<1x40xi32, #tpu.memory_space<vmem>>
        %dma_wait3A_282 = tpu.memref_squeeze %dma_wait3A_281 : memref<1x40xi32, #tpu.memory_space<vmem>> -> memref<40xi32, #tpu.memory_space<vmem>>
        %dma_wait3A_283 = arith.constant 0 : i32
        %dma_wait3A_284 = tpu.memref_slice %arg4[%dma_wait3A_283] : memref<320000xi32, #tpu.memory_space<hbm>> -> memref<40xi32, #tpu.memory_space<hbm>>
        %dma_wait3A_285 = arith.constant 0 : i32
        %dma_wait3A_286 = tpu.memref_slice %arg8[%dma_wait3A_279, %dma_wait3A_285] : memref<2x80xi32, #tpu.memory_space<vmem>> -> memref<1x40xi32, #tpu.memory_space<vmem>>
        %dma_wait3A_287 = tpu.memref_squeeze %dma_wait3A_286 : memref<1x40xi32, #tpu.memory_space<vmem>> -> memref<40xi32, #tpu.memory_space<vmem>>
        %dma_wait3A_288 = arith.constant 0 : i32
        %dma_wait3A_289 = tpu.memref_slice %arg4[%dma_wait3A_288] : memref<320000xi32, #tpu.memory_space<hbm>> -> memref<40xi32, #tpu.memory_space<hbm>>
        tpu.wait_dma2 semaphore(%arg12 : memref<!tpu.dma_semaphore, #tpu.memory_space<semaphore_mem>>) src(%dma_wait3A_289 : memref<40xi32, #tpu.memory_space<hbm>>) dst(%dma_wait3A_287 : memref<40xi32, #tpu.memory_space<vmem>>)
        %dma_wait3A_290 = arith.constant 0 : i32
        %dma_wait3A_291 = arith.constant 40 : i32
        %dma_wait3A_292 = tpu.memref_slice %arg8[%dma_wait3A_290, %dma_wait3A_291] : memref<2x80xi32, #tpu.memory_space<vmem>> -> memref<1x40xi32, #tpu.memory_space<vmem>>
        %dma_wait3A_293 = tpu.memref_squeeze %dma_wait3A_292 : memref<1x40xi32, #tpu.memory_space<vmem>> -> memref<40xi32, #tpu.memory_space<vmem>>
        %dma_wait3A_294 = arith.constant 0 : i32
        %dma_wait3A_295 = tpu.memref_slice %arg5[%dma_wait3A_294] : memref<320000xi32, #tpu.memory_space<hbm>> -> memref<40xi32, #tpu.memory_space<hbm>>
        %dma_wait3A_296 = arith.constant 40 : i32
        %dma_wait3A_297 = tpu.memref_slice %arg8[%dma_wait3A_290, %dma_wait3A_296] : memref<2x80xi32, #tpu.memory_space<vmem>> -> memref<1x40xi32, #tpu.memory_space<vmem>>
        %dma_wait3A_298 = tpu.memref_squeeze %dma_wait3A_297 : memref<1x40xi32, #tpu.memory_space<vmem>> -> memref<40xi32, #tpu.memory_space<vmem>>
        %dma_wait3A_299 = arith.constant 0 : i32
        %dma_wait3A_300 = tpu.memref_slice %arg5[%dma_wait3A_299] : memref<320000xi32, #tpu.memory_space<hbm>> -> memref<40xi32, #tpu.memory_space<hbm>>
        tpu.wait_dma2 semaphore(%arg12 : memref<!tpu.dma_semaphore, #tpu.memory_space<semaphore_mem>>) src(%dma_wait3A_300 : memref<40xi32, #tpu.memory_space<hbm>>) dst(%dma_wait3A_298 : memref<40xi32, #tpu.memory_space<vmem>>)
        %dma_start3A_301 = arith.constant 0 : i32
        %dma_start3A_302 = arith.constant 0 : i32
        %dma_start3A_303 = arith.constant 0 : i32
        %dma_start3A_304 = arith.constant 0 : i32
        %dma_start3A_305 = tpu.memref_slice %arg9[%dma_start3A_302, %dma_start3A_303, %dma_start3A_304] : memref<2x40x256xf32, #tpu.memory_space<vmem>> -> memref<1x40x256xf32, #tpu.memory_space<vmem>>
        %dma_start3A_306 = tpu.memref_squeeze %dma_start3A_305 : memref<1x40x256xf32, #tpu.memory_space<vmem>> -> memref<40x256xf32, #tpu.memory_space<vmem>>
        %dma_start3A_307 = arith.constant 0 : i32
        %dma_start3A_308 = tpu.memref_slice %arg8[%dma_start3A_301, %dma_start3A_307] : memref<2x80xi32, #tpu.memory_space<vmem>> -> memref<1x40xi32, #tpu.memory_space<vmem>>
        %dma_start3A_309 = tpu.memref_squeeze %dma_start3A_308 : memref<1x40xi32, #tpu.memory_space<vmem>> -> memref<40xi32, #tpu.memory_space<vmem>>
        %dma_start3A_310 = arith.constant 0 : i32
        %dma_start3A_311 = arith.constant 0 : i32
        %dma_start3A_312 = tpu.memref_slice %arg2[%dma_start3A_310, %dma_start3A_311] : memref<10000x256xf32, #tpu.memory_space<hbm>> -> memref<10000x256xf32, #tpu.memory_space<hbm>>
        tpu.enqueue_indirect_dma source(%dma_start3A_312 : memref<10000x256xf32, #tpu.memory_space<hbm>>) target(%dma_start3A_306 : memref<40x256xf32, #tpu.memory_space<vmem>>) offsets(%dma_start3A_309 : memref<40xi32, #tpu.memory_space<vmem>>) semaphore(%arg14 : memref<!tpu.dma_semaphore, #tpu.memory_space<semaphore_mem>>)
        %dma_start3A_313 = arith.constant 0 : i32
        %dma_start3A_314 = arith.constant 0 : i32
        %dma_start3A_315 = arith.constant 0 : i32
        %dma_start3A_316 = arith.constant 0 : i32
        %dma_start3A_317 = tpu.memref_slice %arg10[%dma_start3A_314, %dma_start3A_315, %dma_start3A_316] : memref<2x40x128xf32, #tpu.memory_space<vmem>> -> memref<1x40x128xf32, #tpu.memory_space<vmem>>
        %dma_start3A_318 = tpu.memref_squeeze %dma_start3A_317 : memref<1x40x128xf32, #tpu.memory_space<vmem>> -> memref<40x128xf32, #tpu.memory_space<vmem>>
        %dma_start3A_319 = arith.constant 40 : i32
        %dma_start3A_320 = tpu.memref_slice %arg8[%dma_start3A_313, %dma_start3A_319] : memref<2x80xi32, #tpu.memory_space<vmem>> -> memref<1x40xi32, #tpu.memory_space<vmem>>
        %dma_start3A_321 = tpu.memref_squeeze %dma_start3A_320 : memref<1x40xi32, #tpu.memory_space<vmem>> -> memref<40xi32, #tpu.memory_space<vmem>>
        %dma_start3A_322 = arith.constant 0 : i32
        %dma_start3A_323 = arith.constant 0 : i32
        %dma_start3A_324 = tpu.memref_slice %arg3[%dma_start3A_322, %dma_start3A_323] : memref<10000x128xf32, #tpu.memory_space<hbm>> -> memref<10000x128xf32, #tpu.memory_space<hbm>>
        tpu.enqueue_indirect_dma source(%dma_start3A_324 : memref<10000x128xf32, #tpu.memory_space<hbm>>) target(%dma_start3A_318 : memref<40x128xf32, #tpu.memory_space<vmem>>) offsets(%dma_start3A_321 : memref<40xi32, #tpu.memory_space<vmem>>) semaphore(%arg16 : memref<!tpu.dma_semaphore, #tpu.memory_space<semaphore_mem>>)
      } else {
      }
      %dma_wait3A_244 = arith.constant 1 : i32
      %dma_wait3A_245 = arith.constant 1 : i32
      %dma_wait3A_246 = arith.constant 0 : i32
      %dma_wait3A_247 = arith.constant 0 : i32
      %dma_wait3A_248 = tpu.memref_slice %arg9[%dma_wait3A_245, %dma_wait3A_246, %dma_wait3A_247] : memref<2x40x256xf32, #tpu.memory_space<vmem>> -> memref<1x40x256xf32, #tpu.memory_space<vmem>>
      %dma_wait3A_249 = tpu.memref_squeeze %dma_wait3A_248 : memref<1x40x256xf32, #tpu.memory_space<vmem>> -> memref<40x256xf32, #tpu.memory_space<vmem>>
      %dma_wait3A_250 = arith.constant 0 : i32
      %dma_wait3A_251 = tpu.memref_slice %arg8[%dma_wait3A_244, %dma_wait3A_250] : memref<2x80xi32, #tpu.memory_space<vmem>> -> memref<1x40xi32, #tpu.memory_space<vmem>>
      %dma_wait3A_252 = tpu.memref_squeeze %dma_wait3A_251 : memref<1x40xi32, #tpu.memory_space<vmem>> -> memref<40xi32, #tpu.memory_space<vmem>>
      %dma_wait3A_253 = arith.constant 0 : i32
      %dma_wait3A_254 = arith.constant 0 : i32
      %dma_wait3A_255 = tpu.memref_slice %arg2[%dma_wait3A_253, %dma_wait3A_254] : memref<10000x256xf32, #tpu.memory_space<hbm>> -> memref<10000x256xf32, #tpu.memory_space<hbm>>
      tpu.wait_indirect_dma semaphore(%arg15 : memref<!tpu.dma_semaphore, #tpu.memory_space<semaphore_mem>>) src(%dma_wait3A_255 : memref<10000x256xf32, #tpu.memory_space<hbm>>) dst(%dma_wait3A_249 : memref<40x256xf32, #tpu.memory_space<vmem>>)
      %dma_wait3A_256 = arith.constant 1 : i32
      %dma_wait3A_257 = arith.constant 1 : i32
      %dma_wait3A_258 = arith.constant 0 : i32
      %dma_wait3A_259 = arith.constant 0 : i32
      %dma_wait3A_260 = tpu.memref_slice %arg10[%dma_wait3A_257, %dma_wait3A_258, %dma_wait3A_259] : memref<2x40x128xf32, #tpu.memory_space<vmem>> -> memref<1x40x128xf32, #tpu.memory_space<vmem>>
      %dma_wait3A_261 = tpu.memref_squeeze %dma_wait3A_260 : memref<1x40x128xf32, #tpu.memory_space<vmem>> -> memref<40x128xf32, #tpu.memory_space<vmem>>
      %dma_wait3A_262 = arith.constant 40 : i32
      %dma_wait3A_263 = tpu.memref_slice %arg8[%dma_wait3A_256, %dma_wait3A_262] : memref<2x80xi32, #tpu.memory_space<vmem>> -> memref<1x40xi32, #tpu.memory_space<vmem>>
      %dma_wait3A_264 = tpu.memref_squeeze %dma_wait3A_263 : memref<1x40xi32, #tpu.memory_space<vmem>> -> memref<40xi32, #tpu.memory_space<vmem>>
      %dma_wait3A_265 = arith.constant 0 : i32
      %dma_wait3A_266 = arith.constant 0 : i32
      %dma_wait3A_267 = tpu.memref_slice %arg3[%dma_wait3A_265, %dma_wait3A_266] : memref<10000x128xf32, #tpu.memory_space<hbm>> -> memref<10000x128xf32, #tpu.memory_space<hbm>>
      tpu.wait_indirect_dma semaphore(%arg17 : memref<!tpu.dma_semaphore, #tpu.memory_space<semaphore_mem>>) src(%dma_wait3A_267 : memref<10000x128xf32, #tpu.memory_space<hbm>>) dst(%dma_wait3A_261 : memref<40x128xf32, #tpu.memory_space<vmem>>)
      %parallel_loop3A_268 = arith.constant 0 : i32
      %parallel_loop3A_269 = arith.constant 40 : i32
      %parallel_loop3A_270 = arith.constant 1 : i32
      scf.for %parallel_loop3A_279 = %parallel_loop3A_268 to %parallel_loop3A_269 step %parallel_loop3A_270  : i32 {
        %parallel_loop3A_280 = arith.constant 1 : i32
        %parallel_loop3A_281 = arith.index_cast %parallel_loop3A_280 : i32 to index
        %parallel_loop3A_282 = arith.index_cast %parallel_loop3A_279 : i32 to index
        %parallel_loop3A_283 = arith.constant 0 : index
        %parallel_loop3A_284 = tpu.vector_load %arg9[%parallel_loop3A_281, %parallel_loop3A_282, %parallel_loop3A_283] {strides = array<i32>} : memref<2x40x256xf32, #tpu.memory_space<vmem>>, vector<1x1x16xf32>,
        %parallel_loop3A_285 = vector.shape_cast %parallel_loop3A_284 : vector<1x1x16xf32> to vector<16xf32>
        %parallel_loop3A_286 = arith.constant 1 : i32
        %parallel_loop3A_287 = arith.index_cast %parallel_loop3A_286 : i32 to index
        %parallel_loop3A_288 = arith.index_cast %parallel_loop3A_279 : i32 to index
        %parallel_loop3A_289 = arith.constant 0 : index
        %parallel_loop3A_290 = tpu.vector_load %arg10[%parallel_loop3A_287, %parallel_loop3A_288, %parallel_loop3A_289] {strides = array<i32>} : memref<2x40x128xf32, #tpu.memory_space<vmem>>, vector<1x1x16xf32>,
        %parallel_loop3A_291 = vector.shape_cast %parallel_loop3A_290 : vector<1x1x16xf32> to vector<16xf32>
        %parallel_loop3A_292 = arith.mulf %parallel_loop3A_285, %parallel_loop3A_291 : vector<16xf32>
        %parallel_loop3A_293 = arith.constant 1 : i32
        %parallel_loop3A_294 = arith.index_cast %parallel_loop3A_293 : i32 to index
        %parallel_loop3A_295 = arith.index_cast %parallel_loop3A_279 : i32 to index
        %parallel_loop3A_296 = arith.constant 16 : index
        %parallel_loop3A_297 = tpu.vector_load %arg9[%parallel_loop3A_294, %parallel_loop3A_295, %parallel_loop3A_296] {strides = array<i32>} : memref<2x40x256xf32, #tpu.memory_space<vmem>>, vector<1x1x16xf32>,
        %parallel_loop3A_298 = vector.shape_cast %parallel_loop3A_297 : vector<1x1x16xf32> to vector<16xf32>
        %parallel_loop3A_299 = arith.constant 1 : i32
        %parallel_loop3A_300 = arith.index_cast %parallel_loop3A_299 : i32 to index
        %parallel_loop3A_301 = arith.index_cast %parallel_loop3A_279 : i32 to index
        %parallel_loop3A_302 = arith.constant 16 : index
        %parallel_loop3A_303 = tpu.vector_load %arg10[%parallel_loop3A_300, %parallel_loop3A_301, %parallel_loop3A_302] {strides = array<i32>} : memref<2x40x128xf32, #tpu.memory_space<vmem>>, vector<1x1x16xf32>,
        %parallel_loop3A_304 = vector.shape_cast %parallel_loop3A_303 : vector<1x1x16xf32> to vector<16xf32>
        %parallel_loop3A_305 = arith.mulf %parallel_loop3A_298, %parallel_loop3A_304 : vector<16xf32>
        %parallel_loop3A_306 = arith.constant 1 : i32
        %parallel_loop3A_307 = arith.index_cast %parallel_loop3A_306 : i32 to index
        %parallel_loop3A_308 = arith.index_cast %parallel_loop3A_279 : i32 to index
        %parallel_loop3A_309 = arith.constant 32 : index
        %parallel_loop3A_310 = tpu.vector_load %arg9[%parallel_loop3A_307, %parallel_loop3A_308, %parallel_loop3A_309] {strides = array<i32>} : memref<2x40x256xf32, #tpu.memory_space<vmem>>, vector<1x1x16xf32>,
        %parallel_loop3A_311 = vector.shape_cast %parallel_loop3A_310 : vector<1x1x16xf32> to vector<16xf32>
        %parallel_loop3A_312 = arith.constant 1 : i32
        %parallel_loop3A_313 = arith.index_cast %parallel_loop3A_312 : i32 to index
        %parallel_loop3A_314 = arith.index_cast %parallel_loop3A_279 : i32 to index
        %parallel_loop3A_315 = arith.constant 32 : index
        %parallel_loop3A_316 = tpu.vector_load %arg10[%parallel_loop3A_313, %parallel_loop3A_314, %parallel_loop3A_315] {strides = array<i32>} : memref<2x40x128xf32, #tpu.memory_space<vmem>>, vector<1x1x16xf32>,
        %parallel_loop3A_317 = vector.shape_cast %parallel_loop3A_316 : vector<1x1x16xf32> to vector<16xf32>
        %parallel_loop3A_318 = arith.mulf %parallel_loop3A_311, %parallel_loop3A_317 : vector<16xf32>
        %parallel_loop3A_319 = arith.constant 1 : i32
        %parallel_loop3A_320 = arith.index_cast %parallel_loop3A_319 : i32 to index
        %parallel_loop3A_321 = arith.index_cast %parallel_loop3A_279 : i32 to index
        %parallel_loop3A_322 = arith.constant 48 : index
        %parallel_loop3A_323 = tpu.vector_load %arg9[%parallel_loop3A_320, %parallel_loop3A_321, %parallel_loop3A_322] {strides = array<i32>} : memref<2x40x256xf32, #tpu.memory_space<vmem>>, vector<1x1x16xf32>,
        %parallel_loop3A_324 = vector.shape_cast %parallel_loop3A_323 : vector<1x1x16xf32> to vector<16xf32>
        %parallel_loop3A_325 = arith.constant 1 : i32
        %parallel_loop3A_326 = arith.index_cast %parallel_loop3A_325 : i32 to index
        %parallel_loop3A_327 = arith.index_cast %parallel_loop3A_279 : i32 to index
        %parallel_loop3A_328 = arith.constant 48 : index
        %parallel_loop3A_329 = tpu.vector_load %arg10[%parallel_loop3A_326, %parallel_loop3A_327, %parallel_loop3A_328] {strides = array<i32>} : memref<2x40x128xf32, #tpu.memory_space<vmem>>, vector<1x1x16xf32>,
        %parallel_loop3A_330 = vector.shape_cast %parallel_loop3A_329 : vector<1x1x16xf32> to vector<16xf32>
        %parallel_loop3A_331 = arith.mulf %parallel_loop3A_324, %parallel_loop3A_330 : vector<16xf32>
        %parallel_loop3A_332 = arith.constant 1 : i32
        %parallel_loop3A_333 = arith.index_cast %parallel_loop3A_332 : i32 to index
        %parallel_loop3A_334 = arith.index_cast %parallel_loop3A_279 : i32 to index
        %parallel_loop3A_335 = arith.constant 64 : index
        %parallel_loop3A_336 = tpu.vector_load %arg9[%parallel_loop3A_333, %parallel_loop3A_334, %parallel_loop3A_335] {strides = array<i32>} : memref<2x40x256xf32, #tpu.memory_space<vmem>>, vector<1x1x16xf32>,
        %parallel_loop3A_337 = vector.shape_cast %parallel_loop3A_336 : vector<1x1x16xf32> to vector<16xf32>
        %parallel_loop3A_338 = arith.constant 1 : i32
        %parallel_loop3A_339 = arith.index_cast %parallel_loop3A_338 : i32 to index
        %parallel_loop3A_340 = arith.index_cast %parallel_loop3A_279 : i32 to index
        %parallel_loop3A_341 = arith.constant 64 : index
        %parallel_loop3A_342 = tpu.vector_load %arg10[%parallel_loop3A_339, %parallel_loop3A_340, %parallel_loop3A_341] {strides = array<i32>} : memref<2x40x128xf32, #tpu.memory_space<vmem>>, vector<1x1x16xf32>,
        %parallel_loop3A_343 = vector.shape_cast %parallel_loop3A_342 : vector<1x1x16xf32> to vector<16xf32>
        %parallel_loop3A_344 = arith.mulf %parallel_loop3A_337, %parallel_loop3A_343 : vector<16xf32>
        %parallel_loop3A_345 = arith.constant 1 : i32
        %parallel_loop3A_346 = arith.index_cast %parallel_loop3A_345 : i32 to index
        %parallel_loop3A_347 = arith.index_cast %parallel_loop3A_279 : i32 to index
        %parallel_loop3A_348 = arith.constant 80 : index
        %parallel_loop3A_349 = tpu.vector_load %arg9[%parallel_loop3A_346, %parallel_loop3A_347, %parallel_loop3A_348] {strides = array<i32>} : memref<2x40x256xf32, #tpu.memory_space<vmem>>, vector<1x1x16xf32>,
        %parallel_loop3A_350 = vector.shape_cast %parallel_loop3A_349 : vector<1x1x16xf32> to vector<16xf32>
        %parallel_loop3A_351 = arith.constant 1 : i32
        %parallel_loop3A_352 = arith.index_cast %parallel_loop3A_351 : i32 to index
        %parallel_loop3A_353 = arith.index_cast %parallel_loop3A_279 : i32 to index
        %parallel_loop3A_354 = arith.constant 80 : index
        %parallel_loop3A_355 = tpu.vector_load %arg10[%parallel_loop3A_352, %parallel_loop3A_353, %parallel_loop3A_354] {strides = array<i32>} : memref<2x40x128xf32, #tpu.memory_space<vmem>>, vector<1x1x16xf32>,
        %parallel_loop3A_356 = vector.shape_cast %parallel_loop3A_355 : vector<1x1x16xf32> to vector<16xf32>
        %parallel_loop3A_357 = arith.mulf %parallel_loop3A_350, %parallel_loop3A_356 : vector<16xf32>
        %parallel_loop3A_358 = arith.constant 1 : i32
        %parallel_loop3A_359 = arith.index_cast %parallel_loop3A_358 : i32 to index
        %parallel_loop3A_360 = arith.index_cast %parallel_loop3A_279 : i32 to index
        %parallel_loop3A_361 = arith.constant 96 : index
        %parallel_loop3A_362 = tpu.vector_load %arg9[%parallel_loop3A_359, %parallel_loop3A_360, %parallel_loop3A_361] {strides = array<i32>} : memref<2x40x256xf32, #tpu.memory_space<vmem>>, vector<1x1x16xf32>,
        %parallel_loop3A_363 = vector.shape_cast %parallel_loop3A_362 : vector<1x1x16xf32> to vector<16xf32>
        %parallel_loop3A_364 = arith.constant 1 : i32
        %parallel_loop3A_365 = arith.index_cast %parallel_loop3A_364 : i32 to index
        %parallel_loop3A_366 = arith.index_cast %parallel_loop3A_279 : i32 to index
        %parallel_loop3A_367 = arith.constant 96 : index
        %parallel_loop3A_368 = tpu.vector_load %arg10[%parallel_loop3A_365, %parallel_loop3A_366, %parallel_loop3A_367] {strides = array<i32>} : memref<2x40x128xf32, #tpu.memory_space<vmem>>, vector<1x1x16xf32>,
        %parallel_loop3A_369 = vector.shape_cast %parallel_loop3A_368 : vector<1x1x16xf32> to vector<16xf32>
        %parallel_loop3A_370 = arith.mulf %parallel_loop3A_363, %parallel_loop3A_369 : vector<16xf32>
        %parallel_loop3A_371 = arith.constant 1 : i32
        %parallel_loop3A_372 = arith.index_cast %parallel_loop3A_371 : i32 to index
        %parallel_loop3A_373 = arith.index_cast %parallel_loop3A_279 : i32 to index
        %parallel_loop3A_374 = arith.constant 112 : index
        %parallel_loop3A_375 = tpu.vector_load %arg9[%parallel_loop3A_372, %parallel_loop3A_373, %parallel_loop3A_374] {strides = array<i32>} : memref<2x40x256xf32, #tpu.memory_space<vmem>>, vector<1x1x16xf32>,
        %parallel_loop3A_376 = vector.shape_cast %parallel_loop3A_375 : vector<1x1x16xf32> to vector<16xf32>
        %parallel_loop3A_377 = arith.constant 1 : i32
        %parallel_loop3A_378 = arith.index_cast %parallel_loop3A_377 : i32 to index
        %parallel_loop3A_379 = arith.index_cast %parallel_loop3A_279 : i32 to index
        %parallel_loop3A_380 = arith.constant 112 : index
        %parallel_loop3A_381 = tpu.vector_load %arg10[%parallel_loop3A_378, %parallel_loop3A_379, %parallel_loop3A_380] {strides = array<i32>} : memref<2x40x128xf32, #tpu.memory_space<vmem>>, vector<1x1x16xf32>,
        %parallel_loop3A_382 = vector.shape_cast %parallel_loop3A_381 : vector<1x1x16xf32> to vector<16xf32>
        %parallel_loop3A_383 = arith.mulf %parallel_loop3A_376, %parallel_loop3A_382 : vector<16xf32>
        %parallel_loop3A_384 = vector.shape_cast %broadcast_in_dim3A : vector<16x1xi32> to vector<16xi32>
        %parallel_loop3A_385 = tpu.dynamic_gather %parallel_loop3A_292[%parallel_loop3A_384] in [0] : vector<16xf32>, vector<16xi32> -> vector<16xf32>
        %parallel_loop3A_386 = arith.addf %parallel_loop3A_292, %parallel_loop3A_385 : vector<16xf32>
        %parallel_loop3A_387 = vector.shape_cast %broadcast_in_dim3A : vector<16x1xi32> to vector<16xi32>
        %parallel_loop3A_388 = tpu.dynamic_gather %parallel_loop3A_305[%parallel_loop3A_387] in [0] : vector<16xf32>, vector<16xi32> -> vector<16xf32>
        %parallel_loop3A_389 = arith.addf %parallel_loop3A_305, %parallel_loop3A_388 : vector<16xf32>
        %parallel_loop3A_390 = vector.shape_cast %broadcast_in_dim3A : vector<16x1xi32> to vector<16xi32>
        %parallel_loop3A_391 = tpu.dynamic_gather %parallel_loop3A_318[%parallel_loop3A_390] in [0] : vector<16xf32>, vector<16xi32> -> vector<16xf32>
        %parallel_loop3A_392 = arith.addf %parallel_loop3A_318, %parallel_loop3A_391 : vector<16xf32>
        %parallel_loop3A_393 = vector.shape_cast %broadcast_in_dim3A : vector<16x1xi32> to vector<16xi32>
        %parallel_loop3A_394 = tpu.dynamic_gather %parallel_loop3A_331[%parallel_loop3A_393] in [0] : vector<16xf32>, vector<16xi32> -> vector<16xf32>
        %parallel_loop3A_395 = arith.addf %parallel_loop3A_331, %parallel_loop3A_394 : vector<16xf32>
        %parallel_loop3A_396 = vector.shape_cast %broadcast_in_dim3A : vector<16x1xi32> to vector<16xi32>
        %parallel_loop3A_397 = tpu.dynamic_gather %parallel_loop3A_344[%parallel_loop3A_396] in [0] : vector<16xf32>, vector<16xi32> -> vector<16xf32>
        %parallel_loop3A_398 = arith.addf %parallel_loop3A_344, %parallel_loop3A_397 : vector<16xf32>
        %parallel_loop3A_399 = vector.shape_cast %broadcast_in_dim3A : vector<16x1xi32> to vector<16xi32>
        %parallel_loop3A_400 = tpu.dynamic_gather %parallel_loop3A_357[%parallel_loop3A_399] in [0] : vector<16xf32>, vector<16xi32> -> vector<16xf32>
        %parallel_loop3A_401 = arith.addf %parallel_loop3A_357, %parallel_loop3A_400 : vector<16xf32>
        %parallel_loop3A_402 = vector.shape_cast %broadcast_in_dim3A : vector<16x1xi32> to vector<16xi32>
        %parallel_loop3A_403 = tpu.dynamic_gather %parallel_loop3A_370[%parallel_loop3A_402] in [0] : vector<16xf32>, vector<16xi32> -> vector<16xf32>
        %parallel_loop3A_404 = arith.addf %parallel_loop3A_370, %parallel_loop3A_403 : vector<16xf32>
        %parallel_loop3A_405 = vector.shape_cast %broadcast_in_dim3A : vector<16x1xi32> to vector<16xi32>
        %parallel_loop3A_406 = tpu.dynamic_gather %parallel_loop3A_383[%parallel_loop3A_405] in [0] : vector<16xf32>, vector<16xi32> -> vector<16xf32>
        %parallel_loop3A_407 = arith.addf %parallel_loop3A_383, %parallel_loop3A_406 : vector<16xf32>
        %parallel_loop3A_408 = arith.select %eq3A_29, %parallel_loop3A_386, %parallel_loop3A_389 : vector<16xi1>, vector<16xf32>
        %parallel_loop3A_409 = arith.select %eq3A_29, %parallel_loop3A_392, %parallel_loop3A_395 : vector<16xi1>, vector<16xf32>
        %parallel_loop3A_410 = arith.select %eq3A_29, %parallel_loop3A_398, %parallel_loop3A_401 : vector<16xi1>, vector<16xf32>
        %parallel_loop3A_411 = arith.select %eq3A_29, %parallel_loop3A_404, %parallel_loop3A_407 : vector<16xi1>, vector<16xf32>
        %parallel_loop3A_412 = vector.shape_cast %broadcast_in_dim3A_17 : vector<16x1xi32> to vector<16xi32>
        %parallel_loop3A_413 = tpu.dynamic_gather %parallel_loop3A_408[%parallel_loop3A_412] in [0] : vector<16xf32>, vector<16xi32> -> vector<16xf32>
        %parallel_loop3A_414 = arith.addf %parallel_loop3A_408, %parallel_loop3A_413 : vector<16xf32>
        %parallel_loop3A_415 = vector.shape_cast %broadcast_in_dim3A_17 : vector<16x1xi32> to vector<16xi32>
        %parallel_loop3A_416 = tpu.dynamic_gather %parallel_loop3A_409[%parallel_loop3A_415] in [0] : vector<16xf32>, vector<16xi32> -> vector<16xf32>
        %parallel_loop3A_417 = arith.addf %parallel_loop3A_409, %parallel_loop3A_416 : vector<16xf32>
        %parallel_loop3A_418 = vector.shape_cast %broadcast_in_dim3A_17 : vector<16x1xi32> to vector<16xi32>
        %parallel_loop3A_419 = tpu.dynamic_gather %parallel_loop3A_410[%parallel_loop3A_418] in [0] : vector<16xf32>, vector<16xi32> -> vector<16xf32>
        %parallel_loop3A_420 = arith.addf %parallel_loop3A_410, %parallel_loop3A_419 : vector<16xf32>
        %parallel_loop3A_421 = vector.shape_cast %broadcast_in_dim3A_17 : vector<16x1xi32> to vector<16xi32>
        %parallel_loop3A_422 = tpu.dynamic_gather %parallel_loop3A_411[%parallel_loop3A_421] in [0] : vector<16xf32>, vector<16xi32> -> vector<16xf32>
        %parallel_loop3A_423 = arith.addf %parallel_loop3A_411, %parallel_loop3A_422 : vector<16xf32>
        %parallel_loop3A_424 = arith.select %eq3A_35, %parallel_loop3A_414, %parallel_loop3A_417 : vector<16xi1>, vector<16xf32>
        %parallel_loop3A_425 = arith.select %eq3A_35, %parallel_loop3A_420, %parallel_loop3A_423 : vector<16xi1>, vector<16xf32>
        %parallel_loop3A_426 = vector.shape_cast %broadcast_in_dim3A_21 : vector<16x1xi32> to vector<16xi32>
        %parallel_loop3A_427 = tpu.dynamic_gather %parallel_loop3A_424[%parallel_loop3A_426] in [0] : vector<16xf32>, vector<16xi32> -> vector<16xf32>
        %parallel_loop3A_428 = arith.addf %parallel_loop3A_424, %parallel_loop3A_427 : vector<16xf32>
        %parallel_loop3A_429 = vector.shape_cast %broadcast_in_dim3A_21 : vector<16x1xi32> to vector<16xi32>
        %parallel_loop3A_430 = tpu.dynamic_gather %parallel_loop3A_425[%parallel_loop3A_429] in [0] : vector<16xf32>, vector<16xi32> -> vector<16xf32>
        %parallel_loop3A_431 = arith.addf %parallel_loop3A_425, %parallel_loop3A_430 : vector<16xf32>
        %parallel_loop3A_432 = arith.select %eq3A_41, %parallel_loop3A_428, %parallel_loop3A_431 : vector<16xi1>, vector<16xf32>
        %parallel_loop3A_433 = vector.shape_cast %broadcast_in_dim3A_25 : vector<16x1xi32> to vector<16xi32>
        %parallel_loop3A_434 = tpu.dynamic_gather %parallel_loop3A_432[%parallel_loop3A_433] in [0] : vector<16xf32>, vector<16xi32> -> vector<16xf32>
        %parallel_loop3A_435 = arith.addf %parallel_loop3A_432, %parallel_loop3A_434 : vector<16xf32>
        %parallel_loop3A_436 = math.exp %parallel_loop3A_435 : vector<16xf32>
        %parallel_loop3A_437 = vector.shape_cast %broadcast_in_dim3A_70 : vector<16x1xi32> to vector<16xi32>
        %parallel_loop3A_438 = tpu.dynamic_gather %parallel_loop3A_436[%parallel_loop3A_437] in [0] : vector<16xf32>, vector<16xi32> -> vector<16xf32>
        %parallel_loop3A_439 = arith.index_cast %parallel_loop3A_279 : i32 to index
        %parallel_loop3A_440 = arith.constant 128 : index
        %parallel_loop3A_441 = tpu.vector_load %arg11[%parallel_loop3A_439, %parallel_loop3A_440] {strides = array<i32>} : memref<40x144xf32, #tpu.memory_space<vmem>>, vector<1x16xf32>,
        %parallel_loop3A_442 = vector.shape_cast %parallel_loop3A_441 : vector<1x16xf32> to vector<16xf32>
        %parallel_loop3A_443 = vector.shape_cast %parallel_loop3A_438 : vector<16xf32> to vector<1x16xf32>
        tpu.vector_store %arg11[%parallel_loop3A_439, %parallel_loop3A_440], %parallel_loop3A_443 {strides = array<i32>} : memref<40x144xf32, #tpu.memory_space<vmem>>, vector<1x16xf32>,
        %parallel_loop3A_444 = vector.shape_cast %broadcast_in_dim3A_73 : vector<16x1xi32> to vector<16xi32>
        %parallel_loop3A_445 = tpu.dynamic_gather %parallel_loop3A_436[%parallel_loop3A_444] in [0] : vector<16xf32>, vector<16xi32> -> vector<16xf32>
        %parallel_loop3A_446 = arith.constant 1 : i32
        %parallel_loop3A_447 = arith.index_cast %parallel_loop3A_446 : i32 to index
        %parallel_loop3A_448 = arith.index_cast %parallel_loop3A_279 : i32 to index
        %parallel_loop3A_449 = arith.constant 128 : index
        %parallel_loop3A_450 = tpu.vector_load %arg9[%parallel_loop3A_447, %parallel_loop3A_448, %parallel_loop3A_449] {strides = array<i32>} : memref<2x40x256xf32, #tpu.memory_space<vmem>>, vector<1x1x16xf32>,
        %parallel_loop3A_451 = vector.shape_cast %parallel_loop3A_450 : vector<1x1x16xf32> to vector<16xf32>
        %parallel_loop3A_452 = arith.mulf %parallel_loop3A_445, %parallel_loop3A_451 : vector<16xf32>
        %parallel_loop3A_453 = arith.index_cast %parallel_loop3A_279 : i32 to index
        %parallel_loop3A_454 = arith.constant 0 : index
        %parallel_loop3A_455 = tpu.vector_load %arg11[%parallel_loop3A_453, %parallel_loop3A_454] {strides = array<i32>} : memref<40x144xf32, #tpu.memory_space<vmem>>, vector<1x16xf32>,
        %parallel_loop3A_456 = vector.shape_cast %parallel_loop3A_455 : vector<1x16xf32> to vector<16xf32>
        %parallel_loop3A_457 = vector.shape_cast %parallel_loop3A_452 : vector<16xf32> to vector<1x16xf32>
        tpu.vector_store %arg11[%parallel_loop3A_453, %parallel_loop3A_454], %parallel_loop3A_457 {strides = array<i32>} : memref<40x144xf32, #tpu.memory_space<vmem>>, vector<1x16xf32>,
        %parallel_loop3A_458 = vector.shape_cast %broadcast_in_dim3A_76 : vector<16x1xi32> to vector<16xi32>
        %parallel_loop3A_459 = tpu.dynamic_gather %parallel_loop3A_436[%parallel_loop3A_458] in [0] : vector<16xf32>, vector<16xi32> -> vector<16xf32>
        %parallel_loop3A_460 = arith.constant 1 : i32
        %parallel_loop3A_461 = arith.index_cast %parallel_loop3A_460 : i32 to index
        %parallel_loop3A_462 = arith.index_cast %parallel_loop3A_279 : i32 to index
        %parallel_loop3A_463 = arith.constant 144 : index
        %parallel_loop3A_464 = tpu.vector_load %arg9[%parallel_loop3A_461, %parallel_loop3A_462, %parallel_loop3A_463] {strides = array<i32>} : memref<2x40x256xf32, #tpu.memory_space<vmem>>, vector<1x1x16xf32>,
        %parallel_loop3A_465 = vector.shape_cast %parallel_loop3A_464 : vector<1x1x16xf32> to vector<16xf32>
        %parallel_loop3A_466 = arith.mulf %parallel_loop3A_459, %parallel_loop3A_465 : vector<16xf32>
        %parallel_loop3A_467 = arith.index_cast %parallel_loop3A_279 : i32 to index
        %parallel_loop3A_468 = arith.constant 16 : index
        %parallel_loop3A_469 = tpu.vector_load %arg11[%parallel_loop3A_467, %parallel_loop3A_468] {strides = array<i32>} : memref<40x144xf32, #tpu.memory_space<vmem>>, vector<1x16xf32>,
        %parallel_loop3A_470 = vector.shape_cast %parallel_loop3A_469 : vector<1x16xf32> to vector<16xf32>
        %parallel_loop3A_471 = vector.shape_cast %parallel_loop3A_466 : vector<16xf32> to vector<1x16xf32>
        tpu.vector_store %arg11[%parallel_loop3A_467, %parallel_loop3A_468], %parallel_loop3A_471 {strides = array<i32>} : memref<40x144xf32, #tpu.memory_space<vmem>>, vector<1x16xf32>,
        %parallel_loop3A_472 = vector.shape_cast %broadcast_in_dim3A_79 : vector<16x1xi32> to vector<16xi32>
        %parallel_loop3A_473 = tpu.dynamic_gather %parallel_loop3A_436[%parallel_loop3A_472] in [0] : vector<16xf32>, vector<16xi32> -> vector<16xf32>
        %parallel_loop3A_474 = arith.constant 1 : i32
        %parallel_loop3A_475 = arith.index_cast %parallel_loop3A_474 : i32 to index
        %parallel_loop3A_476 = arith.index_cast %parallel_loop3A_279 : i32 to index
        %parallel_loop3A_477 = arith.constant 160 : index
        %parallel_loop3A_478 = tpu.vector_load %arg9[%parallel_loop3A_475, %parallel_loop3A_476, %parallel_loop3A_477] {strides = array<i32>} : memref<2x40x256xf32, #tpu.memory_space<vmem>>, vector<1x1x16xf32>,
        %parallel_loop3A_479 = vector.shape_cast %parallel_loop3A_478 : vector<1x1x16xf32> to vector<16xf32>
        %parallel_loop3A_480 = arith.mulf %parallel_loop3A_473, %parallel_loop3A_479 : vector<16xf32>
        %parallel_loop3A_481 = arith.index_cast %parallel_loop3A_279 : i32 to index
        %parallel_loop3A_482 = arith.constant 32 : index
        %parallel_loop3A_483 = tpu.vector_load %arg11[%parallel_loop3A_481, %parallel_loop3A_482] {strides = array<i32>} : memref<40x144xf32, #tpu.memory_space<vmem>>, vector<1x16xf32>,
        %parallel_loop3A_484 = vector.shape_cast %parallel_loop3A_483 : vector<1x16xf32> to vector<16xf32>
        %parallel_loop3A_485 = vector.shape_cast %parallel_loop3A_480 : vector<16xf32> to vector<1x16xf32>
        tpu.vector_store %arg11[%parallel_loop3A_481, %parallel_loop3A_482], %parallel_loop3A_485 {strides = array<i32>} : memref<40x144xf32, #tpu.memory_space<vmem>>, vector<1x16xf32>,
        %parallel_loop3A_486 = vector.shape_cast %broadcast_in_dim3A_82 : vector<16x1xi32> to vector<16xi32>
        %parallel_loop3A_487 = tpu.dynamic_gather %parallel_loop3A_436[%parallel_loop3A_486] in [0] : vector<16xf32>, vector<16xi32> -> vector<16xf32>
        %parallel_loop3A_488 = arith.constant 1 : i32
        %parallel_loop3A_489 = arith.index_cast %parallel_loop3A_488 : i32 to index
        %parallel_loop3A_490 = arith.index_cast %parallel_loop3A_279 : i32 to index
        %parallel_loop3A_491 = arith.constant 176 : index
        %parallel_loop3A_492 = tpu.vector_load %arg9[%parallel_loop3A_489, %parallel_loop3A_490, %parallel_loop3A_491] {strides = array<i32>} : memref<2x40x256xf32, #tpu.memory_space<vmem>>, vector<1x1x16xf32>,
        %parallel_loop3A_493 = vector.shape_cast %parallel_loop3A_492 : vector<1x1x16xf32> to vector<16xf32>
        %parallel_loop3A_494 = arith.mulf %parallel_loop3A_487, %parallel_loop3A_493 : vector<16xf32>
        %parallel_loop3A_495 = arith.index_cast %parallel_loop3A_279 : i32 to index
        %parallel_loop3A_496 = arith.constant 48 : index
        %parallel_loop3A_497 = tpu.vector_load %arg11[%parallel_loop3A_495, %parallel_loop3A_496] {strides = array<i32>} : memref<40x144xf32, #tpu.memory_space<vmem>>, vector<1x16xf32>,
        %parallel_loop3A_498 = vector.shape_cast %parallel_loop3A_497 : vector<1x16xf32> to vector<16xf32>
        %parallel_loop3A_499 = vector.shape_cast %parallel_loop3A_494 : vector<16xf32> to vector<1x16xf32>
        tpu.vector_store %arg11[%parallel_loop3A_495, %parallel_loop3A_496], %parallel_loop3A_499 {strides = array<i32>} : memref<40x144xf32, #tpu.memory_space<vmem>>, vector<1x16xf32>,
        %parallel_loop3A_500 = vector.shape_cast %broadcast_in_dim3A_85 : vector<16x1xi32> to vector<16xi32>
        %parallel_loop3A_501 = tpu.dynamic_gather %parallel_loop3A_436[%parallel_loop3A_500] in [0] : vector<16xf32>, vector<16xi32> -> vector<16xf32>
        %parallel_loop3A_502 = arith.constant 1 : i32
        %parallel_loop3A_503 = arith.index_cast %parallel_loop3A_502 : i32 to index
        %parallel_loop3A_504 = arith.index_cast %parallel_loop3A_279 : i32 to index
        %parallel_loop3A_505 = arith.constant 192 : index
        %parallel_loop3A_506 = tpu.vector_load %arg9[%parallel_loop3A_503, %parallel_loop3A_504, %parallel_loop3A_505] {strides = array<i32>} : memref<2x40x256xf32, #tpu.memory_space<vmem>>, vector<1x1x16xf32>,
        %parallel_loop3A_507 = vector.shape_cast %parallel_loop3A_506 : vector<1x1x16xf32> to vector<16xf32>
        %parallel_loop3A_508 = arith.mulf %parallel_loop3A_501, %parallel_loop3A_507 : vector<16xf32>
        %parallel_loop3A_509 = arith.index_cast %parallel_loop3A_279 : i32 to index
        %parallel_loop3A_510 = arith.constant 64 : index
        %parallel_loop3A_511 = tpu.vector_load %arg11[%parallel_loop3A_509, %parallel_loop3A_510] {strides = array<i32>} : memref<40x144xf32, #tpu.memory_space<vmem>>, vector<1x16xf32>,
        %parallel_loop3A_512 = vector.shape_cast %parallel_loop3A_511 : vector<1x16xf32> to vector<16xf32>
        %parallel_loop3A_513 = vector.shape_cast %parallel_loop3A_508 : vector<16xf32> to vector<1x16xf32>
        tpu.vector_store %arg11[%parallel_loop3A_509, %parallel_loop3A_510], %parallel_loop3A_513 {strides = array<i32>} : memref<40x144xf32, #tpu.memory_space<vmem>>, vector<1x16xf32>,
        %parallel_loop3A_514 = vector.shape_cast %broadcast_in_dim3A_88 : vector<16x1xi32> to vector<16xi32>
        %parallel_loop3A_515 = tpu.dynamic_gather %parallel_loop3A_436[%parallel_loop3A_514] in [0] : vector<16xf32>, vector<16xi32> -> vector<16xf32>
        %parallel_loop3A_516 = arith.constant 1 : i32
        %parallel_loop3A_517 = arith.index_cast %parallel_loop3A_516 : i32 to index
        %parallel_loop3A_518 = arith.index_cast %parallel_loop3A_279 : i32 to index
        %parallel_loop3A_519 = arith.constant 208 : index
        %parallel_loop3A_520 = tpu.vector_load %arg9[%parallel_loop3A_517, %parallel_loop3A_518, %parallel_loop3A_519] {strides = array<i32>} : memref<2x40x256xf32, #tpu.memory_space<vmem>>, vector<1x1x16xf32>,
        %parallel_loop3A_521 = vector.shape_cast %parallel_loop3A_520 : vector<1x1x16xf32> to vector<16xf32>
        %parallel_loop3A_522 = arith.mulf %parallel_loop3A_515, %parallel_loop3A_521 : vector<16xf32>
        %parallel_loop3A_523 = arith.index_cast %parallel_loop3A_279 : i32 to index
        %parallel_loop3A_524 = arith.constant 80 : index
        %parallel_loop3A_525 = tpu.vector_load %arg11[%parallel_loop3A_523, %parallel_loop3A_524] {strides = array<i32>} : memref<40x144xf32, #tpu.memory_space<vmem>>, vector<1x16xf32>,
        %parallel_loop3A_526 = vector.shape_cast %parallel_loop3A_525 : vector<1x16xf32> to vector<16xf32>
        %parallel_loop3A_527 = vector.shape_cast %parallel_loop3A_522 : vector<16xf32> to vector<1x16xf32>
        tpu.vector_store %arg11[%parallel_loop3A_523, %parallel_loop3A_524], %parallel_loop3A_527 {strides = array<i32>} : memref<40x144xf32, #tpu.memory_space<vmem>>, vector<1x16xf32>,
        %parallel_loop3A_528 = vector.shape_cast %broadcast_in_dim3A_91 : vector<16x1xi32> to vector<16xi32>
        %parallel_loop3A_529 = tpu.dynamic_gather %parallel_loop3A_436[%parallel_loop3A_528] in [0] : vector<16xf32>, vector<16xi32> -> vector<16xf32>
        %parallel_loop3A_530 = arith.constant 1 : i32
        %parallel_loop3A_531 = arith.index_cast %parallel_loop3A_530 : i32 to index
        %parallel_loop3A_532 = arith.index_cast %parallel_loop3A_279 : i32 to index
        %parallel_loop3A_533 = arith.constant 224 : index
        %parallel_loop3A_534 = tpu.vector_load %arg9[%parallel_loop3A_531, %parallel_loop3A_532, %parallel_loop3A_533] {strides = array<i32>} : memref<2x40x256xf32, #tpu.memory_space<vmem>>, vector<1x1x16xf32>,
        %parallel_loop3A_535 = vector.shape_cast %parallel_loop3A_534 : vector<1x1x16xf32> to vector<16xf32>
        %parallel_loop3A_536 = arith.mulf %parallel_loop3A_529, %parallel_loop3A_535 : vector<16xf32>
        %parallel_loop3A_537 = arith.index_cast %parallel_loop3A_279 : i32 to index
        %parallel_loop3A_538 = arith.constant 96 : index
        %parallel_loop3A_539 = tpu.vector_load %arg11[%parallel_loop3A_537, %parallel_loop3A_538] {strides = array<i32>} : memref<40x144xf32, #tpu.memory_space<vmem>>, vector<1x16xf32>,
        %parallel_loop3A_540 = vector.shape_cast %parallel_loop3A_539 : vector<1x16xf32> to vector<16xf32>
        %parallel_loop3A_541 = vector.shape_cast %parallel_loop3A_536 : vector<16xf32> to vector<1x16xf32>
        tpu.vector_store %arg11[%parallel_loop3A_537, %parallel_loop3A_538], %parallel_loop3A_541 {strides = array<i32>} : memref<40x144xf32, #tpu.memory_space<vmem>>, vector<1x16xf32>,
        %parallel_loop3A_542 = vector.shape_cast %broadcast_in_dim3A_94 : vector<16x1xi32> to vector<16xi32>
        %parallel_loop3A_543 = tpu.dynamic_gather %parallel_loop3A_436[%parallel_loop3A_542] in [0] : vector<16xf32>, vector<16xi32> -> vector<16xf32>
        %parallel_loop3A_544 = arith.constant 1 : i32
        %parallel_loop3A_545 = arith.index_cast %parallel_loop3A_544 : i32 to index
        %parallel_loop3A_546 = arith.index_cast %parallel_loop3A_279 : i32 to index
        %parallel_loop3A_547 = arith.constant 240 : index
        %parallel_loop3A_548 = tpu.vector_load %arg9[%parallel_loop3A_545, %parallel_loop3A_546, %parallel_loop3A_547] {strides = array<i32>} : memref<2x40x256xf32, #tpu.memory_space<vmem>>, vector<1x1x16xf32>,
        %parallel_loop3A_549 = vector.shape_cast %parallel_loop3A_548 : vector<1x1x16xf32> to vector<16xf32>
        %parallel_loop3A_550 = arith.mulf %parallel_loop3A_543, %parallel_loop3A_549 : vector<16xf32>
        %parallel_loop3A_551 = arith.index_cast %parallel_loop3A_279 : i32 to index
        %parallel_loop3A_552 = arith.constant 112 : index
        %parallel_loop3A_553 = tpu.vector_load %arg11[%parallel_loop3A_551, %parallel_loop3A_552] {strides = array<i32>} : memref<40x144xf32, #tpu.memory_space<vmem>>, vector<1x16xf32>,
        %parallel_loop3A_554 = vector.shape_cast %parallel_loop3A_553 : vector<1x16xf32> to vector<16xf32>
        %parallel_loop3A_555 = vector.shape_cast %parallel_loop3A_550 : vector<16xf32> to vector<1x16xf32>
        tpu.vector_store %arg11[%parallel_loop3A_551, %parallel_loop3A_552], %parallel_loop3A_555 {strides = array<i32>} : memref<40x144xf32, #tpu.memory_space<vmem>>, vector<1x16xf32>,
      } {sc.loop_unroll_factor = 2 : i64, sc.parallel_access}
      %run_scoped3A_271 = arith.constant 1 : i32
      "tpu.region"() ({
        %run_scoped3A_279 = tpu.sem_alloc : memref<!tpu.dma_semaphore, #tpu.memory_space<semaphore_mem>>
        %dma_start3A_280 = arith.constant 40 : i32
        %dma_start3A_281 = tpu.memref_slice %arg8[%run_scoped3A_271, %dma_start3A_280] : memref<2x80xi32, #tpu.memory_space<vmem>> -> memref<1x40xi32, #tpu.memory_space<vmem>>
        %dma_start3A_282 = tpu.memref_squeeze %dma_start3A_281 : memref<1x40xi32, #tpu.memory_space<vmem>> -> memref<40xi32, #tpu.memory_space<vmem>>
        %dma_start3A_283 = arith.constant 0 : i32
        %dma_start3A_284 = arith.constant 0 : i32
        %dma_start3A_285 = tpu.memref_slice %arg7[%dma_start3A_283, %dma_start3A_284] : memref<10240x144xf32, #tpu.memory_space<vmem_shared>> -> memref<10240x144xf32, #tpu.memory_space<vmem_shared>>
        tpu.enqueue_indirect_dma source(%arg11 : memref<40x144xf32, #tpu.memory_space<vmem>>) target(%dma_start3A_285 : memref<10240x144xf32, #tpu.memory_space<vmem_shared>>) offsets(%dma_start3A_282 : memref<40xi32, #tpu.memory_space<vmem>>) semaphore(%run_scoped3A_279 : memref<!tpu.dma_semaphore, #tpu.memory_space<semaphore_mem>>) {add = true}
        %dma_wait3A_286 = arith.constant 40 : i32
        %dma_wait3A_287 = tpu.memref_slice %arg8[%run_scoped3A_271, %dma_wait3A_286] : memref<2x80xi32, #tpu.memory_space<vmem>> -> memref<1x40xi32, #tpu.memory_space<vmem>>
        %dma_wait3A_288 = tpu.memref_squeeze %dma_wait3A_287 : memref<1x40xi32, #tpu.memory_space<vmem>> -> memref<40xi32, #tpu.memory_space<vmem>>
        %dma_wait3A_289 = arith.constant 0 : i32
        %dma_wait3A_290 = arith.constant 0 : i32
        %dma_wait3A_291 = tpu.memref_slice %arg7[%dma_wait3A_289, %dma_wait3A_290] : memref<10240x144xf32, #tpu.memory_space<vmem_shared>> -> memref<10240x144xf32, #tpu.memory_space<vmem_shared>>
        tpu.wait_indirect_dma semaphore(%run_scoped3A_279 : memref<!tpu.dma_semaphore, #tpu.memory_space<semaphore_mem>>) src(%arg11 : memref<40x144xf32, #tpu.memory_space<vmem>>) dst(%dma_wait3A_291 : memref<10240x144xf32, #tpu.memory_space<vmem_shared>>)
        tpu.yield
      }) : () -> ()
      %add3A_272 = arith.constant 2 : i32
      %add3A_273 = arith.addi %add3A_236, %add3A_272 : i32
      %lt3A_274 = arith.constant 250 : i32
      %lt3A_275 = arith.cmpi slt, %add3A_273, %lt3A_274 : i32
      %convert_element_type3A_276 = arith.extui %lt3A_275 : i1 to i32
      %cond3A_277 = arith.constant 0 : i32
      %cond3A_278 = arith.cmpi ne, %convert_element_type3A_276, %cond3A_277 : i32
      scf.if %cond3A_278 {
        %add3A_279 = arith.constant 2 : i32
        %add3A_280 = arith.addi %add3A_236, %add3A_279 : i32
        %add3A_281 = arith.addi %mul3A_11, %add3A_280 : i32
        %mul3A_282 = arith.constant 40 : i32
        %mul3A_283 = arith.muli %add3A_281, %mul3A_282 : i32
        %dma_start3A_284 = arith.constant 1 : i32
        %dma_start3A_285 = arith.constant 0 : i32
        %dma_start3A_286 = tpu.memref_slice %arg8[%dma_start3A_284, %dma_start3A_285] : memref<2x80xi32, #tpu.memory_space<vmem>> -> memref<1x40xi32, #tpu.memory_space<vmem>>
        %dma_start3A_287 = tpu.memref_squeeze %dma_start3A_286 : memref<1x40xi32, #tpu.memory_space<vmem>> -> memref<40xi32, #tpu.memory_space<vmem>>
        %dma_start3A_288 = tpu.memref_slice %arg4[%mul3A_283] : memref<320000xi32, #tpu.memory_space<hbm>> -> memref<40xi32, #tpu.memory_space<hbm>>
        %dma_start3A_289 = arith.constant 0 : i32
        %dma_start3A_290 = tpu.memref_slice %arg8[%dma_start3A_284, %dma_start3A_289] : memref<2x80xi32, #tpu.memory_space<vmem>> -> memref<1x40xi32, #tpu.memory_space<vmem>>
        %dma_start3A_291 = tpu.memref_squeeze %dma_start3A_290 : memref<1x40xi32, #tpu.memory_space<vmem>> -> memref<40xi32, #tpu.memory_space<vmem>>
        %dma_start3A_292 = tpu.memref_slice %arg4[%mul3A_283] : memref<320000xi32, #tpu.memory_space<hbm>> -> memref<40xi32, #tpu.memory_space<hbm>>
        tpu.enqueue_dma source(%dma_start3A_292 : memref<40xi32, #tpu.memory_space<hbm>>) target(%dma_start3A_291 : memref<40xi32, #tpu.memory_space<vmem>>) target_semaphore(%arg13 : memref<!tpu.dma_semaphore, #tpu.memory_space<semaphore_mem>>)
        %dma_start3A_293 = arith.constant 1 : i32
        %dma_start3A_294 = arith.constant 40 : i32
        %dma_start3A_295 = tpu.memref_slice %arg8[%dma_start3A_293, %dma_start3A_294] : memref<2x80xi32, #tpu.memory_space<vmem>> -> memref<1x40xi32, #tpu.memory_space<vmem>>
        %dma_start3A_296 = tpu.memref_squeeze %dma_start3A_295 : memref<1x40xi32, #tpu.memory_space<vmem>> -> memref<40xi32, #tpu.memory_space<vmem>>
        %dma_start3A_297 = tpu.memref_slice %arg5[%mul3A_283] : memref<320000xi32, #tpu.memory_space<hbm>> -> memref<40xi32, #tpu.memory_space<hbm>>
        %dma_start3A_298 = arith.constant 40 : i32
        %dma_start3A_299 = tpu.memref_slice %arg8[%dma_start3A_293, %dma_start3A_298] : memref<2x80xi32, #tpu.memory_space<vmem>> -> memref<1x40xi32, #tpu.memory_space<vmem>>
        %dma_start3A_300 = tpu.memref_squeeze %dma_start3A_299 : memref<1x40xi32, #tpu.memory_space<vmem>> -> memref<40xi32, #tpu.memory_space<vmem>>
        %dma_start3A_301 = tpu.memref_slice %arg5[%mul3A_283] : memref<320000xi32, #tpu.memory_space<hbm>> -> memref<40xi32, #tpu.memory_space<hbm>>
        tpu.enqueue_dma source(%dma_start3A_301 : memref<40xi32, #tpu.memory_space<hbm>>) target(%dma_start3A_300 : memref<40xi32, #tpu.memory_space<vmem>>) target_semaphore(%arg13 : memref<!tpu.dma_semaphore, #tpu.memory_space<semaphore_mem>>)
      } else {
      }
    }
    %scan3A_187 = arith.constant 125 : i32
    %barrier3A_188 = arith.constant 0 : index
    tpu.barrier barrier_id(%barrier3A_188)
    %mul3A_189 = arith.constant 640 : i32
    %mul3A_190 = arith.muli %arg1, %mul3A_189 : i32
    %mul3A_191 = arith.constant 640 : i32
    %mul3A_192 = arith.muli %arg1, %mul3A_191 : i32
    "tpu.region"() ({
      %run_scoped3A = tpu.sem_alloc : memref<!tpu.dma_semaphore, #tpu.memory_space<semaphore_mem>>
      %dma_start3A_193 = arith.constant 0 : i32
      %dma_start3A_194 = tpu.memref_slice %arg6[%arg0, %mul3A_192, %dma_start3A_193] : memref<2x10240x144xf32, #tpu.memory_space<hbm>> -> memref<1x640x144xf32, #tpu.memory_space<hbm>>
      %dma_start3A_195 = tpu.memref_squeeze %dma_start3A_194 : memref<1x640x144xf32, #tpu.memory_space<hbm>> -> memref<640x144xf32, #tpu.memory_space<hbm>>
      %dma_start3A_196 = arith.constant 0 : i32
      %dma_start3A_197 = tpu.memref_slice %arg7[%mul3A_190, %dma_start3A_196] : memref<10240x144xf32, #tpu.memory_space<vmem_shared>> -> memref<640x144xf32, #tpu.memory_space<vmem_shared>>
      tpu.enqueue_dma source(%dma_start3A_197 : memref<640x144xf32, #tpu.memory_space<vmem_shared>>) target(%dma_start3A_195 : memref<640x144xf32, #tpu.memory_space<hbm>>) target_semaphore(%run_scoped3A : memref<!tpu.dma_semaphore, #tpu.memory_space<semaphore_mem>>)
      %dma_wait3A_198 = arith.constant 0 : i32
      %dma_wait3A_199 = tpu.memref_slice %arg6[%arg0, %mul3A_192, %dma_wait3A_198] : memref<2x10240x144xf32, #tpu.memory_space<hbm>> -> memref<1x640x144xf32, #tpu.memory_space<hbm>>
      %dma_wait3A_200 = tpu.memref_squeeze %dma_wait3A_199 : memref<1x640x144xf32, #tpu.memory_space<hbm>> -> memref<640x144xf32, #tpu.memory_space<hbm>>
      %dma_wait3A_201 = arith.constant 0 : i32
      %dma_wait3A_202 = tpu.memref_slice %arg7[%mul3A_190, %dma_wait3A_201] : memref<10240x144xf32, #tpu.memory_space<vmem_shared>> -> memref<640x144xf32, #tpu.memory_space<vmem_shared>>
      tpu.wait_dma2 semaphore(%run_scoped3A : memref<!tpu.dma_semaphore, #tpu.memory_space<semaphore_mem>>) src(%dma_wait3A_202 : memref<640x144xf32, #tpu.memory_space<vmem_shared>>) dst(%dma_wait3A_200 : memref<640x144xf32, #tpu.memory_space<hbm>>)
      tpu.yield
    }) : () -> ()
    return
  }
}

module attributes {stable_mosaic.version = 14 : i64} {
  func.func @_qkv_body(%arg0: i32, %arg1: memref<2000x128xf32, #tpu.memory_space<vmem>>, %arg2: memref<128x128xf32, #tpu.memory_space<vmem>>, %arg3: memref<128x256xf32, #tpu.memory_space<vmem>>, %arg4: memref<1x128xf32, #tpu.memory_space<vmem>>, %arg5: memref<1x256xf32, #tpu.memory_space<vmem>>, %arg6: memref<2000x128xf32, #tpu.memory_space<vmem>>, %arg7: memref<2000x256xf32, #tpu.memory_space<vmem>>) attributes {dimension_semantics = [#tpu.dimension_semantics<arbitrary>], iteration_bounds = array<i64: 5>, scalar_prefetch = 0 : i64, scratch_operands = 0 : i64, tpu.core_type = #tpu.core_type<tc>, window_params = [{transform_indices = @transform_0, window_bounds = array<i64: 2000, 128>}, {pipeline_mode = #tpu.pipeline_mode<synchronous>, transform_indices = @transform_1, window_bounds = array<i64: 128, 128>}, {pipeline_mode = #tpu.pipeline_mode<synchronous>, transform_indices = @transform_2, window_bounds = array<i64: 128, 256>}, {pipeline_mode = #tpu.pipeline_mode<synchronous>, transform_indices = @transform_3, window_bounds = array<i64: 1, 128>}, {pipeline_mode = #tpu.pipeline_mode<synchronous>, transform_indices = @transform_4, window_bounds = array<i64: 1, 256>}, {transform_indices = @transform_5, window_bounds = array<i64: 2000, 128>}, {transform_indices = @transform_6, window_bounds = array<i64: 2000, 256>}]} {
    %get3A = arith.constant 0 : index
    %get3A_0 = arith.constant 0 : index
    %get3A_1 = vector.load %arg1[%get3A, %get3A_0] : memref<2000x128xf32, #tpu.memory_space<vmem>>, vector<2000x128xf32>
    %get3A_2 = arith.constant 0 : index
    %get3A_3 = arith.constant 0 : index
    %get3A_4 = vector.load %arg2[%get3A_2, %get3A_3] : memref<128x128xf32, #tpu.memory_space<vmem>>, vector<128x128xf32>
    %dot_general3A = arith.constant dense<0.000000e+00> : vector<2000x128xf32>
    %dot_general3A_5 = tpu.matmul %get3A_1, %get3A_4, %dot_general3A {dimension_numbers = #tpu.dot_dimension_numbers<[1], [0], [0], [1], [0, 0, 1, 1], [], []>, transpose_lhs_hint = false} : vector<2000x128xf32>, vector<128x128xf32>, vector<2000x128xf32> -> vector<2000x128xf32>
    %get3A_6 = arith.constant 0 : index
    %get3A_7 = arith.constant 0 : index
    %get3A_8 = vector.load %arg4[%get3A_6, %get3A_7] : memref<1x128xf32, #tpu.memory_space<vmem>>, vector<1x128xf32>
    %add3A = vector.broadcast %get3A_8 : vector<1x128xf32> to vector<2000x128xf32>
    %add3A_9 = arith.addf %dot_general3A_5, %add3A : vector<2000x128xf32>
    %mul3A = arith.constant 0.0883883461 : f32
    %mul3A_10 = vector.broadcast %mul3A : f32 to vector<2000x128xf32>
    %mul3A_11 = arith.mulf %add3A_9, %mul3A_10 : vector<2000x128xf32>
    %swap3A = arith.constant 0 : index
    %swap3A_12 = arith.constant 0 : index
    %swap3A_13 = vector.load %arg6[%swap3A, %swap3A_12] : memref<2000x128xf32, #tpu.memory_space<vmem>>, vector<2000x128xf32>
    tpu.vector_store %arg6[%swap3A, %swap3A_12], %mul3A_11 {strides = array<i32>} : memref<2000x128xf32, #tpu.memory_space<vmem>>, vector<2000x128xf32>,
    %get3A_14 = arith.constant 0 : index
    %get3A_15 = arith.constant 0 : index
    %get3A_16 = vector.load %arg3[%get3A_14, %get3A_15] : memref<128x256xf32, #tpu.memory_space<vmem>>, vector<128x256xf32>
    %dot_general3A_17 = arith.constant dense<0.000000e+00> : vector<2000x256xf32>
    %dot_general3A_18 = tpu.matmul %get3A_1, %get3A_16, %dot_general3A_17 {dimension_numbers = #tpu.dot_dimension_numbers<[1], [0], [0], [1], [0, 0, 1, 1], [], []>, transpose_lhs_hint = false} : vector<2000x128xf32>, vector<128x256xf32>, vector<2000x256xf32> -> vector<2000x256xf32>
    %get3A_19 = arith.constant 0 : index
    %get3A_20 = arith.constant 0 : index
    %get3A_21 = vector.load %arg5[%get3A_19, %get3A_20] : memref<1x256xf32, #tpu.memory_space<vmem>>, vector<1x256xf32>
    %add3A_22 = vector.broadcast %get3A_21 : vector<1x256xf32> to vector<2000x256xf32>
    %add3A_23 = arith.addf %dot_general3A_18, %add3A_22 : vector<2000x256xf32>
    %swap3A_24 = arith.constant 0 : index
    %swap3A_25 = arith.constant 0 : index
    %swap3A_26 = vector.load %arg7[%swap3A_24, %swap3A_25] : memref<2000x256xf32, #tpu.memory_space<vmem>>, vector<2000x256xf32>
    tpu.vector_store %arg7[%swap3A_24, %swap3A_25], %add3A_23 {strides = array<i32>} : memref<2000x256xf32, #tpu.memory_space<vmem>>, vector<2000x256xf32>,
    return
  }
  func.func @transform_0(%arg0: i32) -> (i32, i32) {
    %c0_i32 = arith.constant 0 : i32
    %c0_i32_0 = arith.constant 0 : i32
    return %arg0, %c0_i32 : i32, i32
  }
  func.func @transform_1(%arg0: i32) -> (i32, i32) {
    %c0_i32 = arith.constant 0 : i32
    %c0_i32_0 = arith.constant 0 : i32
    %c0_i32_1 = arith.constant 0 : i32
    return %c0_i32, %c0_i32_0 : i32, i32
  }
  func.func @transform_2(%arg0: i32) -> (i32, i32) {
    %c0_i32 = arith.constant 0 : i32
    %c0_i32_0 = arith.constant 0 : i32
    %c0_i32_1 = arith.constant 0 : i32
    return %c0_i32, %c0_i32_0 : i32, i32
  }
  func.func @transform_3(%arg0: i32) -> (i32, i32) {
    %c0_i32 = arith.constant 0 : i32
    %c0_i32_0 = arith.constant 0 : i32
    %c0_i32_1 = arith.constant 0 : i32
    return %c0_i32, %c0_i32_0 : i32, i32
  }
  func.func @transform_4(%arg0: i32) -> (i32, i32) {
    %c0_i32 = arith.constant 0 : i32
    %c0_i32_0 = arith.constant 0 : i32
    %c0_i32_1 = arith.constant 0 : i32
    return %c0_i32, %c0_i32_0 : i32, i32
  }
  func.func @transform_5(%arg0: i32) -> (i32, i32) {
    %c0_i32 = arith.constant 0 : i32
    %c0_i32_0 = arith.constant 0 : i32
    return %arg0, %c0_i32 : i32, i32
  }
  func.func @transform_6(%arg0: i32) -> (i32, i32) {
    %c0_i32 = arith.constant 0 : i32
    %c0_i32_0 = arith.constant 0 : i32
    return %arg0, %c0_i32 : i32, i32
  }
}

module attributes {stable_mosaic.version = 14 : i64} {
  func.func @_fin_body(%arg0: i32, %arg1: memref<2x2000x144xf32, #tpu.memory_space<vmem>>, %arg2: memref<2000x128xf32, #tpu.memory_space<vmem>>, %arg3: memref<1x128xf32, #tpu.memory_space<vmem>>, %arg4: memref<1x128xf32, #tpu.memory_space<vmem>>, %arg5: memref<128x512xf32, #tpu.memory_space<vmem>>, %arg6: memref<1x512xf32, #tpu.memory_space<vmem>>, %arg7: memref<1x512xf32, #tpu.memory_space<vmem>>, %arg8: memref<512x128xf32, #tpu.memory_space<vmem>>, %arg9: memref<1x128xf32, #tpu.memory_space<vmem>>, %arg10: memref<2000x128xf32, #tpu.memory_space<vmem>>) attributes {dimension_semantics = [#tpu.dimension_semantics<arbitrary>], iteration_bounds = array<i64: 5>, scalar_prefetch = 0 : i64, scratch_operands = 0 : i64, tpu.core_type = #tpu.core_type<tc>, window_params = [{transform_indices = @transform_0, window_bounds = array<i64: 2, 2000, 144>}, {transform_indices = @transform_1, window_bounds = array<i64: 2000, 128>}, {pipeline_mode = #tpu.pipeline_mode<synchronous>, transform_indices = @transform_2, window_bounds = array<i64: 1, 128>}, {pipeline_mode = #tpu.pipeline_mode<synchronous>, transform_indices = @transform_3, window_bounds = array<i64: 1, 128>}, {pipeline_mode = #tpu.pipeline_mode<synchronous>, transform_indices = @transform_4, window_bounds = array<i64: 128, 512>}, {pipeline_mode = #tpu.pipeline_mode<synchronous>, transform_indices = @transform_5, window_bounds = array<i64: 1, 512>}, {pipeline_mode = #tpu.pipeline_mode<synchronous>, transform_indices = @transform_6, window_bounds = array<i64: 1, 512>}, {pipeline_mode = #tpu.pipeline_mode<synchronous>, transform_indices = @transform_7, window_bounds = array<i64: 512, 128>}, {pipeline_mode = #tpu.pipeline_mode<synchronous>, transform_indices = @transform_8, window_bounds = array<i64: 1, 128>}, {transform_indices = @transform_9, window_bounds = array<i64: 2000, 128>}]} {
    %get3A = arith.constant 0 : index
    %get3A_0 = arith.constant 0 : index
    %get3A_1 = arith.constant 0 : index
    %get3A_2 = vector.load %arg1[%get3A, %get3A_0, %get3A_1] : memref<2x2000x144xf32, #tpu.memory_space<vmem>>, vector<1x2000x144xf32>
    %get3A_3 = vector.shape_cast %get3A_2 : vector<1x2000x144xf32> to vector<2000x144xf32>
    %get3A_4 = arith.constant 1 : index
    %get3A_5 = arith.constant 0 : index
    %get3A_6 = arith.constant 0 : index
    %get3A_7 = vector.load %arg1[%get3A_4, %get3A_5, %get3A_6] : memref<2x2000x144xf32, #tpu.memory_space<vmem>>, vector<1x2000x144xf32>
    %get3A_8 = vector.shape_cast %get3A_7 : vector<1x2000x144xf32> to vector<2000x144xf32>
    %add3A = arith.addf %get3A_3, %get3A_8 : vector<2000x144xf32>
    %slice3A = vector.extract_strided_slice %add3A {offsets = [0, 0], sizes = [2000, 128], strides = [1, 1]} : vector<2000x144xf32> to vector<2000x128xf32>
    %slice3A_9 = vector.extract_strided_slice %add3A {offsets = [0, 128], sizes = [2000, 8], strides = [1, 1]} : vector<2000x144xf32> to vector<2000x8xf32>
    %iota3A = tpu.iota {dimensions = array<i32: 0>} : vector<8x128xi32>
    %iota3A_10 = tpu.iota {dimensions = array<i32: 1>} : vector<8x128xi32>
    %jit3A = arith.constant 16 : i32
    %div3A = vector.broadcast %jit3A : i32 to vector<8x128xi32>
    %div3A_11 = arith.divsi %iota3A_10, %div3A : vector<8x128xi32>
    %sign3A = arith.constant 0 : i32
    %sign3A_12 = vector.broadcast %sign3A : i32 to vector<8x128xi32>
    %sign3A_13 = arith.cmpi sgt, %iota3A_10, %sign3A_12 : vector<8x128xi32>
    %sign3A_14 = arith.extui %sign3A_13 : vector<8x128xi1> to vector<8x128xi32>
    %sign3A_15 = arith.constant 0 : i32
    %sign3A_16 = vector.broadcast %sign3A_15 : i32 to vector<8x128xi32>
    %sign3A_17 = arith.cmpi slt, %iota3A_10, %sign3A_16 : vector<8x128xi32>
    %sign3A_18 = arith.extui %sign3A_17 : vector<8x128xi1> to vector<8x128xi32>
    %sign3A_19 = arith.subi %sign3A_14, %sign3A_18 : vector<8x128xi32>
    %sign3A_20 = arith.constant 0 : i32
    %sign3A_21 = arith.cmpi sgt, %jit3A, %sign3A_20 : i32
    %sign3A_22 = arith.extui %sign3A_21 : i1 to i32
    %sign3A_23 = arith.constant 0 : i32
    %sign3A_24 = arith.cmpi slt, %jit3A, %sign3A_23 : i32
    %sign3A_25 = arith.extui %sign3A_24 : i1 to i32
    %sign3A_26 = arith.subi %sign3A_22, %sign3A_25 : i32
    %ne3A = vector.broadcast %sign3A_26 : i32 to vector<8x128xi32>
    %ne3A_27 = arith.cmpi ne, %sign3A_19, %ne3A : vector<8x128xi32>
    %rem3A = vector.broadcast %jit3A : i32 to vector<8x128xi32>
    %rem3A_28 = arith.remsi %iota3A_10, %rem3A : vector<8x128xi32>
    %ne3A_29 = arith.constant 0 : i32
    %ne3A_30 = vector.broadcast %ne3A_29 : i32 to vector<8x128xi32>
    %ne3A_31 = arith.cmpi ne, %rem3A_28, %ne3A_30 : vector<8x128xi32>
    %and3A = arith.andi %ne3A_27, %ne3A_31 : vector<8x128xi1>
    %sub3A = arith.constant 1 : i32
    %sub3A_32 = vector.broadcast %sub3A : i32 to vector<8x128xi32>
    %sub3A_33 = arith.subi %div3A_11, %sub3A_32 : vector<8x128xi32>
    %select_n3A = arith.select %and3A, %sub3A_33, %div3A_11 : vector<8x128xi1>, vector<8x128xi32>
    %eq3A = arith.cmpi eq, %select_n3A, %iota3A : vector<8x128xi32>
    %convert_element_type3A = arith.extui %eq3A : vector<8x128xi1> to vector<8x128xi32>
    %convert_element_type3A_34 = arith.sitofp %convert_element_type3A : vector<8x128xi32> to vector<8x128xf32>
    %dot_general3A = arith.constant dense<0.000000e+00> : vector<2000x128xf32>
    %dot_general3A_35 = tpu.matmul %slice3A_9, %convert_element_type3A_34, %dot_general3A {dimension_numbers = #tpu.dot_dimension_numbers<[1], [0], [0], [1], [0, 0, 1, 1], [], []>, transpose_lhs_hint = false} : vector<2000x8xf32>, vector<8x128xf32>, vector<2000x128xf32> -> vector<2000x128xf32>
    %gt3A = arith.constant 0.000000e+00 : f32
    %gt3A_36 = vector.broadcast %gt3A : f32 to vector<2000x128xf32>
    %gt3A_37 = arith.cmpf ogt, %dot_general3A_35, %gt3A_36 : vector<2000x128xf32>
    %jit3A_38 = arith.constant 1.000000e+00 : f32
    %broadcast_in_dim3A = vector.broadcast %jit3A_38 : f32 to vector<2000x128xf32>
    %select_n3A_39 = arith.select %gt3A_37, %dot_general3A_35, %broadcast_in_dim3A : vector<2000x128xi1>, vector<2000x128xf32>
    %div3A_40 = arith.divf %slice3A, %select_n3A_39 : vector<2000x128xf32>
    %get3A_41 = arith.constant 0 : index
    %get3A_42 = arith.constant 0 : index
    %get3A_43 = vector.load %arg2[%get3A_41, %get3A_42] : memref<2000x128xf32, #tpu.memory_space<vmem>>, vector<2000x128xf32>
    %add3A_44 = arith.addf %div3A_40, %get3A_43 : vector<2000x128xf32>
    %get3A_45 = arith.constant 0 : index
    %get3A_46 = arith.constant 0 : index
    %get3A_47 = vector.load %arg3[%get3A_45, %get3A_46] : memref<1x128xf32, #tpu.memory_space<vmem>>, vector<1x128xf32>
    %get3A_48 = arith.constant 0 : index
    %get3A_49 = arith.constant 0 : index
    %get3A_50 = vector.load %arg4[%get3A_48, %get3A_49] : memref<1x128xf32, #tpu.memory_space<vmem>>, vector<1x128xf32>
    %reduce_sum3A = arith.constant dense<0.000000e+00> : vector<2000xf32>
    %reduce_sum3A_51 = vector.multi_reduction <add>, %add3A_44, %reduce_sum3A [1] : vector<2000x128xf32> to vector<2000xf32>
    %broadcast_in_dim3A_52 = vector.shape_cast %reduce_sum3A_51 : vector<2000xf32> to vector<2000x1xf32>
    %div3A_53 = arith.constant 1.280000e+02 : f32
    %div3A_54 = vector.broadcast %div3A_53 : f32 to vector<2000x1xf32>
    %div3A_55 = arith.divf %broadcast_in_dim3A_52, %div3A_54 : vector<2000x1xf32>
    %sub3A_56 = vector.broadcast %div3A_55 : vector<2000x1xf32> to vector<2000x128xf32>
    %sub3A_57 = arith.subf %add3A_44, %sub3A_56 : vector<2000x128xf32>
    %integer_pow3A = arith.mulf %sub3A_57, %sub3A_57 : vector<2000x128xf32>
    %reduce_sum3A_58 = arith.constant dense<0.000000e+00> : vector<2000xf32>
    %reduce_sum3A_59 = vector.multi_reduction <add>, %integer_pow3A, %reduce_sum3A_58 [1] : vector<2000x128xf32> to vector<2000xf32>
    %broadcast_in_dim3A_60 = vector.shape_cast %reduce_sum3A_59 : vector<2000xf32> to vector<2000x1xf32>
    %div3A_61 = arith.constant 1.280000e+02 : f32
    %div3A_62 = vector.broadcast %div3A_61 : f32 to vector<2000x1xf32>
    %div3A_63 = arith.divf %broadcast_in_dim3A_60, %div3A_62 : vector<2000x1xf32>
    %sub3A_64 = vector.broadcast %div3A_55 : vector<2000x1xf32> to vector<2000x128xf32>
    %sub3A_65 = arith.subf %add3A_44, %sub3A_64 : vector<2000x128xf32>
    %add3A_66 = arith.constant 9.99999974E-6 : f32
    %add3A_67 = vector.broadcast %add3A_66 : f32 to vector<2000x1xf32>
    %add3A_68 = arith.addf %div3A_63, %add3A_67 : vector<2000x1xf32>
    %sqrt3A = math.sqrt %add3A_68 : vector<2000x1xf32>
    %div3A_69 = vector.broadcast %sqrt3A : vector<2000x1xf32> to vector<2000x128xf32>
    %div3A_70 = arith.divf %sub3A_65, %div3A_69 : vector<2000x128xf32>
    %mul3A = vector.broadcast %get3A_47 : vector<1x128xf32> to vector<2000x128xf32>
    %mul3A_71 = arith.mulf %div3A_70, %mul3A : vector<2000x128xf32>
    %add3A_72 = vector.broadcast %get3A_50 : vector<1x128xf32> to vector<2000x128xf32>
    %add3A_73 = arith.addf %mul3A_71, %add3A_72 : vector<2000x128xf32>
    %get3A_74 = arith.constant 0 : index
    %get3A_75 = arith.constant 0 : index
    %get3A_76 = vector.load %arg5[%get3A_74, %get3A_75] : memref<128x512xf32, #tpu.memory_space<vmem>>, vector<128x512xf32>
    %dot_general3A_77 = arith.constant dense<0.000000e+00> : vector<2000x512xf32>
    %dot_general3A_78 = tpu.matmul %add3A_73, %get3A_76, %dot_general3A_77 {dimension_numbers = #tpu.dot_dimension_numbers<[1], [0], [0], [1], [0, 0, 1, 1], [], []>, transpose_lhs_hint = false} : vector<2000x128xf32>, vector<128x512xf32>, vector<2000x512xf32> -> vector<2000x512xf32>
    %get3A_79 = arith.constant 0 : index
    %get3A_80 = arith.constant 0 : index
    %get3A_81 = vector.load %arg6[%get3A_79, %get3A_80] : memref<1x512xf32, #tpu.memory_space<vmem>>, vector<1x512xf32>
    %add3A_82 = vector.broadcast %get3A_81 : vector<1x512xf32> to vector<2000x512xf32>
    %add3A_83 = arith.addf %dot_general3A_78, %add3A_82 : vector<2000x512xf32>
    %ge3A = arith.constant 0.000000e+00 : f32
    %ge3A_84 = vector.broadcast %ge3A : f32 to vector<2000x512xf32>
    %ge3A_85 = arith.cmpf oge, %add3A_83, %ge3A_84 : vector<2000x512xf32>
    %get3A_86 = arith.constant 0 : index
    %get3A_87 = arith.constant 0 : index
    %get3A_88 = vector.load %arg7[%get3A_86, %get3A_87] : memref<1x512xf32, #tpu.memory_space<vmem>>, vector<1x512xf32>
    %mul3A_89 = vector.broadcast %get3A_88 : vector<1x512xf32> to vector<2000x512xf32>
    %mul3A_90 = arith.mulf %mul3A_89, %add3A_83 : vector<2000x512xf32>
    %select_n3A_91 = arith.select %ge3A_85, %add3A_83, %mul3A_90 : vector<2000x512xi1>, vector<2000x512xf32>
    %get3A_92 = arith.constant 0 : index
    %get3A_93 = arith.constant 0 : index
    %get3A_94 = vector.load %arg8[%get3A_92, %get3A_93] : memref<512x128xf32, #tpu.memory_space<vmem>>, vector<512x128xf32>
    %dot_general3A_95 = arith.constant dense<0.000000e+00> : vector<2000x128xf32>
    %dot_general3A_96 = tpu.matmul %select_n3A_91, %get3A_94, %dot_general3A_95 {dimension_numbers = #tpu.dot_dimension_numbers<[1], [0], [0], [1], [0, 0, 1, 1], [], []>, transpose_lhs_hint = false} : vector<2000x512xf32>, vector<512x128xf32>, vector<2000x128xf32> -> vector<2000x128xf32>
    %get3A_97 = arith.constant 0 : index
    %get3A_98 = arith.constant 0 : index
    %get3A_99 = vector.load %arg9[%get3A_97, %get3A_98] : memref<1x128xf32, #tpu.memory_space<vmem>>, vector<1x128xf32>
    %add3A_100 = vector.broadcast %get3A_99 : vector<1x128xf32> to vector<2000x128xf32>
    %add3A_101 = arith.addf %dot_general3A_96, %add3A_100 : vector<2000x128xf32>
    %add3A_102 = arith.addf %add3A_73, %add3A_101 : vector<2000x128xf32>
    %reduce_sum3A_103 = arith.constant dense<0.000000e+00> : vector<2000xf32>
    %reduce_sum3A_104 = vector.multi_reduction <add>, %add3A_102, %reduce_sum3A_103 [1] : vector<2000x128xf32> to vector<2000xf32>
    %broadcast_in_dim3A_105 = vector.shape_cast %reduce_sum3A_104 : vector<2000xf32> to vector<2000x1xf32>
    %div3A_106 = arith.constant 1.280000e+02 : f32
    %div3A_107 = vector.broadcast %div3A_106 : f32 to vector<2000x1xf32>
    %div3A_108 = arith.divf %broadcast_in_dim3A_105, %div3A_107 : vector<2000x1xf32>
    %sub3A_109 = vector.broadcast %div3A_108 : vector<2000x1xf32> to vector<2000x128xf32>
    %sub3A_110 = arith.subf %add3A_102, %sub3A_109 : vector<2000x128xf32>
    %integer_pow3A_111 = arith.mulf %sub3A_110, %sub3A_110 : vector<2000x128xf32>
    %reduce_sum3A_112 = arith.constant dense<0.000000e+00> : vector<2000xf32>
    %reduce_sum3A_113 = vector.multi_reduction <add>, %integer_pow3A_111, %reduce_sum3A_112 [1] : vector<2000x128xf32> to vector<2000xf32>
    %broadcast_in_dim3A_114 = vector.shape_cast %reduce_sum3A_113 : vector<2000xf32> to vector<2000x1xf32>
    %div3A_115 = arith.constant 1.280000e+02 : f32
    %div3A_116 = vector.broadcast %div3A_115 : f32 to vector<2000x1xf32>
    %div3A_117 = arith.divf %broadcast_in_dim3A_114, %div3A_116 : vector<2000x1xf32>
    %sub3A_118 = vector.broadcast %div3A_108 : vector<2000x1xf32> to vector<2000x128xf32>
    %sub3A_119 = arith.subf %add3A_102, %sub3A_118 : vector<2000x128xf32>
    %add3A_120 = arith.constant 9.99999974E-6 : f32
    %add3A_121 = vector.broadcast %add3A_120 : f32 to vector<2000x1xf32>
    %add3A_122 = arith.addf %div3A_117, %add3A_121 : vector<2000x1xf32>
    %sqrt3A_123 = math.sqrt %add3A_122 : vector<2000x1xf32>
    %div3A_124 = vector.broadcast %sqrt3A_123 : vector<2000x1xf32> to vector<2000x128xf32>
    %div3A_125 = arith.divf %sub3A_119, %div3A_124 : vector<2000x128xf32>
    %mul3A_126 = vector.broadcast %get3A_47 : vector<1x128xf32> to vector<2000x128xf32>
    %mul3A_127 = arith.mulf %div3A_125, %mul3A_126 : vector<2000x128xf32>
    %add3A_128 = vector.broadcast %get3A_50 : vector<1x128xf32> to vector<2000x128xf32>
    %add3A_129 = arith.addf %mul3A_127, %add3A_128 : vector<2000x128xf32>
    %swap3A = arith.constant 0 : index
    %swap3A_130 = arith.constant 0 : index
    %swap3A_131 = vector.load %arg10[%swap3A, %swap3A_130] : memref<2000x128xf32, #tpu.memory_space<vmem>>, vector<2000x128xf32>
    tpu.vector_store %arg10[%swap3A, %swap3A_130], %add3A_129 {strides = array<i32>} : memref<2000x128xf32, #tpu.memory_space<vmem>>, vector<2000x128xf32>,
    return
  }
  func.func @transform_0(%arg0: i32) -> (i32, i32, i32) {
    %c0_i32 = arith.constant 0 : i32
    %c0_i32_0 = arith.constant 0 : i32
    %c0_i32_1 = arith.constant 0 : i32
    return %c0_i32, %arg0, %c0_i32_0 : i32, i32, i32
  }
  func.func @transform_1(%arg0: i32) -> (i32, i32) {
    %c0_i32 = arith.constant 0 : i32
    %c0_i32_0 = arith.constant 0 : i32
    return %arg0, %c0_i32 : i32, i32
  }
  func.func @transform_2(%arg0: i32) -> (i32, i32) {
    %c0_i32 = arith.constant 0 : i32
    %c0_i32_0 = arith.constant 0 : i32
    %c0_i32_1 = arith.constant 0 : i32
    return %c0_i32, %c0_i32_0 : i32, i32
  }
  func.func @transform_3(%arg0: i32) -> (i32, i32) {
    %c0_i32 = arith.constant 0 : i32
    %c0_i32_0 = arith.constant 0 : i32
    %c0_i32_1 = arith.constant 0 : i32
    return %c0_i32, %c0_i32_0 : i32, i32
  }
  func.func @transform_4(%arg0: i32) -> (i32, i32) {
    %c0_i32 = arith.constant 0 : i32
    %c0_i32_0 = arith.constant 0 : i32
    %c0_i32_1 = arith.constant 0 : i32
    return %c0_i32, %c0_i32_0 : i32, i32
  }
  func.func @transform_5(%arg0: i32) -> (i32, i32) {
    %c0_i32 = arith.constant 0 : i32
    %c0_i32_0 = arith.constant 0 : i32
    %c0_i32_1 = arith.constant 0 : i32
    return %c0_i32, %c0_i32_0 : i32, i32
  }
  func.func @transform_6(%arg0: i32) -> (i32, i32) {
    %c0_i32 = arith.constant 0 : i32
    %c0_i32_0 = arith.constant 0 : i32
    %c0_i32_1 = arith.constant 0 : i32
    return %c0_i32, %c0_i32_0 : i32, i32
  }
  func.func @transform_7(%arg0: i32) -> (i32, i32) {
    %c0_i32 = arith.constant 0 : i32
    %c0_i32_0 = arith.constant 0 : i32
    %c0_i32_1 = arith.constant 0 : i32
    return %c0_i32, %c0_i32_0 : i32, i32
  }
  func.func @transform_8(%arg0: i32) -> (i32, i32) {
    %c0_i32 = arith.constant 0 : i32
    %c0_i32_0 = arith.constant 0 : i32
    %c0_i32_1 = arith.constant 0 : i32
    return %c0_i32, %c0_i32_0 : i32, i32
  }
  func.func @transform_9(%arg0: i32) -> (i32, i32) {
    %c0_i32 = arith.constant 0 : i32
    %c0_i32_0 = arith.constant 0 : i32
    return %arg0, %c0_i32 : i32, i32
  }
}

</mosaic_0001>

<sc_bundles>
// kernel: kernel.5.cloned.1.call-start
scs
__scs_entry_jumppad:
0x0: {  	(pc) =	sbr.rel $0x88, $3  }
0x1: {  	(tag) =	ssettag $0x0;
	lr =	simm.s32 $0x1  }
0x2: {  	[smem:$0x3F92] =	sst lr;
	_ =	strace $0xD0000000  }
0x3: {  	_ = 	snop  }
0x4: {  	_ = 	snop  }
0x5: {  	_ = 	snop  }
0x6: {  	_ = 	snop  }
0x7: {  	_ = 	snop  }
__scs_overlays_trampoline_lowered:
0x8: {  	[smem:$0x3FA1] =	sst s0  }
0x9: {  	[smem:$0x3FA2] =	sst s1  }
0xa: {  	[smem:$0x3FA3] =	sst s2  }
0xb: {  	[smem:$0x3FA4] =	sst s3  }
0xc: {  	[smem:$0x3FA5] =	sst s4  }
0xd: {  	[smem:$0x3FA6] =	sst s5  }
0xe: {  	[smem:$0x3FA7] =	sst s6  }
0xf: {  	[smem:$0x3FA8] =	sst s7  }
0x10: {  	[smem:$0x3FA9] =	sst s8  }
0x11: {  	[smem:$0x3FAA] =	sst s9;
	s0 =	simm.s32 @!p0 $0x0  }
0x12: {  	s1 =	sld [smem:$0x3F90];
	s0 =	simm.s32 @p0 $0x1  }
0x13: {  	[smem:$0x3FAB] =	sst s0;
	s0 =	simm.s32 @!p1 $0x0  }
0x14: {  	s2 =	sld [smem:$0x3F8F];
	s0 =	simm.s32 @p1 $0x1  }
0x15: {  	[smem:$0x3FAC] =	sst s0;
	s0 =	simm.s32 @!p2 $0x0  }
0x16: {  	s3 =	sld [smem:$0x3FDB];
	s0 =	simm.s32 @p2 $0x1  }
0x17: {  	s4 =	simm.s32 $0x1BF5;
	[smem:$0x3FAE] =	sst s0  }
0x18: {  	s0 =	sld [smem:$0x3F91];
	_ =	swait.ge [sflag:s4], $0x0  }
0x19: {  	s7 =	sld [smem:$0x3F92]  }
0x1a: {  	s8 =	sadd.s32 $0xFFFFE003, lr  }
0x1b: {  	s9 =	sadd.s32 $0xFFFFFEF7, lr;
	s5 =	simm.s32 $0xFFFFFFFF;
	p2 =	slt.u32 s8, $0xFFFFF086  }
0x1c: {  	p1 =	slt.u32 s9, $0xF7A;
	s5 =	simm.s32 @!p2 $0x0  }
0x1d: {  	s5 =	simm.s32 @p1 $0x1;
	p0 =	seq.s32 s7, s2  }
0x1e: {  	s7 =	smul.u32 @!p0 $0xF7A, s2;
	p2 =	seq.s32 @!p0 s5, $0x0  }
0x1f: {  	s9 =	smul.u32 $0xF7A, s1;
	s8 =	simm.s32 @!p0 $0x1BF5;
	p2 =	por !p2, p0  }
0x20: {  	[sflag:s8] =	ssyncset.s32 @!p0 $0xFFFFF086;
	s6 =	sadd.s32 @!p0 s3, s7;
	s7 =	simm.s32 @!p0 $0x108  }
0x21: {  	s3 =	sadd.s32 s3, s9;
	s6 =	sadd.s32 @!p0 $0x88, s6;
	s7 =	simm.s32 @p2 $0x1082  }
0x22: {  	[simem:s7], [sflag:s8] =	dma.local @!p0 [hbm:s6], $0xF7A  }
0x23: {  	s9 =	sor.u32 $0xD0000000, s2;
	s6 =	simm.s32 $0x108;
	_ =	swait.ge @!p0 [sflag:s8], $0x0  }
0x24: {  	s3 =	sadd.s32 $0x88, s3;
	s6 =	simm.s32 @!p1 $0x1082;
	[sflag:s4] =	ssyncset.s32 $0xFFFFF086  }
0x25: {  	[simem:s6], [sflag:s4] =	dma.local [hbm:s3], $0xF7A  }
0x26: {  	[smem:$0x3F92] =	sst s1;
	(tag) =	ssettag s2;
	_ =	strace s9  }
0x27: {  	s1 =	sld [smem:$0x3FA2]  }
0x28: {  	s2 =	sld [smem:$0x3FA3]  }
0x29: {  	s4 =	sld [smem:$0x3FA5]  }
0x2a: {  	p0 =	seq.s32 s5, $0x0;
	s5 =	sld [smem:$0x3FA6]  }
0x2b: {  	s6 =	sld [smem:$0x3FA7]  }
0x2c: {  	s7 =	sld [smem:$0x3FA8]  }
0x2d: {  	s3 =	simm.s32 $0x108;
	s8 =	sld [smem:$0x3FA9]  }
0x2e: {  	s3 =	simm.s32 @!p0 $0x1082;
	s9 =	sld [smem:$0x3FAA]  }
0x2f: {  	lr =	sadd.s32 s0, s3;
	s0 =	sld [smem:$0x3FA1]  }
0x30: {  	s3 =	sld [smem:$0x3FA4]  }
0x31: {  	[smem:$0x3FAD] =	sst s10  }
0x32: {  	s10 =	sld [smem:$0x3FAB];
	_ =	sdelay $0x3  }
0x33: {  	p0 =	seq.s32 s10, $0x1;
	s10 =	sld [smem:$0x3FAD];
	_ =	sdelay $0x3  }
0x34: {  	[smem:$0x3FAD] =	sst s10  }
0x35: {  	s10 =	sld [smem:$0x3FAC];
	_ =	sdelay $0x3  }
0x36: {  	p1 =	seq.s32 s10, $0x1;
	s10 =	sld [smem:$0x3FAD];
	_ =	sdelay $0x3  }
0x37: {  	[smem:$0x3FAD] =	sst s10  }
0x38: {  	s10 =	sld [smem:$0x3FAE]  }
0x39: {  	_ = 	snop;
	(pc) =	sbr.ind lr, $3  }
0x3a: {  	_ = 	snop  }
0x3b: {  	_ = 	snop  }
0x3c: {  	p2 =	seq.s32 s10, $0x1;
	s10 =	sld [smem:$0x3FAD]  }
0x3d: {  	_ =	shalt  }
0x3e: {  	_ =	shalt  }
0x3f: {  	_ =	shalt  }
0x40: {  	_ =	shalt  }
0x41: {  	_ =	shalt  }
0x42: {  	_ =	shalt  }
0x43: {  	_ =	shalt  }
0x44: {  	_ =	shalt  }
0x45: {  	_ =	shalt  }
0x46: {  	_ =	shalt  }
0x47: {  	_ =	shalt  }
0x48: {  	_ =	shalt  }
0x49: {  	_ =	shalt  }
0x4a: {  	_ =	shalt  }
0x4b: {  	_ =	shalt  }
0x4c: {  	_ =	shalt  }
0x4d: {  	_ =	shalt  }
0x4e: {  	_ =	shalt  }
0x4f: {  	_ =	shalt  }
0x50: {  	_ =	shalt  }
0x51: {  	_ =	shalt  }
0x52: {  	_ =	shalt  }
0x53: {  	_ =	shalt  }
0x54: {  	_ =	shalt  }
0x55: {  	_ =	shalt  }
0x56: {  	_ =	shalt  }
0x57: {  	_ =	shalt  }
0x58: {  	_ =	shalt  }
0x59: {  	_ =	shalt  }
0x5a: {  	_ =	shalt  }
0x5b: {  	_ =	shalt  }
0x5c: {  	_ =	shalt  }
0x5d: {  	_ =	shalt  }
0x5e: {  	_ =	shalt  }
0x5f: {  	_ =	shalt  }
0x60: {  	_ =	shalt  }
0x61: {  	_ =	shalt  }
0x62: {  	_ =	shalt  }
0x63: {  	_ =	shalt  }
0x64: {  	_ =	shalt  }
0x65: {  	_ =	shalt  }
0x66: {  	_ =	shalt  }
0x67: {  	_ =	shalt  }
0x68: {  	_ =	shalt  }
0x69: {  	_ =	shalt  }
0x6a: {  	_ =	shalt  }
0x6b: {  	_ =	shalt  }
0x6c: {  	_ =	shalt  }
0x6d: {  	_ =	shalt  }
0x6e: {  	_ =	shalt  }
0x6f: {  	_ =	shalt  }
0x70: {  	_ =	shalt  }
0x71: {  	_ =	shalt  }
0x72: {  	_ =	shalt  }
0x73: {  	_ =	shalt  }
0x74: {  	_ =	shalt  }
0x75: {  	_ =	shalt  }
0x76: {  	_ =	shalt  }
0x77: {  	_ =	shalt  }
0x78: {  	_ =	shalt  }
0x79: {  	_ =	shalt  }
0x7a: {  	_ =	shalt  }
0x7b: {  	_ =	shalt  }
0x7c: {  	_ =	shalt  }
0x7d: {  	_ =	shalt  }
0x7e: {  	_ =	shalt  }
0x7f: {  	_ =	shalt  }
0x80: {  	_ =	shalt  }
0x81: {  	_ =	shalt  }
0x82: {  	_ =	shalt  }
0x83: {  	_ =	shalt  }
0x84: {  	_ =	shalt  }
0x85: {  	_ =	shalt  }
0x86: {  	_ =	shalt  }
0x87: {  	_ =	shalt  }
.Lfunc_end0:
.L_simem_size_0:
called_computation_lowered:
.L_overlay_start_0:
0x88: {  	s2 =	sld [smem:$0x3FD9]  }
0x89: {  	s3 =	sld [smem:$0x3FFE];
	_ =	sdelay $0x1  }
0x8a: {  	s1 =	srdreg.scid  }
0x8b: {  	s0 =	sand.u32 $0x1, s1  }
0x8c: {  	s17 =	sshll.u32 s0, $0xA;
	s2 =	sadd.s32 s3, s2  }
0x8d: {  	s2 =	sadd.s32 s2, s17  }
0x8e: {  	[smem:$0x3FB9] =	sst s2  }
0x8f: {  	_ = 	snop  }
0x90: {  	s2 =	sld [smem:$0x3FD0];
	(tm) =	ssettm $0x1  }
0x91: {  	s18 =	sld [smem:$0x3FFB];
	_ =	sdelay $0x3  }
0x92: {  	_ =	strace s18  }
0x93: {  	s3 =	sld [smem:$0x3FFC];
	_ =	sdelay $0x3  }
0x94: {  	_ =	strace s3  }
0x95: {  	s3 =	sld [smem:$0x3FFD];
	_ =	sdelay $0x3  }
0x96: {  	_ =	strace s3  }
0x97: {  	_ =	strace $0x8FFFFFFF  }
0x98: {  	s19 =	sld [smem:$0x3FDB];
	_ =	sdelay $0x1  }
0x99: {  	s4 =	simm.s32 $_scs_section_size  }
0x9a: {  	s5 =	simm.s32 $_size__tile_overlayer_lowered;
	s6 =	simm.s32 $_tile_overlayer_lowered  }
0x9b: {  	s22 =	simm.s32 $0x1BFF;
	s21 =	sshll.u32 s6, $0x1;
	s3 =	sadd.s32 s4, s19  }
0x9c: {  	s7 =	simm.s32 $0x0;
	s20 =	sshll.u32 s5, $0x1;
	s5 =	sadd.s32 s21, s3  }
0x9d: {  	[timem:s7], [sflag:s22] =	dma.local [hbm:s5], s20  }
0x9e: {  	_ =	swait.ge [sflag:s22], s20  }
0x9f: {  	s4 =	ssub.s32 $0x0, s20;
	[sflag:s22] =	ssyncset.done $0x0  }
0xa0: {  	[sflag:s22] =	ssyncadd.s32 s4;
	_ =	sdelay $0x1  }
0xa1: {  	s23 =	simm.s32 $0x1B8B  }
0xa2: {  	_ =	swait.ge [sflag:s23], $0x1  }
0xa3: {  	[sflag:s23] =	ssyncset.done $0x0  }
0xa4: {  	s25 =	simm.s32 $0x1B8E;
	s24 =	sld [smem:$0x3FFE];
	[sflag:s23] =	ssyncadd.s32 $0xFFFFFFFF  }
0xa5: {  	s26 =	simm.s32 $execute0_lowered;
	[smem:$0x3FD2] =	sst s25  }
0xa6: {  	s5 =	sshll.u32 s26, $0x1;
	_ =	strace $0x80000046;
	[dreg:$0x1] =	wrdreg $0xFFFFFFFF  }
0xa7: {  	s28 =	simm.s32 $_size_execute0_lowered;
	s3 =	sadd.s32 s3, s5;
	[dreg:$0x0] =	wrdreg $0x0  }
0xa8: {  	s5 =	sshll.u32 s28, $0x1;
	[dreg:$0x2] =	wrdreg s3  }
0xa9: {  	[dreg:$0x3] =	wrdreg s5  }
0xaa: {  	[dreg:$0x4] =	wrdreg $0xC0  }
0xab: {  	_ =	task [dreg:s7], $0x5FFFF  }
0xac: {  	[dreg:$0x1] =	wrdreg $0xFFFFFFFF  }
0xad: {  	[dreg:$0x0] =	wrdreg $0x60  }
0xae: {  	[dreg:$0x2] =	wrdreg s24  }
0xaf: {  	[dreg:$0x3] =	wrdreg s2  }
0xb0: {  	[dreg:$0x4] =	wrdreg $0x0  }
0xb1: {  	[dreg:$0x5] =	wrdreg $0x9  }
0xb2: {  	_ =	task.clear_ibuf [dreg:s7], $0x6FFFF;
	_ =	strace $0x90000046  }
0xb3: {  	s29 =	simm.s32 $0x9;
	_ =	strace $0x80000048  }
0xb4: {  	_ =	swait.ge [sflag:s29], $0x1  }
0xb5: {  	[sflag:s29] =	ssyncadd.s32 $0xFFFFFFFF  }
0xb6: {  	_ =	strace $0x90000048  }
0xb7: {  	_ =	sfence  }
0xb8: {  	s30 =	sld [smem:$0x0];
	_ =	sdelay $0x2  }
0xb9: {  	s31 =	sshll.u32 s1, $0xD;
	s1 =	sshrl.u32 s1, $0x2  }
0xba: {  	s3 =	sand.u32 $0x4000, s31;
	s1 =	sadd.s32 s1, s30  }
0xbb: {  	s0 =	sor.u32 s3, s0;
	s1 =	sshll.u32 s1, $0x11  }
0xbc: {  	s0 =	sor.u32 s1, s0  }
0xbd: {  	s0 =	sadd.s32 $0x8F2B, s0  }
0xbe: {  	[sflag:s0] =	ssyncadd.remote.s32 $0x1  }
0xbf: {  	_ =	sfence.sel $0xFFFF  }
0xc0: {  	[dreg:$0x0] =	wrdreg $0xFFFFFFFF;
	(pc) =	sbr.abs _section_cstart, $3  }
0xc1: {  	[dreg:$0x1] =	wrdreg $0xFFFFFFFF  }
0xc2: {  	_ =	task.clear_ibuf [dreg:s7], $0x2FFFF;
	_ =	strace $0x9FFFFFFF  }
0xc3: {  	(tm) =	ssettm $0x7FFFFFFF  }
tec
execute0_lowered:
.L_overlay_start_1:
0x0: {  	(tag) =	ssettag $0x1  }
0x1: {  	s0 =	rddreg [dreg:$0x0];
	s13 =	stileid.u32  }
0x2: {  	s3 =	srdreg.scid;
	s8 =	smul.u32 $0x16800, s13  }
0x3: {  	s3 =	sand.u32 $0x1, s3;
	s9 =	sshll.u32 s13, $0x1;
	s13 =	smul.u32 $0x5A000, s13  }
0x4: {  	s1 =	rddreg [dreg:$0x1];
	s7 =	smul.u32 $0x168000, s3;
	s9 =	sor.u32 s3, s9  }
0x5: {  	s2 =	rddreg [dreg:$0x2];
	s4 =	simm.s32 $0x0;
	s11 =	smul.u32 $0x2710, s9  }
0x6: {  	[smem:$0x7FF] =	sst s4;
	s5 =	sadd.s32 $0x15000, s0;
	s29 =	smul.u32 $0xFA, s9  }
0x7: {  	s6 =	sadd.s32 $0xB200, s0;
	s3 =	ssub.s32 $0x2, s3;
	s9 =	smul.u32 $0x4E2, s9  }
0x8: {  	_ =	strace $0x80000047;
	s12 =	sshrl.u32 s3, $0x1;
	s14 =	sshrl.u32 s13, $0x2  }
0x9: {  	s10 =	sadd.s32 s8, s7;
	s7 =	sadd.s32 $0x1400, s0;
	s30 =	sadd.s32 s6, s9  }
0xa: {  	s3 =	ssub.s32 s3, s12;
	s9 =	sadd.s32 s7, s9;
	[dreg:$0x4] =	wrdreg s30  }
0xb: {  	s11 =	sadd.s32 $0x28, s11;
	s3 =	smax.u32 s3, $0x1;
	[dreg:$0x5] =	wrdreg s9  }
0xc: {  	s11 =	sshrl.u32 s11, $0x3;
	s9 =	sadd.s32 s14, s2;
	[dreg:$0xc] =	wrdreg s3  }
0xd: {  	s10 =	sshrl.u32 s10, $0x3;
	s31 =	sadd.s32 s6, s11;
	[dreg:$0x9] =	wrdreg s9  }
0xe: {  	v0 =	vimm.s32 $0xFEDCBA98;
	s0 =	sadd.s32 s10, s0;
	s12 =	sadd.s32 s7, s11;
	[dreg:$0x6] =	wrdreg s31  }
0xf: {  	v1 =	vimm.s32 $0x76543210;
	v2 =	vimm.s32 $0xBA98FEDC;
	s0 =	sadd.s32 $0x63200, s0;
	[dreg:$0x7] =	wrdreg s12  }
0x10: {  	v4 =	vimm.s32 $0x32107654;
	v5 =	vimm.s32 $0xDCFE98BA;
	s16 =	sadd.s32 $0x1680, s9;
	[dreg:$0x8] =	wrdreg s0  }
0x11: {  	v6 =	vimm.s32 $0x54761032;
	vm0 =	vmmov $0xff;
	vm1 =	vcmask $0x2F20;
	s17 =	sadd.s32 $0x2D00, s9;
	[dreg:$0xa] =	wrdreg s16  }
0x12: {  	vm2 =	vcmask $0xF00;
	vm3 =	vcmask $0x700;
	v0 =	vunpack.c.l.s4.s8 v0;
	s18 =	sadd.s32 $0x4380, s9;
	[dreg:$0xb] =	wrdreg s17  }
0x13: {  	v7 =	vimm.s32 $0x8;
	v8 =	vimm.s32 $0x4;
	v1 =	vunpack.c.l.s4.s8 v1;
	s19 =	sadd.s32 $0x5A00, s9;
	[dreg:$0xd] =	wrdreg s18  }
0x14: {  	v2 =	vunpack.c.l.s4.s8 v2;
	v4 =	vunpack.c.l.s4.s8 v4;
	v3 =	vunpack.c.0.s8.s32 v0;
	s20 =	sadd.s32 $0x7080, s9;
	[dreg:$0xe] =	wrdreg s19  }
0x15: {  	v9 =	vimm.s32 $0xC;
	v5 =	vunpack.c.l.s4.s8 v5;
	v1 =	vunpack.c.0.s8.s32 v1;
	s15 =	sadd.s32 s8, s2;
	s21 =	sadd.s32 $0x8700, s9;
	[dreg:$0xf] =	wrdreg s20  }
0x16: {  	v2 =	vunpack.c.0.s8.s32 v2;
	v4 =	vunpack.c.0.s8.s32 v4;
	s8 =	simm.s32 $0x1E0A0;
	v3 =	vand.u32 $0xF, v3;
	s22 =	sadd.s32 $0x9D80, s9;
	[dreg:$0x10] =	wrdreg s21  }
0x17: {  	v10 =	vimm.s32 $0x2;
	s13 =	sadd.s32 $0x3, s29;
	v1 =	vcombine.low v3, v1;
	v3 =	vunpack.c.l.s4.s8 v6;
	s23 =	sadd.s32 $0xB400, s9;
	[dreg:$0x11] =	wrdreg s22  }
0x18: {  	v11 =	vimm.s32 $0xA;
	v2 =	vcombine.low v4, v2;
	v4 =	vunpack.c.0.s8.s32 v5;
	s10 =	simm.s32 $0x16878;
	s24 =	sadd.s32 $0xCA80, s9;
	[dreg:$0x12] =	wrdreg s23  }
0x19: {  	v5 =	vimm.s32 $0xEFCDAB89;
	v6 =	vimm.s32 $0x67452301;
	s3 =	simm.s32 $0x0;
	s25 =	sadd.s32 $0xE100, s9;
	v3 =	vunpack.c.0.s8.s32 v3;
	[dreg:$0x14] =	wrdreg s24  }
0x1a: {  	v12 =	vimm.s32 $0x6;
	v5 =	vunpack.c.l.s4.s8 v5;
	v6 =	vunpack.c.l.s4.s8 v6;
	s26 =	sadd.s32 $0xF780, s9;
	s28 =	sadd.s32 $0x10E00, s9;
	[dreg:$0x15] =	wrdreg s25  }
0x1b: {  	vm1 =	vmor vm2, vm1;
	vm2 =	vcmask $0x1710;
	s30 =	sadd.s32 $0x13B00, s9;
	s11 =	simm.s32 $0x16828;
	[dreg:$0x16] =	wrdreg s26;
	v3 =	vcombine.low v3, v4  }
0x1c: {  	s12 =	sadd.s32 $0x2, s29;
	s0 =	sshrl.u32 s15, $0x3;
	[dreg:$0x17] =	wrdreg s28;
	v4 =	vunpack.c.0.s8.s32 v5;
	v5 =	vunpack.c.0.s8.s32 v6;
	v6 =	vimm.s32 $0xE6A2C480  }
.Ltmp0:
0x1d: {  	vm2 =	vmor vm3, vm2;
	vm3 =	vcmask $0x2720;
	s29 =	sadd.s32 $0x12480, s9;
	[dreg:$0x19] =	wrdreg s30;
	v6 =	vunpack.c.l.s4.s8 v6;
	(pc) =	sbr.rel .LBB2_1-.Ltmp0, $4  }
0x1e: {  	v13 =	vimm.s32 $0xE;
	v0 =	vimm.f32 $0.0e+00;
	vm2 =	vmor vm2, vm3;
	s31 =	sadd.s32 $0x15180, s9;
	s9 =	simm.s32 $0x7;
	s16 =	simm.s32 $0x28  }
0x1f: {  	vm3 =	vcmask $0x3730;
	s17 =	simm.s32 $0x16850;
	s18 =	simm.s32 $0x2;
	[dreg:$0x13] =	wrdreg s0;
	v4 =	vcombine.low v5, v4;
	v5 =	vunpack.c.0.s8.s32 v6  }
0x20: {  	vm2 =	vmor vm2, vm3;
	v2 =	vand.u32 $0xF, v2;
	s21 =	simm.s32 $0x3;
	s22 =	simm.s32 $0x5;
	[dreg:$0x18] =	wrdreg s29;
	v3 =	vand.u32 $0xF, v3  }
0x21: {  	s23 =	simm.s32 $0x4;
	s24 =	simm.s32 $0x6;
	[dreg:$0x1a] =	wrdreg s31;
	v6 =	vimm.s32 $0x0;
	v4 =	vand.u32 $0xF, v4;
	v5 =	vand.u32 $0xF, v5  }
.LBB2_10:
0x22: {  	s0 =	stileid.u32;
	[bflag:$0x0] =	sbarrier.arrive $0xFFFF  }
0x23: {  	s0 =	sshll.u32 s0, $0x6;
	s3 =	rddreg [dreg:$0x8]  }
0x24: {  	s14 =	rddreg [dreg:$0x13];
	s0 =	sor.u32 $0x1C07, s0  }
0x25: {  	[hbm:s3], [sflag:s0] =	dma.local [spmem:s14], $0x2D00  }
0x26: {  	_ =	swait.ge [sflag:s9], $0x2D00  }
0x27: {  	s30 =	rddreg [dreg:$0x1b]  }
0x28: {  	s31 =	rddreg [dreg:$0xc];
	s3 =	sadd.s32 $0x1, s30  }
0x29: {  	p0 =	sne.s32 s3, s31  }
.Ltmp1:
0x2a: {  	_ = 	snop;
	(pc) =	sbr.rel @!p0 .LBB2_11-.Ltmp1, $3  }
0x2b: {  	_ =	sdelay $0x1  }
0x2c: {  	[sflag:s9] =	ssyncset.done $0x0  }
0x2d: {  	[sflag:s9] =	ssyncadd.s32 $0xFFFFD300  }
.LBB2_1:
0x2e: {  	[dreg:$0x1b] =	wrdreg s3;
	s0 =	simm.s32 $0x0;
	s3 =	simm.s32 $0x240  }
.LBB2_2:
0x2f: {  	p0 =	sne.s32 s3, $0x57C0;
	[tilespmem:s0+$0x1E120] =	vst v0  }
0x30: {  	[tilespmem:s0+$0x1E0A0] =	vst v0  }
0x31: {  	[tilespmem:s0+$0x1E0B0] =	vst v0  }
0x32: {  	[tilespmem:s0+$0x1E0C0] =	vst v0  }
.Ltmp2:
0x33: {  	[tilespmem:s0+$0x1E0D0] =	vst v0;
	(pc) =	sbr.rel @p0 .LBB2_2-.Ltmp2, $4  }
0x34: {  	[tilespmem:s0+$0x1E0E0] =	vst v0  }
0x35: {  	[tilespmem:s0+$0x1E0F0] =	vst v0  }
0x36: {  	[tilespmem:s0+$0x1E100] =	vst v0  }
0x37: {  	[tilespmem:s0+$0x1E110] =	vst v0;
	s0 =	sshra.s32 s3, $0x2;
	s3 =	sadd.s32 $0x240, s3  }
0x38: {  	[tilespmem:s0+$0x1E120] =	vst v0  }
0x39: {  	[tilespmem:s0+$0x1E0A0] =	vst v0  }
0x3a: {  	[tilespmem:s0+$0x1E0B0] =	vst v0  }
0x3b: {  	[tilespmem:s0+$0x1E0C0] =	vst v0  }
0x3c: {  	[tilespmem:s0+$0x1E0D0] =	vst v0  }
0x3d: {  	[tilespmem:s0+$0x1E0E0] =	vst v0  }
0x3e: {  	[tilespmem:s0+$0x1E0F0] =	vst v0  }
0x3f: {  	[tilespmem:s0+$0x1E100] =	vst v0  }
0x40: {  	[tilespmem:s0+$0x1E110] =	vst v0;
	s30 =	rddreg [dreg:$0x9]  }
0x41: {  	[spmem:s30] =	stream.linear.scatter [tilespmem:s8], [sflag:$0x7], $0x1680, $0x38;
	[tilespmem:$0x1F720] =	vst v63  }
0x42: {  	_ =	swait.ge [sflag:s9], $0x1680  }
0x43: {  	[sflag:s9] =	ssyncset.done $0x0  }
0x44: {  	s31 =	rddreg [dreg:$0xa];
	[sflag:s9] =	ssyncadd.s32 $0xFFFFE980  }
0x45: {  	[spmem:s31] =	stream.linear.scatter [tilespmem:s8], [sflag:$0x7], $0x1680, $0x38;
	[tilespmem:$0x1F720] =	vst v63  }
0x46: {  	_ =	swait.ge [sflag:s9], $0x1680  }
0x47: {  	[sflag:s9] =	ssyncset.done $0x0  }
0x48: {  	s3 =	rddreg [dreg:$0xb];
	[sflag:s9] =	ssyncadd.s32 $0xFFFFE980  }
0x49: {  	[spmem:s3] =	stream.linear.scatter [tilespmem:s8], [sflag:$0x7], $0x1680, $0x38;
	[tilespmem:$0x1F720] =	vst v63  }
0x4a: {  	_ =	swait.ge [sflag:s9], $0x1680  }
0x4b: {  	[sflag:s9] =	ssyncset.done $0x0  }
0x4c: {  	s14 =	rddreg [dreg:$0xd];
	[sflag:s9] =	ssyncadd.s32 $0xFFFFE980  }
0x4d: {  	[spmem:s14] =	stream.linear.scatter [tilespmem:s8], [sflag:$0x7], $0x1680, $0x38;
	[tilespmem:$0x1F720] =	vst v63  }
0x4e: {  	_ =	swait.ge [sflag:s9], $0x1680  }
0x4f: {  	[sflag:s9] =	ssyncset.done $0x0  }
0x50: {  	s15 =	rddreg [dreg:$0xe];
	[sflag:s9] =	ssyncadd.s32 $0xFFFFE980  }
0x51: {  	[spmem:s15] =	stream.linear.scatter [tilespmem:s8], [sflag:$0x7], $0x1680, $0x38;
	[tilespmem:$0x1F720] =	vst v63  }
0x52: {  	_ =	swait.ge [sflag:s9], $0x1680  }
0x53: {  	[sflag:s9] =	ssyncset.done $0x0  }
0x54: {  	s19 =	rddreg [dreg:$0xf];
	[sflag:s9] =	ssyncadd.s32 $0xFFFFE980  }
0x55: {  	[spmem:s19] =	stream.linear.scatter [tilespmem:s8], [sflag:$0x7], $0x1680, $0x38;
	[tilespmem:$0x1F720] =	vst v63  }
0x56: {  	_ =	swait.ge [sflag:s9], $0x1680  }
0x57: {  	[sflag:s9] =	ssyncset.done $0x0  }
0x58: {  	s20 =	rddreg [dreg:$0x10];
	[sflag:s9] =	ssyncadd.s32 $0xFFFFE980  }
0x59: {  	[spmem:s20] =	stream.linear.scatter [tilespmem:s8], [sflag:$0x7], $0x1680, $0x38;
	[tilespmem:$0x1F720] =	vst v63  }
0x5a: {  	_ =	swait.ge [sflag:s9], $0x1680  }
0x5b: {  	[sflag:s9] =	ssyncset.done $0x0  }
0x5c: {  	s25 =	rddreg [dreg:$0x11];
	[sflag:s9] =	ssyncadd.s32 $0xFFFFE980  }
0x5d: {  	[spmem:s25] =	stream.linear.scatter [tilespmem:s8], [sflag:$0x7], $0x1680, $0x38;
	[tilespmem:$0x1F720] =	vst v63  }
0x5e: {  	_ =	swait.ge [sflag:s9], $0x1680  }
0x5f: {  	[sflag:s9] =	ssyncset.done $0x0  }
0x60: {  	s26 =	rddreg [dreg:$0x12];
	[sflag:s9] =	ssyncadd.s32 $0xFFFFE980  }
0x61: {  	[spmem:s26] =	stream.linear.scatter [tilespmem:s8], [sflag:$0x7], $0x1680, $0x38;
	[tilespmem:$0x1F720] =	vst v63  }
0x62: {  	_ =	swait.ge [sflag:s9], $0x1680  }
0x63: {  	[sflag:s9] =	ssyncset.done $0x0  }
0x64: {  	s28 =	rddreg [dreg:$0x14];
	[sflag:s9] =	ssyncadd.s32 $0xFFFFE980  }
0x65: {  	[spmem:s28] =	stream.linear.scatter [tilespmem:s8], [sflag:$0x7], $0x1680, $0x38;
	[tilespmem:$0x1F720] =	vst v63  }
0x66: {  	_ =	swait.ge [sflag:s9], $0x1680  }
0x67: {  	[sflag:s9] =	ssyncset.done $0x0  }
0x68: {  	s29 =	rddreg [dreg:$0x15];
	[sflag:s9] =	ssyncadd.s32 $0xFFFFE980  }
0x69: {  	[spmem:s29] =	stream.linear.scatter [tilespmem:s8], [sflag:$0x7], $0x1680, $0x38;
	[tilespmem:$0x1F720] =	vst v63  }
0x6a: {  	_ =	swait.ge [sflag:s9], $0x1680  }
0x6b: {  	[sflag:s9] =	ssyncset.done $0x0  }
0x6c: {  	s30 =	rddreg [dreg:$0x16];
	[sflag:s9] =	ssyncadd.s32 $0xFFFFE980  }
0x6d: {  	[spmem:s30] =	stream.linear.scatter [tilespmem:s8], [sflag:$0x7], $0x1680, $0x38;
	[tilespmem:$0x1F720] =	vst v63  }
0x6e: {  	_ =	swait.ge [sflag:s9], $0x1680  }
0x6f: {  	[sflag:s9] =	ssyncset.done $0x0  }
0x70: {  	s31 =	rddreg [dreg:$0x17];
	[sflag:s9] =	ssyncadd.s32 $0xFFFFE980  }
0x71: {  	[spmem:s31] =	stream.linear.scatter [tilespmem:s8], [sflag:$0x7], $0x1680, $0x38;
	[tilespmem:$0x1F720] =	vst v63  }
0x72: {  	_ =	swait.ge [sflag:s9], $0x1680  }
0x73: {  	[sflag:s9] =	ssyncset.done $0x0  }
0x74: {  	s3 =	rddreg [dreg:$0x18];
	[sflag:s9] =	ssyncadd.s32 $0xFFFFE980  }
0x75: {  	[spmem:s3] =	stream.linear.scatter [tilespmem:s8], [sflag:$0x7], $0x1680, $0x38;
	[tilespmem:$0x1F720] =	vst v63  }
0x76: {  	_ =	swait.ge [sflag:s9], $0x1680  }
0x77: {  	[sflag:s9] =	ssyncset.done $0x0  }
0x78: {  	s14 =	rddreg [dreg:$0x19];
	[sflag:s9] =	ssyncadd.s32 $0xFFFFE980  }
0x79: {  	[spmem:s14] =	stream.linear.scatter [tilespmem:s8], [sflag:$0x7], $0x1680, $0x38;
	[tilespmem:$0x1F720] =	vst v63  }
0x7a: {  	_ =	swait.ge [sflag:s9], $0x1680  }
0x7b: {  	[sflag:s9] =	ssyncset.done $0x0  }
0x7c: {  	s15 =	rddreg [dreg:$0x1a];
	[sflag:s9] =	ssyncadd.s32 $0xFFFFE980  }
0x7d: {  	[spmem:s15] =	stream.linear.scatter [tilespmem:s8], [sflag:$0x7], $0x1680, $0x38;
	[tilespmem:$0x1F720] =	vst v63  }
0x7e: {  	_ =	swait.ge [sflag:s9], $0x1680  }
0x7f: {  	[sflag:s9] =	ssyncset.done $0x0  }
0x80: {  	[sflag:s9] =	ssyncadd.s32 $0xFFFFE980  }
0x81: {  	[bflag:$0x0] =	sbarrier.arrive $0xFFFF  }
0x82: {  	s26 =	simm.s32 $0x0;
	s3 =	simm.s32 $0x16800;
	s19 =	rddreg [dreg:$0x4]  }
0x83: {  	[tilespmem:s3], [sflag:$0x1] =	stream.linear.gather [hbm4b:s19+s26], $0x28, $0x38;
	[tilespmem:$0x1F720] =	vst v63  }
0x84: {  	s25 =	simm.s32 $0x1;
	s20 =	rddreg [dreg:$0x5]  }
0x85: {  	[tilespmem:s11], [sflag:$0x1] =	stream.linear.gather [hbm4b:s20+s26], $0x28, $0x38;
	[tilespmem:$0x1F720] =	vst v63  }
0x86: {  	_ =	swait.ge [sflag:s25], $0x28  }
0x87: {  	[sflag:s25] =	ssyncset.done $0x0  }
0x88: {  	[sflag:s25] =	ssyncadd.s32 $0xFFFFFFD8  }
0x89: {  	_ =	swait.ge [sflag:s25], $0x28  }
0x8a: {  	[sflag:s25] =	ssyncset.done $0x0  }
0x8b: {  	s28 =	simm.s32 $0x168A0;
	[sflag:s25] =	ssyncadd.s32 $0xFFFFFFD8  }
0x8c: {  	[tilespmem:s28], [sflag:$0x3] =	stream.indirect.gather [hbm4b:s5+s16], $0x100, s3, s16, $0xb8;
	[tilespmem:$0x1F720] =	vst v63  }
0x8d: {  	s29 =	simm.s32 $0x1B8A0  }
0x8e: {  	[tilespmem:s29], [sflag:$0x5] =	stream.indirect.gather [hbm4b:s1+s16], $0x80, s11, s16, $0xb8;
	[tilespmem:$0x1F720] =	vst v63  }
0x8f: {  	s30 =	rddreg [dreg:$0x6]  }
0x90: {  	[tilespmem:s17], [sflag:$0x2] =	stream.linear.gather [hbm4b:s30+s26], $0x28, $0x38;
	[tilespmem:$0x1F720] =	vst v63  }
0x91: {  	s31 =	rddreg [dreg:$0x7]  }
0x92: {  	[tilespmem:s10], [sflag:$0x2] =	stream.linear.gather [hbm4b:s31+s26], $0x28, $0x38;
	[tilespmem:$0x1F720] =	vst v63  }
.LBB2_4:
0x93: {  	_ =	swait.ge [sflag:s18], $0x28  }
0x94: {  	[sflag:s18] =	ssyncset.done $0x0  }
0x95: {  	[sflag:s18] =	ssyncadd.s32 $0xFFFFFFD8  }
0x96: {  	_ =	swait.ge [sflag:s18], $0x28  }
0x97: {  	[sflag:s18] =	ssyncset.done $0x0  }
0x98: {  	s0 =	simm.s32 $0x190A0;
	[sflag:s18] =	ssyncadd.s32 $0xFFFFFFD8  }
0x99: {  	[tilespmem:s0], [sflag:$0x4] =	stream.indirect.gather [hbm4b:s5+s16], $0x100, s17, s16, $0xb8;
	[tilespmem:$0x1F720] =	vst v63  }
0x9a: {  	s15 =	simm.s32 $0x1CCA0  }
0x9b: {  	[tilespmem:s15], [sflag:$0x6] =	stream.indirect.gather [hbm4b:s1+s16], $0x80, s10, s16, $0xb8;
	[tilespmem:$0x1F720] =	vst v63  }
0x9c: {  	_ =	swait.ge [sflag:s21], $0x2800  }
0x9d: {  	[sflag:s21] =	ssyncset.done $0x0  }
0x9e: {  	[sflag:s21] =	ssyncadd.s32 $0xFFFFD800  }
0x9f: {  	_ =	swait.ge [sflag:s22], $0x1400  }
0xa0: {  	[sflag:s22] =	ssyncset.done $0x0  }
0xa1: {  	s28 =	simm.s32 $0x169A0;
	[sflag:s22] =	ssyncadd.s32 $0xFFFFEC00  }
0xa2: {  	v14 =	vld [tilespmem:s28+$0x20]  }
0xa3: {  	s19 =	simm.s32 $0x1B920;
	v15 =	vld [tilespmem:s28+$0x60]  }
0xa4: {  	v16 =	vld [tilespmem:s19+$0x20]  }
0xa5: {  	v17 =	vld [tilespmem:s28+$0x50]  }
0xa6: {  	v18 =	vld [tilespmem:s28+$0x30]  }
0xa7: {  	v19 =	vld [tilespmem:s19+$0x10]  }
0xa8: {  	v20 =	vld [tilespmem:s19+$0x0]  }
0xa9: {  	v21 =	vld [tilespmem:s19+$0x60]  }
0xaa: {  	v22 =	vld [tilespmem:s28+$0x40]  }
0xab: {  	v23 =	vld [tilespmem:s28+$0x10]  }
0xac: {  	v24 =	vld [tilespmem:s19+$0x70]  }
0xad: {  	v25 =	vld [tilespmem:s19+$0x40]  }
0xae: {  	v26 =	vld [tilespmem:s19+$0x50]  }
0xaf: {  	v27 =	vld [tilespmem:s28+$0x70]  }
0xb0: {  	v28 =	vld [tilespmem:s19+$0x30]  }
0xb1: {  	v29 =	vld [tilespmem:s28+$0x0]  }
0xb2: {  	v30 =	vld [tilespmem:s28+$0xFFFFFF70]  }
0xb3: {  	v32 =	vld [tilespmem:s19+$0xFFFFFFF0];
	v19 =	vmul.f32 v19, v23  }
0xb4: {  	v33 =	vld [tilespmem:s28+$0xFFFFFF30];
	v22 =	vmul.f32 v25, v22;
	v15 =	vmul.f32 v21, v15  }
0xb5: {  	v23 =	vld [tilespmem:s28+$0xFFFFFF60];
	v17 =	vmul.f32 v26, v17;
	v14 =	vmul.f32 v16, v14  }
0xb6: {  	v21 =	vld [tilespmem:s28+$0xFFFFFF00];
	v24 =	vmul.f32 v24, v27;
	v18 =	vmul.f32 v28, v18  }
0xb7: {  	v16 =	vld [tilespmem:s19+$0xFFFFFF80];
	v20 =	vmul.f32 v20, v29;
	v25 =	vperm.xlane v19, v1  }
0xb8: {  	v26 =	vld [tilespmem:s19+$0xFFFFFFE0];
	v31 =	vperm.xlane v22, v1;
	v28 =	vperm.xlane v17, v1  }
0xb9: {  	v35 =	vld [tilespmem:s28+$0xFFFFFF50];
	v27 =	vperm.xlane v15, v1;
	v34 =	vperm.xlane v20, v1;
	v19 =	vadd.f32 v25, v19  }
0xba: {  	v60 =	vld [tilespmem:s28+$0xFFFFFF10];
	v25 =	vperm.xlane v14, v1;
	v22 =	vadd.f32 v31, v22;
	v17 =	vadd.f32 v28, v17  }
0xbb: {  	v31 =	vperm.xlane v24, v1;
	v28 =	vld [tilespmem:s19+$0xFFFFFFC0];
	v15 =	vadd.f32 v27, v15;
	v20 =	vadd.f32 v34, v20  }
0xbc: {  	v27 =	vld [tilespmem:s28+$0xFFFFFF20];
	v16 =	vmul.f32 v16, v21;
	v14 =	vadd.f32 v25, v14;
	v25 =	vperm.xlane v18, v1  }
0xbd: {  	v24 =	vadd.f32 v31, v24;
	v17 =	vsel vm0, v22, v17;
	v22 =	vmul.f32 v26, v23;
	v23 =	vld [tilespmem:s28+$0xFFFFFF40]  }
0xbe: {  	v21 =	vld [tilespmem:s19+$0xFFFFFFD0];
	v26 =	vmul.f32 v32, v30;
	v19 =	vsel vm0, v20, v19;
	v18 =	vadd.f32 v25, v18  }
0xbf: {  	v20 =	vld [tilespmem:s19+$0xFFFFFFA0];
	v30 =	vperm.xlane v16, v1;
	v25 =	vperm.xlane v17, v2;
	v15 =	vsel vm0, v15, v24  }
0xc0: {  	v31 =	vld [tilespmem:s19+$0xFFFFFF90];
	v59 =	vperm.xlane v22, v1;
	v24 =	vperm.xlane v15, v2;
	v14 =	vsel vm0, v14, v18  }
0xc1: {  	v29 =	vld [tilespmem:s19+$0xFFFFFFB0];
	v18 =	vperm.xlane v19, v2;
	v17 =	vadd.f32 v25, v17;
	v25 =	vperm.xlane v26, v1  }
0xc2: {  	v22 =	vadd.f32 v59, v22;
	v15 =	vadd.f32 v24, v15;
	v23 =	vmul.f32 v28, v23  }
0xc3: {  	v18 =	vadd.f32 v18, v19;
	v19 =	vmul.f32 v21, v35;
	v21 =	vadd.f32 v25, v26  }
0xc4: {  	v25 =	vperm.xlane v14, v2;
	v15 =	vsel vm1, v17, v15;
	v17 =	vmul.f32 v20, v27  }
0xc5: {  	v20 =	vmul.f32 v31, v60;
	v24 =	vperm.xlane v19, v1  }
0xc6: {  	v14 =	vadd.f32 v25, v14;
	v21 =	vsel vm0, v22, v21;
	v22 =	vmul.f32 v29, v33  }
0xc7: {  	v16 =	vadd.f32 v30, v16;
	v27 =	vperm.xlane v15, v3;
	v26 =	vperm.xlane v20, v1  }
0xc8: {  	s29 =	simm.s32 $0x16BA0;
	v14 =	vsel vm1, v18, v14;
	v18 =	vperm.xlane v23, v1;
	v25 =	vperm.xlane v22, v1  }
0xc9: {  	v61 =	vld [tilespmem:s29+$0xFFFFFF00];
	v19 =	vadd.f32 v24, v19;
	v24 =	vperm.xlane v17, v1;
	v15 =	vadd.f32 v27, v15  }
0xca: {  	v30 =	vld [tilespmem:s29+$0x70];
	v20 =	vadd.f32 v26, v20;
	v18 =	vadd.f32 v18, v23  }
0xcb: {  	v28 =	vld [tilespmem:s29+$0x60];
	v22 =	vadd.f32 v25, v22;
	v25 =	vperm.xlane v21, v2;
	v17 =	vadd.f32 v24, v17  }
0xcc: {  	v29 =	vld [tilespmem:s29+$0x10];
	v16 =	vsel vm0, v16, v20;
	v18 =	vsel vm0, v18, v19;
	v19 =	vperm.xlane v14, v3  }
0xcd: {  	v26 =	vld [tilespmem:s29+$0x50];
	v17 =	vsel vm0, v17, v22;
	v20 =	vadd.f32 v25, v21;
	v21 =	vperm.xlane v16, v2  }
0xce: {  	s20 =	simm.s32 $0x1BA20;
	v23 =	vld [tilespmem:s29+$0x20];
	v27 =	vperm.xlane v18, v2;
	v22 =	vperm.xlane v17, v2;
	v14 =	vadd.f32 v19, v14  }
0xcf: {  	v19 =	vld [tilespmem:s20+$0x10];
	v16 =	vadd.f32 v21, v16  }
0xd0: {  	v24 =	vld [tilespmem:s20+$0x20];
	v18 =	vadd.f32 v27, v18;
	v17 =	vadd.f32 v22, v17;
	v14 =	vsel vm2, v14, v15  }
0xd1: {  	v21 =	vld [tilespmem:s20+$0x0];
	v22 =	vperm.xlane v14, v4  }
0xd2: {  	v18 =	vsel vm1, v18, v20;
	v16 =	vsel vm1, v16, v17;
	v17 =	vld [tilespmem:s29+$0x40]  }
0xd3: {  	v15 =	vperm.xlane v18, v3;
	v27 =	vperm.xlane v16, v3;
	v14 =	vadd.f32 v14, v22;
	v22 =	vld [tilespmem:s20+$0x70]  }
0xd4: {  	v19 =	vmul.f32 v19, v29;
	v29 =	vld [tilespmem:s29+$0x0]  }
0xd5: {  	v15 =	vadd.f32 v15, v18;
	v18 =	vld [tilespmem:s20+$0x40];
	v16 =	vadd.f32 v27, v16  }
0xd6: {  	v20 =	vld [tilespmem:s20+$0x60]  }
0xd7: {  	v27 =	vld [tilespmem:s20+$0x50];
	v14 =	vmul.f32 $1.442695020e+00, v14;
	v15 =	vsel vm2, v16, v15  }
0xd8: {  	v25 =	vld [tilespmem:s29+$0x30];
	v23 =	vmul.f32 v24, v23;
	v31 =	vperm.xlane v15, v4  }
0xd9: {  	v16 =	vld [tilespmem:s20+$0x30];
	(erf) = vpow2.f32 v14;
	v22 =	vmul.f32 v22, v30  }
0xda: {  	v62 =	vld [tilespmem:s20+$0xFFFFFFF0];
	v21 =	vmul.f32 v21, v29;
	v17 =	vmul.f32 v18, v17  }
0xdb: {  	v36 =	vld [tilespmem:s29+$0xFFFFFF20];
	v18 =	vmul.f32 v20, v28;
	v28 =	vperm.xlane v19, v1  }
0xdc: {  	v14 =	vld [tilespmem:s29+$0xFFFFFF60];
	v26 =	vmul.f32 v27, v26;
	v15 =	vadd.f32 v15, v31;
	v31 =	vperm.xlane v23, v1  }
0xdd: {  	v20 =	vld [tilespmem:s29+$0xFFFFFF70];
	v63 =	vperm.xlane v21, v1;
	v27 =	vperm.xlane v17, v1  }
0xde: {  	v19 =	vadd.f32 v28, v19;
	v24 =	vperm.xlane v18, v1;
	v28 =	vld [tilespmem:s20+$0xFFFFFF80];
	v16 =	vmul.f32 v16, v25  }
0xdf: {  	v25 =	vld [tilespmem:s20+$0xFFFFFFE0];
	v30 =	vperm.xlane v26, v1;
	v15 =	vmul.f32 $1.442695020e+00, v15  }
0xe0: {  	v38 =	vld [tilespmem:s20+$0xFFFFFFA0];
	v23 =	vadd.f32 v31, v23;
	v17 =	vadd.f32 v27, v17;
	v27 =	vperm.xlane v22, v1  }
0xe1: {  	v29 =	vld [tilespmem:s29+$0xFFFFFF30];
	v26 =	vadd.f32 v30, v26;
	v30 =	vperm.xlane v16, v1;
	(erf) = vpow2.f32 v15  }
0xe2: {  	v15 =	vadd.f32 v24, v18;
	v18 =	vadd.f32 v63, v21;
	v21 =	vld [tilespmem:s20+$0xFFFFFFD0];
	v20 =	vmul.f32 v62, v20  }
0xe3: {  	v22 =	vadd.f32 v27, v22;
	v17 =	vsel vm0, v17, v26;
	v27 =	vld [tilespmem:s29+$0xFFFFFF50];
	v16 =	vadd.f32 v30, v16  }
0xe4: {  	v31 =	vld [tilespmem:s20+$0xFFFFFFB0];
	v18 =	vsel vm0, v18, v19;
	v26 =	vmul.f32 v28, v61;
	v14 =	vmul.f32 v25, v14  }
0xe5: {  	v24 =	vld [tilespmem:s20+$0xFFFFFFC0];
	v25 =	vperm.xlane v17, v2;
	v19 =	vpop (erf);
	v16 =	vsel vm0, v23, v16;
	v23 =	vperm.xlane v18, v2  }
0xe6: {  	s31 =	simm.s32 $0x16DA0;
	v15 =	vsel vm0, v15, v22;
	v22 =	vld [tilespmem:s29+$0xFFFFFF40];
	v51 =	vperm.xlane v19, v8;
	v28 =	vperm.xlane v26, v1  }
0xe7: {  	v43 =	vld [tilespmem:s31+$0x40];
	v30 =	vperm.xlane v15, v2;
	v17 =	vadd.f32 v25, v17;
	v25 =	vperm.xlane v20, v1  }
0xe8: {  	s25 =	simm.s32 $0x1BB20;
	v44 =	vld [tilespmem:s31+$0x10];
	v37 =	vperm.xlane v14, v1;
	v18 =	vadd.f32 v23, v18;
	v21 =	vmul.f32 v21, v27  }
0xe9: {  	v46 =	vld [tilespmem:s25+$0x70];
	v15 =	vadd.f32 v30, v15;
	v20 =	vadd.f32 v25, v20;
	v25 =	vperm.xlane v16, v2  }
0xea: {  	v48 =	vld [tilespmem:s31+$0x0];
	v27 =	vperm.xlane v19, v5;
	v33 =	vadd.f32 v37, v14;
	v39 =	vperm.xlane v21, v1  }
0xeb: {  	v23 =	vld [tilespmem:s20+$0xFFFFFF90];
	v22 =	vmul.f32 v24, v22;
	v15 =	vsel vm1, v17, v15;
	v17 =	vmul.f32 v31, v29  }
0xec: {  	v30 =	vld [tilespmem:s29+$0xFFFFFF10];
	v26 =	vadd.f32 v28, v26;
	v29 =	vmul.f32 v38, v36;
	v31 =	vperm.xlane v19, v6  }
0xed: {  	v49 =	vld [tilespmem:s31+$0xFFFFFF70];
	v14 =	vpop (erf);
	v20 =	vsel vm0, v33, v20;
	v38 =	vperm.xlane v19, v9;
	v24 =	vperm.xlane v15, v3  }
0xee: {  	v52 =	vld [tilespmem:s25+$0xFFFFFF80];
	v16 =	vadd.f32 v25, v16;
	v25 =	vperm.xlane v14, v5;
	v28 =	vperm.xlane v20, v2  }
0xef: {  	s30 =	simm.s32 $0x1E130;
	v37 =	vld [tilespmem:s25+$0x30];
	v41 =	vperm.xlane v14, v6;
	v45 =	vperm.xlane v14, v7  }
0xf0: {  	[tilespmem:s30+$0x80] =	vst v27;
	v36 =	vld [tilespmem:s25+$0x50];
	v16 =	vsel vm1, v18, v16;
	v18 =	vperm.xlane v22, v1;
	v32 =	vperm.xlane v29, v1  }
0xf1: {  	v27 =	vld [tilespmem:s28+$0x80];
	v21 =	vadd.f32 v39, v21;
	v23 =	vmul.f32 v23, v30;
	[tilespmem:s30+$0xFFFFFFF0] =	vst v25;
	v25 =	vperm.xlane v17, v1  }
0xf2: {  	v15 =	vadd.f32 v24, v15;
	v24 =	vperm.xlane v16, v3;
	v30 =	vld [tilespmem:s28+$0xFFFFFF80];
	v18 =	vadd.f32 v18, v22  }
0xf3: {  	v22 =	vld [tilespmem:s31+$0x20];
	v29 =	vadd.f32 v32, v29;
	v40 =	vperm.xlane v23, v1;
	v17 =	vadd.f32 v25, v17  }
0xf4: {  	v61 =	vperm.xlane v14, v8;
	v16 =	vadd.f32 v24, v16;
	v18 =	vsel vm0, v18, v21;
	v21 =	vld [tilespmem:s25+$0x20]  }
0xf5: {  	v24 =	vld [tilespmem:s25+$0x10];
	v23 =	vadd.f32 v40, v23;
	v42 =	vperm.xlane v18, v2;
	v17 =	vsel vm0, v29, v17  }
0xf6: {  	v20 =	vadd.f32 v28, v20;
	v25 =	vld [tilespmem:s31+$0x60];
	v27 =	vmul.f32 v27, v31;
	v29 =	vperm.xlane v17, v2  }
0xf7: {  	s3 =	simm.s32 $0x16FA0;
	v23 =	vsel vm0, v26, v23;
	v26 =	vmul.f32 v30, v41;
	v30 =	vld [tilespmem:s31+$0x30];
	v18 =	vadd.f32 v42, v18  }
0xf8: {  	s14 =	simm.s32 $0x1BC20;
	v32 =	vperm.xlane v19, v11;
	v15 =	vsel vm2, v16, v15;
	v41 =	vld [tilespmem:s3+$0x20];
	v28 =	vperm.xlane v23, v2  }
0xf9: {  	[tilespmem:s30+$0x0] =	vst v27;
	v42 =	vld [tilespmem:s14+$0x20];
	v17 =	vadd.f32 v29, v17;
	v18 =	vsel vm1, v18, v20;
	v21 =	vmul.f32 v21, v22  }
0xfa: {  	v27 =	vld [tilespmem:s28+$0x90];
	v24 =	vmul.f32 v24, v44;
	v23 =	vadd.f32 v28, v23;
	v16 =	vperm.xlane v18, v3  }
0xfb: {  	[tilespmem:s30+$0xFFFFFF70] =	vst v26;
	v20 =	vld [tilespmem:s25+$0x0];
	v28 =	vperm.xlane v15, v4;
	v53 =	vperm.xlane v21, v1  }
0xfc: {  	v26 =	vld [tilespmem:s28+$0xFFFFFF90];
	v17 =	vsel vm1, v23, v17;
	v16 =	vadd.f32 v16, v18;
	v18 =	vperm.xlane v19, v7  }
0xfd: {  	v31 =	vld [tilespmem:s31+$0x50];
	v28 =	vadd.f32 v15, v28;
	v15 =	vperm.xlane v19, v12;
	v29 =	vperm.xlane v17, v3  }
0xfe: {  	v23 =	vld [tilespmem:s25+$0x60];
	v30 =	vmul.f32 v37, v30;
	v41 =	vmul.f32 v42, v41  }
0xff: {  	v27 =	vmul.f32 v27, v18;
	v28 =	vmul.f32 $1.442695020e+00, v28;
	v17 =	vadd.f32 v29, v17;
	v29 =	vld [tilespmem:s25+$0x40]  }
0x100: {  	v56 =	vld [tilespmem:s31+$0xFFFFFF30];
	v18 =	vperm.xlane v19, v10;
	v20 =	vmul.f32 v20, v48  }
0x101: {  	v55 =	vperm.xlane v30, v1;
	[tilespmem:s30+$0x10] =	vst v27;
	v16 =	vsel vm2, v17, v16;
	v17 =	vmul.f32 v26, v45;
	v26 =	vld [tilespmem:s31+$0x70]  }
0x102: {  	(erf) = vpow2.f32 v28;
	v28 =	vmul.f32 v36, v31;
	v50 =	vld [tilespmem:s28+$0xA0]  }
0x103: {  	v22 =	vld [tilespmem:s31+$0xFFFFFF00];
	v57 =	vperm.xlane v20, v1;
	v23 =	vmul.f32 v23, v25  }
0x104: {  	v59 =	vld [tilespmem:s31+$0xFFFFFF40];
	v25 =	vperm.xlane v24, v1;
	v29 =	vmul.f32 v29, v43  }
0x105: {  	v63 =	vld [tilespmem:s31+$0xFFFFFF20];
	v21 =	vadd.f32 v53, v21;
	v47 =	vperm.xlane v16, v4;
	v39 =	vperm.xlane v28, v1  }
0x106: {  	v40 =	vld [tilespmem:s25+$0xFFFFFFE0];
	v24 =	vadd.f32 v25, v24;
	v25 =	vperm.xlane v23, v1;
	v31 =	vperm.xlane v29, v1  }
0x107: {  	v27 =	vld [tilespmem:s31+$0xFFFFFF60];
	v20 =	vadd.f32 v57, v20;
	v26 =	vmul.f32 v46, v26;
	v34 =	vmul.f32 v50, v51  }
0x108: {  	v22 =	vmul.f32 v52, v22;
	[tilespmem:s30+$0xFFFFFF80] =	vst v17;
	v17 =	vld [tilespmem:s25+$0xFFFFFFF0];
	v16 =	vadd.f32 v16, v47;
	v28 =	vadd.f32 v39, v28  }
0x109: {  	v23 =	vadd.f32 v25, v23;
	v25 =	vld [tilespmem:s31+$0xFFFFFF50];
	v29 =	vadd.f32 v31, v29;
	v31 =	vperm.xlane v26, v1;
	[tilespmem:s30+$0x20] =	vst v34  }
0x10a: {  	v19 =	vperm.xlane v19, v13;
	v20 =	vsel vm0, v20, v24;
	v16 =	vmul.f32 $1.442695020e+00, v16;
	v24 =	vld [tilespmem:s28+$0xB0]  }
0x10b: {  	v58 =	vperm.xlane v22, v1;
	v26 =	vadd.f32 v31, v26;
	v28 =	vsel vm0, v29, v28;
	v29 =	vld [tilespmem:s25+$0xFFFFFFD0]  }
0x10c: {  	v54 =	vld [tilespmem:s28+$0xFFFFFFA0];
	v27 =	vmul.f32 v40, v27;
	(erf) = vpow2.f32 v16;
	v16 =	vadd.f32 v55, v30  }
0x10d: {  	v17 =	vmul.f32 v17, v49;
	v31 =	vld [tilespmem:s25+$0xFFFFFFC0];
	v30 =	vperm.xlane v28, v2;
	v23 =	vsel vm0, v23, v26  }
0x10e: {  	v44 =	vld [tilespmem:s25+$0xFFFFFFA0];
	v62 =	vperm.xlane v27, v1;
	v21 =	vsel vm0, v21, v16;
	v16 =	vperm.xlane v23, v2  }
0x10f: {  	v60 =	vld [tilespmem:s25+$0xFFFFFFB0];
	v26 =	vperm.xlane v20, v2;
	v28 =	vadd.f32 v30, v28;
	v30 =	vperm.xlane v17, v1  }
0x110: {  	v24 =	vmul.f32 v24, v38;
	v23 =	vadd.f32 v16, v23;
	v25 =	vmul.f32 v29, v25  }
0x111: {  	v48 =	vld [tilespmem:s31+$0xFFFFFF10];
	v29 =	vmul.f32 v54, v61;
	v17 =	vadd.f32 v30, v17;
	v30 =	vperm.xlane v21, v2  }
0x112: {  	v43 =	vld [tilespmem:s3+$0x70];
	v27 =	vadd.f32 v62, v27;
	v31 =	vmul.f32 v31, v59;
	v54 =	vperm.xlane v14, v9  }
0x113: {  	v46 =	vld [tilespmem:s25+$0xFFFFFF90];
	[tilespmem:s30+$0x30] =	vst v24;
	v24 =	vmul.f32 v44, v63;
	v45 =	vperm.xlane v25, v1;
	v23 =	vsel vm1, v28, v23  }
0x114: {  	v59 =	vld [tilespmem:s3+$0x60];
	v16 =	vpop (erf);
	v28 =	vmul.f32 v60, v56;
	v21 =	vadd.f32 v30, v21;
	v30 =	vperm.xlane v31, v1  }
0x115: {  	v63 =	vld [tilespmem:s3+$0x30];
	[tilespmem:s30+$0xFFFFFF90] =	vst v29;
	v27 =	vsel vm0, v27, v17;
	v47 =	vperm.xlane v16, v5;
	v29 =	vperm.xlane v23, v3  }
0x116: {  	v20 =	vadd.f32 v26, v20;
	v52 =	vld [tilespmem:s28+$0xC0];
	v26 =	vperm.xlane v27, v2;
	v57 =	vperm.xlane v24, v1  }
0x117: {  	v22 =	vadd.f32 v58, v22;
	v50 =	vld [tilespmem:s28+$0xFFFFFFB0];
	v58 =	vperm.xlane v16, v6;
	v53 =	vperm.xlane v28, v1  }
0x118: {  	s0 =	simm.s32 $0x1E250;
	v17 =	vpop (erf);
	v20 =	vsel vm1, v20, v21;
	v21 =	vmul.f32 v46, v48;
	v25 =	vadd.f32 v45, v25;
	v48 =	vld [tilespmem:s14+$0x60]  }
0x119: {  	v30 =	vadd.f32 v30, v31;
	v46 =	vperm.xlane v14, v10;
	v45 =	vld [tilespmem:s14+$0x30];
	v49 =	vperm.xlane v17, v5;
	[tilespmem:s0+$0x80] =	vst v47  }
0x11a: {  	v55 =	vperm.xlane v17, v6;
	v60 =	vperm.xlane v20, v3;
	v51 =	vld [tilespmem:s29+$0x80]  }
0x11b: {  	v23 =	vadd.f32 v29, v23;
	v31 =	vperm.xlane v21, v1;
	v25 =	vsel vm0, v30, v25;
	v30 =	vld [tilespmem:s3+$0x50]  }
0x11c: {  	v28 =	vadd.f32 v53, v28;
	v53 =	vld [tilespmem:s14+$0x40];
	v29 =	vperm.xlane v25, v2;
	v20 =	vadd.f32 v60, v20  }
0x11d: {  	v24 =	vadd.f32 v57, v24;
	[tilespmem:s0+$0xFFFFFFF0] =	vst v49;
	v60 =	vld [tilespmem:s3+$0xFFFFFF00];
	v37 =	vmul.f32 v50, v54;
	v50 =	vperm.xlane v17, v7  }
0x11e: {  	v56 =	vld [tilespmem:s29+$0xFFFFFF80];
	v20 =	vsel vm2, v20, v23;
	v23 =	vadd.f32 v29, v25;
	v25 =	vmul.f32 v52, v18  }
0x11f: {  	v21 =	vadd.f32 v31, v21;
	v54 =	vld [tilespmem:s14+$0x70];
	v18 =	vperm.xlane v16, v12;
	v34 =	vmul.f32 v48, v59  }
0x120: {  	v26 =	vadd.f32 v26, v27;
	v35 =	vmul.f32 v45, v63;
	v63 =	vld [tilespmem:s14+$0xFFFFFFE0];
	v48 =	vperm.xlane v41, v1  }
0x121: {  	[tilespmem:s30+$0xFFFFFFA0] =	vst v37;
	v21 =	vsel vm0, v22, v21;
	v22 =	vsel vm0, v24, v28;
	v29 =	vperm.xlane v20, v4;
	v37 =	vld [tilespmem:s3+$0xFFFFFF70]  }
0x122: {  	v33 =	vmul.f32 v51, v58;
	v31 =	vld [tilespmem:s28+$0xFFFFFFC0];
	v61 =	vperm.xlane v21, v2;
	v23 =	vsel vm1, v23, v26  }
0x123: {  	v62 =	vperm.xlane v22, v2;
	v26 =	vld [tilespmem:s14+$0x0];
	v47 =	vperm.xlane v23, v3  }
0x124: {  	v20 =	vadd.f32 v20, v29;
	v29 =	vld [tilespmem:s3+$0x40];
	v24 =	vmul.f32 v56, v55;
	v21 =	vadd.f32 v61, v21  }
0x125: {  	v22 =	vadd.f32 v62, v22;
	v55 =	vld [tilespmem:s14+$0x50];
	v38 =	vmul.f32 v54, v43;
	v61 =	vperm.xlane v34, v1  }
0x126: {  	[tilespmem:s0+$0x0] =	vst v33;
	v56 =	vld [tilespmem:s3+$0x0];
	v62 =	vperm.xlane v16, v8;
	v52 =	vmul.f32 $1.442695020e+00, v20  }
0x127: {  	v28 =	vld [tilespmem:s29+$0x90];
	v20 =	vperm.xlane v14, v12;
	v21 =	vsel vm1, v21, v22;
	v22 =	vperm.xlane v16, v7  }
0x128: {  	v51 =	vld [tilespmem:s3+$0x10];
	v49 =	vperm.xlane v21, v3;
	v31 =	vmul.f32 v31, v46  }
0x129: {  	v23 =	vadd.f32 v47, v23;
	v47 =	vld [tilespmem:s14+$0xFFFFFF80];
	v46 =	vperm.xlane v16, v9;
	(erf) = vpow2.f32 v52  }
0x12a: {  	[tilespmem:s0+$0xFFFFFF70] =	vst v24;
	v24 =	vld [tilespmem:s14+$0x10];
	v29 =	vmul.f32 v53, v29;
	v53 =	vperm.xlane v38, v1  }
0x12b: {  	v27 =	vld [tilespmem:s29+$0xFFFFFF90];
	v21 =	vadd.f32 v49, v21;
	v30 =	vmul.f32 v55, v30;
	v26 =	vmul.f32 v26, v56  }
0x12c: {  	v55 =	vadd.f32 v48, v41;
	v41 =	vld [tilespmem:s3+$0xFFFFFF30];
	v56 =	vperm.xlane v35, v1;
	v28 =	vmul.f32 v28, v22  }
0x12d: {  	v49 =	vld [tilespmem:s3+$0xFFFFFF40];
	v22 =	vperm.xlane v16, v10;
	v58 =	vperm.xlane v29, v1  }
0x12e: {  	v33 =	vadd.f32 v53, v38;
	v53 =	vld [tilespmem:s3+$0xFFFFFF20];
	v21 =	vsel vm2, v21, v23;
	v23 =	vperm.xlane v14, v11  }
0x12f: {  	v34 =	vadd.f32 v61, v34;
	v24 =	vmul.f32 v24, v51;
	v52 =	vperm.xlane v30, v1;
	[tilespmem:s0+$0x10] =	vst v28;
	v28 =	vld [tilespmem:s3+$0xFFFFFF60]  }
0x130: {  	v35 =	vadd.f32 v56, v35;
	v27 =	vmul.f32 v27, v50;
	v44 =	vperm.xlane v21, v4;
	v59 =	vld [tilespmem:s29+$0xA0]  }
0x131: {  	[tilespmem:s30+$0x40] =	vst v25;
	v33 =	vsel vm0, v34, v33;
	v57 =	vperm.xlane v24, v1;
	v30 =	vadd.f32 v52, v30;
	v52 =	vld [tilespmem:s14+$0xFFFFFFB0]  }
0x132: {  	v25 =	vsel vm0, v55, v35;
	v21 =	vadd.f32 v21, v44;
	[tilespmem:s0+$0xFFFFFF80] =	vst v27;
	v27 =	vadd.f32 v58, v29;
	v29 =	vld [tilespmem:s14+$0xFFFFFFF0]  }
0x133: {  	v48 =	vperm.xlane v33, v2;
	v58 =	vld [tilespmem:s14+$0xFFFFFFC0];
	v24 =	vadd.f32 v57, v24;
	v57 =	vperm.xlane v26, v1  }
0x134: {  	v55 =	vld [tilespmem:s14+$0xFFFFFFA0];
	v21 =	vmul.f32 $1.442695020e+00, v21;
	v27 =	vsel vm0, v27, v30;
	v30 =	vmul.f32 v47, v60  }
0x135: {  	v61 =	vld [tilespmem:s14+$0xFFFFFFD0];
	v28 =	vmul.f32 v63, v28;
	v26 =	vadd.f32 v57, v26;
	v39 =	vmul.f32 v59, v62  }
0x136: {  	v54 =	vld [tilespmem:s29+$0xFFFFFFA0];
	v60 =	vperm.xlane v27, v2;
	(erf) = vpow2.f32 v21  }
0x137: {  	v59 =	vld [tilespmem:s3+$0xFFFFFF50];
	v29 =	vmul.f32 v29, v37;
	v21 =	vsel vm0, v26, v24;
	v26 =	vperm.xlane v30, v1;
	[tilespmem:s0+$0x20] =	vst v39  }
0x138: {  	[tilespmem:s30+$0xFFFFFFB0] =	vst v31;
	v38 =	vmul.f32 v58, v49;
	v37 =	vmul.f32 v52, v41;
	v24 =	vld [tilespmem:s29+$0xB0]  }
0x139: {  	v51 =	vld [tilespmem:s28+$0xFFFFFFD0];
	v31 =	vadd.f32 v60, v27;
	v62 =	vperm.xlane v21, v2;
	v39 =	vmul.f32 v55, v53  }
0x13a: {  	v63 =	vld [tilespmem:s28+$0xD0];
	v50 =	vperm.xlane v29, v1;
	v27 =	vadd.f32 v26, v30;
	v26 =	vperm.xlane v17, v8  }
0x13b: {  	v57 =	vld [tilespmem:s14+$0xFFFFFF90];
	v30 =	vperm.xlane v28, v1;
	v42 =	vperm.xlane v37, v1  }
0x13c: {  	v33 =	vadd.f32 v48, v33;
	v60 =	vld [tilespmem:s3+$0xFFFFFF10];
	v43 =	vperm.xlane v39, v1;
	v26 =	vmul.f32 v54, v26  }
0x13d: {  	v34 =	vadd.f32 v62, v21;
	v21 =	vpop (erf);
	v44 =	vmul.f32 v61, v59;
	v24 =	vmul.f32 v24, v46  }
0x13e: {  	v29 =	vadd.f32 v50, v29;
	v28 =	vadd.f32 v30, v28;
	v59 =	vperm.xlane v21, v5;
	[tilespmem:s0+$0xFFFFFF90] =	vst v26  }
0x13f: {  	s15 =	simm.s32 $0x1E370;
	v33 =	vsel vm1, v31, v33;
	v54 =	vperm.xlane v25, v2;
	[tilespmem:s0+$0x30] =	vst v24;
	v24 =	vmul.f32 v51, v23  }
0x140: {  	v30 =	vmul.f32 v63, v32;
	v63 =	vperm.xlane v38, v1;
	v28 =	vsel vm0, v28, v29;
	[tilespmem:s15+$0x80] =	vst v59;
	v29 =	vld [tilespmem:s29+$0xFFFFFFB0]  }
0x141: {  	v41 =	vmul.f32 v57, v60;
	v26 =	vperm.xlane v33, v3;
	v35 =	vld [tilespmem:s31+$0x80];
	v23 =	vpop (erf);
	[tilespmem:s30+$0xFFFFFFC0] =	vst v24  }
0x142: {  	v56 =	vperm.xlane v44, v1;
	v58 =	vadd.f32 v54, v25;
	[tilespmem:s30+$0x50] =	vst v30;
	v62 =	vperm.xlane v23, v5;
	v24 =	vld [tilespmem:s28+$0xFFFFFFE0]  }
0x143: {  	v30 =	vperm.xlane v17, v9;
	v61 =	vperm.xlane v28, v2;
	v32 =	vadd.f32 v26, v33;
	v26 =	vld [tilespmem:s28+$0xE0]  }
0x144: {  	v31 =	vsel vm1, v34, v58;
	v40 =	vadd.f32 v56, v44;
	v44 =	vadd.f32 v63, v38;
	v25 =	vld [tilespmem:s29+$0xC0];
	[tilespmem:s15+$0xFFFFFFF0] =	vst v62  }
0x145: {  	s19 =	simm.s32 $0x171A0;
	s25 =	simm.s32 $0x6;
	v38 =	vperm.xlane v21, v6;
	v33 =	vadd.f32 v61, v28;
	v34 =	vperm.xlane v23, v6;
	v36 =	vld [tilespmem:s31+$0xFFFFFF80]  }
.LBB2_5:
0x146: {  	v28 =	vld [tilespmem:s19+$0x20];
	s25 =	sadd.s32 $0x2, s25;
	v45 =	vperm.xlane v41, v1;
	v37 =	vadd.f32 v42, v37;
	s14 =	sadd.s32 $0x100, s14;
	v29 =	vmul.f32 v29, v30  }
0x147: {  	v42 =	vperm.xlane v31, v3;
	v30 =	vld [tilespmem:s19+$0x60];
	p0 =	slt.u32 s25, $0x26;
	v40 =	vsel vm0, v44, v40;
	v20 =	vmul.f32 v24, v20  }
0x148: {  	v39 =	vadd.f32 v43, v39;
	v24 =	vld [tilespmem:s14+$0x20];
	v41 =	vadd.f32 v45, v41;
	[tilespmem:s0+$0xFFFFFFA0] =	vst v29;
	v15 =	vmul.f32 v26, v15  }
0x149: {  	v29 =	vperm.xlane v40, v2;
	v31 =	vadd.f32 v42, v31;
	v26 =	vld [tilespmem:s19+$0x50];
	v35 =	vmul.f32 v35, v38;
	[tilespmem:s30+$0xFFFFFFD0] =	vst v20  }
0x14a: {  	v20 =	vsel vm0, v27, v41;
	v27 =	vsel vm0, v39, v37;
	v34 =	vmul.f32 v36, v34;
	v36 =	vld [tilespmem:s29+$0xFFFFFFC0];
	[tilespmem:s30+$0x60] =	vst v15  }
0x14b: {  	v22 =	vmul.f32 v25, v22;
	v31 =	vsel vm2, v31, v32;
	v41 =	vperm.xlane v20, v2;
	[tilespmem:s15+$0x0] =	vst v35;
	v25 =	vld [tilespmem:s28+$0xF0]  }
0x14c: {  	v29 =	vadd.f32 v29, v40;
	v32 =	vperm.xlane v27, v2;
	v35 =	vperm.xlane v31, v4;
	[tilespmem:s15+$0xFFFFFF70] =	vst v34;
	v34 =	vld [tilespmem:s28+$0xFFFFFFF0];
	s28 =	smov.u32 s29;
	s29 =	smov.u32 s31;
	s31 =	smov.u32 s3  }
0x14d: {  	v38 =	vperm.xlane v21, v12;
	v39 =	vperm.xlane v17, v10;
	s3 =	smov.u32 s19;
	v20 =	vadd.f32 v41, v20;
	v37 =	vld [tilespmem:s29+$0x90];
	[tilespmem:s0+$0x40] =	vst v22  }
0x14e: {  	v15 =	vmovc v18;
	v22 =	vadd.f32 v32, v27;
	v27 =	vsel vm1, v29, v33;
	v29 =	vperm.xlane v14, v13;
	v40 =	vld [tilespmem:s19+$0x30]  }
0x14f: {  	v18 =	vmovc v38;
	v14 =	vmovc v17;
	v17 =	vmov v23;
	v33 =	vperm.xlane v27, v3;
	v32 =	vld [tilespmem:s14+$0x10];
	v36 =	vmul.f32 v36, v39  }
0x150: {  	v23 =	vperm.xlane v21, v7;
	v20 =	vsel vm1, v20, v22;
	v22 =	vld [tilespmem:s29+$0xFFFFFF90];
	v19 =	vmul.f32 v25, v19  }
0x151: {  	v27 =	vadd.f32 v33, v27;
	v25 =	vld [tilespmem:s14+$0x0];
	[tilespmem:s0+$0xFFFFFFB0] =	vst v36;
	v29 =	vmul.f32 v34, v29  }
0x152: {  	v31 =	vadd.f32 v31, v35;
	v34 =	vperm.xlane v20, v3;
	v33 =	vld [tilespmem:s14+$0x60];
	v23 =	vmul.f32 v37, v23;
	[tilespmem:s30+$0x70] =	vst v19  }
0x153: {  	v19 =	vperm.xlane v17, v7;
	v35 =	vld [tilespmem:s19+$0x40];
	[tilespmem:s30+$0xFFFFFFE0] =	vst v29;
	s30 =	smov.u32 s0;
	s0 =	smov.u32 s15;
	s15 =	sadd.s32 $0x120, s15  }
0x154: {  	v31 =	vmul.f32 $1.442695020e+00, v31;
	v20 =	vadd.f32 v34, v20;
	v29 =	vld [tilespmem:s19+$0x10];
	[tilespmem:s0+$0x10] =	vst v23  }
0x155: {  	v23 =	vld [tilespmem:s14+$0x70];
	v19 =	vmul.f32 v22, v19  }
0x156: {  	v34 =	vld [tilespmem:s14+$0x40]  }
0x157: {  	v37 =	vperm.xlane v16, v11;
	v36 =	vld [tilespmem:s14+$0x50];
	[tilespmem:s0+$0xFFFFFF80] =	vst v19;
	v19 =	vperm.xlane v16, v13;
	v16 =	vmov v21  }
0x158: {  	v38 =	vperm.xlane v14, v11;
	v27 =	vsel vm2, v20, v27;
	v20 =	vperm.xlane v14, v12;
	v21 =	vld [tilespmem:s19+$0x70]  }
0x159: {  	v41 =	vperm.xlane v27, v4;
	v22 =	vperm.xlane v16, v10;
	v39 =	vld [tilespmem:s14+$0x30]  }
0x15a: {  	v29 =	vmul.f32 v32, v29;
	v32 =	vperm.xlane v16, v9;
	v42 =	vld [tilespmem:s19+$0x0]  }
0x15b: {  	v30 =	vmul.f32 v33, v30;
	v43 =	vld [tilespmem:s19+$0xFFFFFF70];
	v34 =	vmul.f32 v34, v35  }
0x15c: {  	v35 =	vperm.xlane v29, v1;
	v33 =	vld [tilespmem:s19+$0xFFFFFF60];
	(erf) = vpow2.f32 v31  }
0x15d: {  	v26 =	vmul.f32 v36, v26;
	v31 =	vperm.xlane v34, v1;
	v36 =	vld [tilespmem:s29+$0xA0]  }
0x15e: {  	v24 =	vmul.f32 v24, v28;
	v21 =	vmul.f32 v23, v21;
	v23 =	vadd.f32 v35, v29;
	v44 =	vld [tilespmem:s19+$0xFFFFFF00]  }
0x15f: {  	v27 =	vadd.f32 v27, v41;
	v29 =	vperm.xlane v30, v1;
	v35 =	vperm.xlane v16, v8;
	v28 =	vld [tilespmem:s14+$0xFFFFFFE0]  }
0x160: {  	v39 =	vmul.f32 v39, v40;
	v40 =	vperm.xlane v26, v1;
	v41 =	vld [tilespmem:s14+$0xFFFFFF80]  }
0x161: {  	v46 =	vperm.xlane v24, v1;
	v31 =	vadd.f32 v31, v34;
	v34 =	vperm.xlane v21, v1;
	v45 =	vld [tilespmem:s14+$0xFFFFFFF0]  }
0x162: {  	v25 =	vmul.f32 v25, v42;
	v26 =	vadd.f32 v40, v26;
	v40 =	vld [tilespmem:s29+$0xFFFFFFA0];
	v35 =	vmul.f32 v36, v35  }
0x163: {  	v24 =	vadd.f32 v46, v24;
	v27 =	vmul.f32 $1.442695020e+00, v27;
	v42 =	vperm.xlane v39, v1;
	v36 =	vld [tilespmem:s19+$0xFFFFFF30]  }
0x164: {  	v47 =	vperm.xlane v25, v1;
	v34 =	vadd.f32 v34, v21;
	v26 =	vsel vm0, v31, v26;
	v46 =	vld [tilespmem:s14+$0xFFFFFFB0];
	[tilespmem:s0+$0x20] =	vst v35  }
0x165: {  	v29 =	vadd.f32 v29, v30;
	v39 =	vadd.f32 v42, v39;
	v31 =	vmul.f32 v41, v44;
	v35 =	vld [tilespmem:s14+$0xFFFFFFC0];
	v21 =	vpop (erf)  }
0x166: {  	v25 =	vadd.f32 v47, v25;
	v28 =	vmul.f32 v28, v33;
	v33 =	vperm.xlane v26, v2;
	v30 =	vld [tilespmem:s19+$0xFFFFFF50]  }
0x167: {  	v24 =	vsel vm0, v24, v39;
	v42 =	vmul.f32 v45, v43;
	v41 =	vld [tilespmem:s14+$0xFFFFFFD0];
	(erf) = vpow2.f32 v27  }
0x168: {  	v23 =	vsel vm0, v25, v23;
	v25 =	vsel vm0, v29, v34;
	v27 =	vperm.xlane v31, v1;
	v29 =	vld [tilespmem:s29+$0xB0]  }
0x169: {  	v34 =	vperm.xlane v23, v2;
	v26 =	vadd.f32 v33, v26;
	v33 =	vperm.xlane v25, v2;
	v39 =	vld [tilespmem:s28+$0xD0]  }
0x16a: {  	v44 =	vperm.xlane v17, v8;
	v27 =	vadd.f32 v27, v31;
	v31 =	vperm.xlane v42, v1;
	v43 =	vld [tilespmem:s19+$0xFFFFFF40]  }
0x16b: {  	v45 =	vperm.xlane v28, v1;
	v34 =	vadd.f32 v34, v23;
	v23 =	vadd.f32 v33, v25;
	v25 =	vld [tilespmem:s28+$0xFFFFFFD0]  }
0x16c: {  	v40 =	vmul.f32 v40, v44;
	v33 =	vld [tilespmem:s19+$0xFFFFFF20];
	v30 =	vmul.f32 v41, v30  }
0x16d: {  	v31 =	vadd.f32 v31, v42;
	v41 =	vperm.xlane v24, v2;
	v29 =	vmul.f32 v29, v32  }
0x16e: {  	v28 =	vadd.f32 v45, v28;
	v32 =	vld [tilespmem:s14+$0xFFFFFFA0];
	v44 =	vperm.xlane v30, v1;
	v39 =	vmul.f32 v39, v37  }
0x16f: {  	v24 =	vadd.f32 v41, v24;
	v45 =	vld [tilespmem:s14+$0xFFFFFF90];
	v47 =	vmul.f32 v35, v43;
	v35 =	vperm.xlane v21, v5;
	[tilespmem:s0+$0xFFFFFF90] =	vst v40  }
0x170: {  	v26 =	vsel vm1, v26, v23;
	v28 =	vsel vm0, v28, v31;
	v41 =	vld [tilespmem:s19+$0xFFFFFF10];
	v23 =	vpop (erf);
	[tilespmem:s0+$0x30] =	vst v29;
	v38 =	vmul.f32 v25, v38  }
0x171: {  	v37 =	vmul.f32 v46, v36;
	v31 =	vsel vm1, v34, v24;
	v24 =	vperm.xlane v26, v3;
	v25 =	vld [tilespmem:s29+$0xC0];
	[tilespmem:s30+$0x50] =	vst v39  }
.Ltmp3:
0x172: {  	v34 =	vperm.xlane v28, v2;
	v36 =	vperm.xlane v23, v5;
	v29 =	vld [tilespmem:s29+$0xFFFFFFB0];
	[tilespmem:s30+$0xFFFFFFC0] =	vst v38;
	(pc) =	sbr.rel @p0 .LBB2_5-.Ltmp3, $4  }
0x173: {  	v38 =	vperm.xlane v47, v1;
	v39 =	vmul.f32 v32, v33;
	v32 =	vadd.f32 v24, v26;
	v24 =	vld [tilespmem:s28+$0xFFFFFFE0]  }
0x174: {  	v42 =	vperm.xlane v37, v1;
	v40 =	vadd.f32 v44, v30;
	v30 =	vperm.xlane v17, v9;
	[tilespmem:s15+$0x80] =	vst v35;
	v26 =	vld [tilespmem:s28+$0xE0]  }
0x175: {  	v33 =	vadd.f32 v34, v28;
	v34 =	vperm.xlane v23, v6;
	v41 =	vmul.f32 v45, v41;
	[tilespmem:s15+$0xFFFFFFF0] =	vst v36;
	v35 =	vld [tilespmem:s31+$0x80]  }
0x176: {  	s19 =	sadd.s32 $0x200, s19;
	v44 =	vadd.f32 v38, v47;
	v38 =	vperm.xlane v21, v6;
	v43 =	vperm.xlane v39, v1;
	v36 =	vld [tilespmem:s31+$0xFFFFFF80]  }
0x177: {  	v28 =	vperm.xlane v41, v1  }
0x178: {  	v37 =	vadd.f32 v42, v37  }
0x179: {  	v39 =	vadd.f32 v43, v39;
	v28 =	vadd.f32 v28, v41  }
0x17a: {  	v40 =	vsel vm0, v44, v40  }
0x17b: {  	v60 =	vperm.xlane v40, v2;
	v27 =	vsel vm0, v27, v28;
	v28 =	vsel vm0, v39, v37  }
0x17c: {  	v61 =	vperm.xlane v27, v2;
	v39 =	vperm.xlane v28, v2  }
0x17d: {  	v40 =	vadd.f32 v60, v40  }
0x17e: {  	v27 =	vadd.f32 v61, v27;
	v28 =	vadd.f32 v39, v28;
	_ =	sdelay $0x1  }
0x17f: {  	v62 =	vperm.xlane v31, v3;
	v33 =	vsel vm1, v40, v33;
	v27 =	vsel vm1, v27, v28  }
0x180: {  	v28 =	vperm.xlane v33, v3;
	v63 =	vperm.xlane v27, v3  }
0x181: {  	v31 =	vadd.f32 v62, v31  }
0x182: {  	v28 =	vadd.f32 v28, v33;
	v27 =	vadd.f32 v63, v27  }
0x183: {  	v31 =	vsel vm2, v31, v32  }
0x184: {  	v32 =	vperm.xlane v31, v4;
	v27 =	vsel vm2, v27, v28  }
0x185: {  	v28 =	vperm.xlane v27, v4  }
0x186: {  	v31 =	vadd.f32 v31, v32  }
0x187: {  	v27 =	vadd.f32 v27, v28  }
0x188: {  	v28 =	vmul.f32 $1.442695020e+00, v31  }
0x189: {  	v27 =	vmul.f32 $1.442695020e+00, v27  }
0x18a: {  	(erf) = vpow2.f32 v28  }
0x18b: {  	(erf) = vpow2.f32 v27;
	_ =	sdelay $0x7  }
0x18c: {  	v28 =	vpop (erf)  }
0x18d: {  	v31 =	vperm.xlane v28, v5;
	v27 =	vpop (erf)  }
0x18e: {  	s14 =	sadd.s32 $0x120, s15;
	v39 =	vperm.xlane v27, v5  }
0x18f: {  	[tilespmem:s14+$0x80] =	vst v31  }
0x190: {  	v31 =	vld [tilespmem:s3+$0x80];
	[tilespmem:s14+$0xFFFFFFF0] =	vst v39  }
0x191: {  	v32 =	vld [tilespmem:s3+$0xFFFFFF80];
	_ =	sdelay $0x1  }
0x192: {  	v40 =	vmul.f32 v35, v38;
	v41 =	vperm.xlane v28, v6  }
0x193: {  	v34 =	vmul.f32 v36, v34;
	v42 =	vperm.xlane v27, v6  }
0x194: {  	[tilespmem:s15+$0x0] =	vst v40;
	v31 =	vmul.f32 v31, v41  }
0x195: {  	[tilespmem:s15+$0xFFFFFF70] =	vst v34;
	v33 =	vld [tilespmem:s31+$0x90];
	v32 =	vmul.f32 v32, v42  }
0x196: {  	v34 =	vld [tilespmem:s31+$0xFFFFFF90];
	[tilespmem:s14+$0x0] =	vst v31  }
0x197: {  	v31 =	vld [tilespmem:s3+$0x90];
	[tilespmem:s14+$0xFFFFFF70] =	vst v32  }
0x198: {  	v43 =	vperm.xlane v21, v7;
	v44 =	vld [tilespmem:s3+$0xFFFFFF90]  }
0x199: {  	v45 =	vperm.xlane v23, v7  }
0x19a: {  	v46 =	vperm.xlane v28, v7;
	v32 =	vmul.f32 v33, v43  }
0x19b: {  	v34 =	vmul.f32 v34, v45;
	v47 =	vperm.xlane v27, v7  }
0x19c: {  	[tilespmem:s15+$0x10] =	vst v32;
	v31 =	vmul.f32 v31, v46  }
0x19d: {  	[tilespmem:s15+$0xFFFFFF80] =	vst v34;
	v32 =	vld [tilespmem:s31+$0xA0];
	v48 =	vmul.f32 v44, v47  }
0x19e: {  	v34 =	vld [tilespmem:s31+$0xFFFFFFA0];
	[tilespmem:s14+$0x10] =	vst v31  }
0x19f: {  	v31 =	vld [tilespmem:s3+$0xA0];
	[tilespmem:s14+$0xFFFFFF80] =	vst v48  }
0x1a0: {  	v49 =	vperm.xlane v21, v8;
	v50 =	vld [tilespmem:s3+$0xFFFFFFA0]  }
0x1a1: {  	v51 =	vperm.xlane v23, v8  }
0x1a2: {  	v52 =	vperm.xlane v28, v8;
	v32 =	vmul.f32 v32, v49  }
0x1a3: {  	v34 =	vmul.f32 v34, v51;
	v53 =	vperm.xlane v27, v8  }
0x1a4: {  	[tilespmem:s15+$0x20] =	vst v32;
	v31 =	vmul.f32 v31, v52  }
0x1a5: {  	[tilespmem:s15+$0xFFFFFF90] =	vst v34;
	v32 =	vld [tilespmem:s31+$0xB0];
	v54 =	vmul.f32 v50, v53  }
0x1a6: {  	v34 =	vld [tilespmem:s31+$0xFFFFFFB0];
	[tilespmem:s14+$0x20] =	vst v31  }
0x1a7: {  	v31 =	vld [tilespmem:s3+$0xB0];
	[tilespmem:s14+$0xFFFFFF90] =	vst v54  }
0x1a8: {  	v55 =	vperm.xlane v21, v9;
	v56 =	vld [tilespmem:s3+$0xFFFFFFB0]  }
0x1a9: {  	v29 =	vmul.f32 v29, v30;
	v30 =	vperm.xlane v23, v9  }
0x1aa: {  	v57 =	vperm.xlane v28, v9;
	v32 =	vmul.f32 v32, v55  }
0x1ab: {  	[tilespmem:s0+$0xFFFFFFA0] =	vst v29;
	v29 =	vmul.f32 v34, v30;
	v30 =	vperm.xlane v27, v9  }
0x1ac: {  	v58 =	vld [tilespmem:s29+$0xFFFFFFC0];
	[tilespmem:s15+$0x30] =	vst v32;
	v31 =	vmul.f32 v31, v57  }
0x1ad: {  	[tilespmem:s15+$0xFFFFFFA0] =	vst v29;
	v32 =	vld [tilespmem:s31+$0xC0];
	v29 =	vmul.f32 v56, v30  }
0x1ae: {  	v30 =	vld [tilespmem:s31+$0xFFFFFFC0];
	[tilespmem:s14+$0x30] =	vst v31  }
0x1af: {  	v31 =	vperm.xlane v17, v10;
	v59 =	vld [tilespmem:s3+$0xC0];
	[tilespmem:s14+$0xFFFFFFA0] =	vst v29  }
0x1b0: {  	v22 =	vmul.f32 v25, v22;
	v25 =	vperm.xlane v21, v10;
	v29 =	vld [tilespmem:s3+$0xFFFFFFC0]  }
0x1b1: {  	v60 =	vperm.xlane v23, v10;
	v31 =	vmul.f32 v58, v31  }
0x1b2: {  	[tilespmem:s0+$0x40] =	vst v22;
	v22 =	vmul.f32 v32, v25;
	v25 =	vperm.xlane v28, v10  }
0x1b3: {  	v61 =	vperm.xlane v27, v10;
	[tilespmem:s0+$0xFFFFFFB0] =	vst v31;
	v31 =	vld [tilespmem:s29+$0xD0];
	v30 =	vmul.f32 v30, v60  }
0x1b4: {  	[tilespmem:s15+$0x40] =	vst v22;
	v62 =	vld [tilespmem:s29+$0xFFFFFFD0];
	v22 =	vmul.f32 v59, v25  }
0x1b5: {  	v25 =	vld [tilespmem:s31+$0xD0];
	[tilespmem:s15+$0xFFFFFFB0] =	vst v30;
	v29 =	vmul.f32 v29, v61  }
0x1b6: {  	v30 =	vperm.xlane v16, v11;
	v63 =	vld [tilespmem:s31+$0xFFFFFFD0];
	[tilespmem:s14+$0x40] =	vst v22  }
0x1b7: {  	v22 =	vperm.xlane v17, v11;
	[tilespmem:s14+$0xFFFFFFB0] =	vst v29;
	v29 =	vld [tilespmem:s3+$0xD0]  }
0x1b8: {  	v30 =	vmul.f32 v31, v30;
	v31 =	vperm.xlane v21, v11;
	v36 =	vld [tilespmem:s3+$0xFFFFFFD0]  }
0x1b9: {  	v37 =	vperm.xlane v23, v11;
	v22 =	vmul.f32 v62, v22  }
0x1ba: {  	[tilespmem:s0+$0x50] =	vst v30;
	v25 =	vmul.f32 v25, v31;
	v30 =	vperm.xlane v28, v11  }
0x1bb: {  	v38 =	vperm.xlane v27, v11;
	[tilespmem:s0+$0xFFFFFFC0] =	vst v22;
	v22 =	vld [tilespmem:s29+$0xE0];
	v31 =	vmul.f32 v63, v37  }
0x1bc: {  	v39 =	vld [tilespmem:s29+$0xFFFFFFE0];
	[tilespmem:s15+$0x50] =	vst v25;
	v25 =	vmul.f32 v29, v30  }
0x1bd: {  	[tilespmem:s15+$0xFFFFFFC0] =	vst v31;
	v29 =	vld [tilespmem:s31+$0xE0];
	v30 =	vmul.f32 v36, v38  }
0x1be: {  	v15 =	vmul.f32 v26, v15;
	v26 =	vld [tilespmem:s31+$0xFFFFFFE0];
	[tilespmem:s14+$0x50] =	vst v25  }
0x1bf: {  	v20 =	vmul.f32 v24, v20;
	v24 =	vperm.xlane v17, v12;
	[tilespmem:s14+$0xFFFFFFC0] =	vst v30;
	v25 =	vld [tilespmem:s3+$0xE0]  }
0x1c0: {  	[tilespmem:s30+$0x60] =	vst v15;
	v15 =	vperm.xlane v21, v12;
	v18 =	vmul.f32 v22, v18;
	v22 =	vld [tilespmem:s3+$0xFFFFFFE0]  }
0x1c1: {  	[tilespmem:s30+$0xFFFFFFD0] =	vst v20;
	v20 =	vld [tilespmem:s28+$0xF0];
	v24 =	vmul.f32 v39, v24;
	v30 =	vperm.xlane v23, v12  }
0x1c2: {  	v31 =	vld [tilespmem:s28+$0xFFFFFFF0];
	[tilespmem:s0+$0x60] =	vst v18;
	v18 =	vperm.xlane v28, v12;
	v15 =	vmul.f32 v29, v15  }
0x1c3: {  	[tilespmem:s0+$0xFFFFFFD0] =	vst v24;
	v24 =	vld [tilespmem:s29+$0xF0];
	v29 =	vperm.xlane v27, v12;
	v26 =	vmul.f32 v26, v30  }
0x1c4: {  	v30 =	vld [tilespmem:s29+$0xFFFFFFF0];
	[tilespmem:s15+$0x60] =	vst v15;
	v15 =	vmul.f32 v25, v18  }
0x1c5: {  	v14 =	vperm.xlane v14, v13;
	[tilespmem:s15+$0xFFFFFFD0] =	vst v26;
	v18 =	vld [tilespmem:s31+$0xF0];
	v22 =	vmul.f32 v22, v29  }
0x1c6: {  	v19 =	vmul.f32 v20, v19;
	v16 =	vperm.xlane v16, v13;
	v20 =	vld [tilespmem:s31+$0xFFFFFFF0];
	[tilespmem:s14+$0x60] =	vst v15  }
0x1c7: {  	v14 =	vmul.f32 v31, v14;
	v15 =	vperm.xlane v17, v13;
	[tilespmem:s14+$0xFFFFFFD0] =	vst v22;
	v17 =	vld [tilespmem:s3+$0xF0]  }
0x1c8: {  	[tilespmem:s30+$0x70] =	vst v19;
	v19 =	vperm.xlane v21, v13;
	v16 =	vmul.f32 v24, v16;
	v21 =	vld [tilespmem:s3+$0xFFFFFFF0]  }
0x1c9: {  	[tilespmem:s30+$0xFFFFFFE0] =	vst v14;
	v14 =	vmul.f32 v30, v15;
	v15 =	vperm.xlane v23, v13  }
0x1ca: {  	[tilespmem:s0+$0x70] =	vst v16;
	v16 =	vmul.f32 v18, v19;
	v18 =	vperm.xlane v28, v13  }
0x1cb: {  	[tilespmem:s0+$0xFFFFFFE0] =	vst v14;
	v14 =	vmul.f32 v20, v15;
	v15 =	vperm.xlane v27, v13  }
0x1cc: {  	[tilespmem:s15+$0x70] =	vst v16;
	v16 =	vmul.f32 v17, v18  }
0x1cd: {  	[tilespmem:s15+$0xFFFFFFE0] =	vst v14;
	v14 =	vmul.f32 v21, v15  }
0x1ce: {  	p0 =	seq.s32 s26, $0x7C;
	s28 =	sshll.u32 s26, $0x1;
	[tilespmem:s14+$0x70] =	vst v16  }
0x1cf: {  	s0 =	sadd.s32 @!p0 s28, s12;
	[tilespmem:s14+$0xFFFFFFE0] =	vst v14  }
0x1d0: {  	[spmem:s2] =	stream.indirect.scatter.add.f32 [tilespmem:s8], [sflag:$0x7], $0x90, s11, s16, $0xb8;
	[tilespmem:$0x1F720] =	vst v63  }
0x1d1: {  	s0 =	smul.u32 @!p0 $0x5, s0;
	_ =	swait.ge [sflag:s9], $0x1680  }
0x1d2: {  	s15 =	simm.s32 @!p0 $0x16800;
	[sflag:s9] =	ssyncset.done $0x0  }
0x1d3: {  	s3 =	sadd.s32 @!p0 s6, s0;
	s14 =	simm.s32 @!p0 $0x0;
	[sflag:s9] =	ssyncadd.s32 $0xFFFFE980  }
0x1d4: {  	[tilespmem:s15], [sflag:$0x1] =	stream.linear.gather @!p0 [hbm4b:s3+s14], $0x28, $0x38;
	[tilespmem:$0x1F720] =	vst v63  }
0x1d5: {  	s0 =	sadd.s32 @!p0 s7, s0;
	s3 =	simm.s32 @!p0 $0x16828  }
0x1d6: {  	[tilespmem:s3], [sflag:$0x1] =	stream.linear.gather @!p0 [hbm4b:s0+s14], $0x28, $0x38;
	[tilespmem:$0x1F720] =	vst v63  }
0x1d7: {  	s0 =	simm.s32 @!p0 $0x1  }
0x1d8: {  	_ =	swait.ge @!p0 [sflag:s0], $0x28  }
0x1d9: {  	[sflag:s0] =	ssyncset.done @!p0 $0x0  }
0x1da: {  	[sflag:s0] =	ssyncadd.s32 @!p0 $0xFFFFFFD8  }
0x1db: {  	_ =	swait.ge @!p0 [sflag:s0], $0x28  }
0x1dc: {  	[sflag:s0] =	ssyncset.done @!p0 $0x0  }
0x1dd: {  	s14 =	simm.s32 @!p0 $0x168A0;
	[sflag:s0] =	ssyncadd.s32 @!p0 $0xFFFFFFD8;
	s0 =	simm.s32 @!p0 $0x28  }
0x1de: {  	[tilespmem:s14], [sflag:$0x3] =	stream.indirect.gather @!p0 [hbm4b:s5+s0], $0x100, s15, s0, $0xb8;
	[tilespmem:$0x1F720] =	vst v63  }
0x1df: {  	s14 =	simm.s32 @!p0 $0x1B8A0  }
0x1e0: {  	[tilespmem:s14], [sflag:$0x5] =	stream.indirect.gather @!p0 [hbm4b:s1+s0], $0x80, s3, s0, $0xb8;
	[tilespmem:$0x1F720] =	vst v63  }
0x1e1: {  	_ =	swait.ge [sflag:s23], $0x2800  }
0x1e2: {  	[sflag:s23] =	ssyncset.done $0x0  }
0x1e3: {  	[sflag:s23] =	ssyncadd.s32 $0xFFFFD800  }
0x1e4: {  	_ =	swait.ge [sflag:s24], $0x1400  }
0x1e5: {  	[sflag:s24] =	ssyncset.done $0x0  }
0x1e6: {  	s29 =	simm.s32 $0x19290;
	[sflag:s24] =	ssyncadd.s32 $0xFFFFEC00  }
0x1e7: {  	v14 =	vld [tilespmem:s29+$0xFFFFFF30]  }
0x1e8: {  	s19 =	simm.s32 $0x1CD90;
	v15 =	vld [tilespmem:s29+$0xFFFFFF70]  }
0x1e9: {  	v16 =	vld [tilespmem:s19+$0xFFFFFFB0]  }
0x1ea: {  	v17 =	vld [tilespmem:s29+$0xFFFFFF60]  }
0x1eb: {  	v18 =	vld [tilespmem:s29+$0xFFFFFF40]  }
0x1ec: {  	v19 =	vld [tilespmem:s19+$0xFFFFFFA0]  }
0x1ed: {  	v20 =	vld [tilespmem:s19+$0xFFFFFF90]  }
0x1ee: {  	v21 =	vld [tilespmem:s19+$0xFFFFFFF0]  }
0x1ef: {  	v22 =	vld [tilespmem:s29+$0xFFFFFF50]  }
0x1f0: {  	v23 =	vld [tilespmem:s29+$0xFFFFFF20]  }
0x1f1: {  	v24 =	vld [tilespmem:s19+$0x0]  }
0x1f2: {  	v25 =	vld [tilespmem:s19+$0xFFFFFFD0]  }
0x1f3: {  	v26 =	vld [tilespmem:s19+$0xFFFFFFE0]  }
0x1f4: {  	v27 =	vld [tilespmem:s29+$0xFFFFFF80]  }
0x1f5: {  	v28 =	vld [tilespmem:s19+$0xFFFFFFC0]  }
0x1f6: {  	v29 =	vld [tilespmem:s29+$0xFFFFFF10]  }
0x1f7: {  	v30 =	vld [tilespmem:s29+$0xFFFFFE80]  }
0x1f8: {  	v40 =	vld [tilespmem:s19+$0xFFFFFF80];
	v19 =	vmul.f32 v19, v23  }
0x1f9: {  	v41 =	vld [tilespmem:s29+$0xFFFFFE40];
	v22 =	vmul.f32 v25, v22;
	v15 =	vmul.f32 v21, v15  }
0x1fa: {  	v23 =	vld [tilespmem:s29+$0xFFFFFE70];
	v17 =	vmul.f32 v26, v17;
	v14 =	vmul.f32 v16, v14  }
0x1fb: {  	v21 =	vld [tilespmem:s29+$0xFFFFFE10];
	v24 =	vmul.f32 v24, v27;
	v18 =	vmul.f32 v28, v18  }
0x1fc: {  	v16 =	vld [tilespmem:s19+$0xFFFFFF10];
	v20 =	vmul.f32 v20, v29;
	v25 =	vperm.xlane v19, v1  }
0x1fd: {  	v26 =	vld [tilespmem:s19+$0xFFFFFF70];
	v31 =	vperm.xlane v22, v1;
	v28 =	vperm.xlane v17, v1  }
0x1fe: {  	v43 =	vld [tilespmem:s29+$0xFFFFFE60];
	v27 =	vperm.xlane v15, v1;
	v42 =	vperm.xlane v20, v1;
	v19 =	vadd.f32 v25, v19  }
0x1ff: {  	v45 =	vld [tilespmem:s29+$0xFFFFFE20];
	v25 =	vperm.xlane v14, v1;
	v22 =	vadd.f32 v31, v22;
	v17 =	vadd.f32 v28, v17  }
0x200: {  	v31 =	vperm.xlane v24, v1;
	v28 =	vld [tilespmem:s19+$0xFFFFFF50];
	v15 =	vadd.f32 v27, v15;
	v20 =	vadd.f32 v42, v20  }
0x201: {  	v27 =	vld [tilespmem:s29+$0xFFFFFE30];
	v16 =	vmul.f32 v16, v21;
	v14 =	vadd.f32 v25, v14;
	v25 =	vperm.xlane v18, v1  }
0x202: {  	v24 =	vadd.f32 v31, v24;
	v17 =	vsel vm0, v22, v17;
	v22 =	vmul.f32 v26, v23;
	v23 =	vld [tilespmem:s29+$0xFFFFFE50]  }
0x203: {  	v21 =	vld [tilespmem:s19+$0xFFFFFF60];
	v26 =	vmul.f32 v40, v30;
	v19 =	vsel vm0, v20, v19;
	v18 =	vadd.f32 v25, v18  }
0x204: {  	v20 =	vld [tilespmem:s19+$0xFFFFFF30];
	v30 =	vperm.xlane v16, v1;
	v25 =	vperm.xlane v17, v2;
	v15 =	vsel vm0, v15, v24  }
0x205: {  	v31 =	vld [tilespmem:s19+$0xFFFFFF20];
	v44 =	vperm.xlane v22, v1;
	v24 =	vperm.xlane v15, v2;
	v14 =	vsel vm0, v14, v18  }
0x206: {  	v29 =	vld [tilespmem:s19+$0xFFFFFF40];
	v18 =	vperm.xlane v19, v2;
	v17 =	vadd.f32 v25, v17;
	v25 =	vperm.xlane v26, v1  }
0x207: {  	v22 =	vadd.f32 v44, v22;
	v15 =	vadd.f32 v24, v15;
	v23 =	vmul.f32 v28, v23  }
0x208: {  	v18 =	vadd.f32 v18, v19;
	v19 =	vmul.f32 v21, v43;
	v21 =	vadd.f32 v25, v26  }
0x209: {  	v25 =	vperm.xlane v14, v2;
	v15 =	vsel vm1, v17, v15;
	v17 =	vmul.f32 v20, v27  }
0x20a: {  	v20 =	vmul.f32 v31, v45;
	v24 =	vperm.xlane v19, v1  }
0x20b: {  	v14 =	vadd.f32 v25, v14;
	v21 =	vsel vm0, v22, v21;
	v22 =	vmul.f32 v29, v41  }
0x20c: {  	v16 =	vadd.f32 v30, v16;
	v27 =	vperm.xlane v15, v3;
	v26 =	vperm.xlane v20, v1  }
0x20d: {  	s30 =	simm.s32 $0x19490;
	v14 =	vsel vm1, v18, v14;
	v18 =	vperm.xlane v23, v1;
	v25 =	vperm.xlane v22, v1  }
0x20e: {  	v46 =	vld [tilespmem:s30+$0xFFFFFE10];
	v19 =	vadd.f32 v24, v19;
	v24 =	vperm.xlane v17, v1;
	v15 =	vadd.f32 v27, v15  }
0x20f: {  	v30 =	vld [tilespmem:s30+$0xFFFFFF80];
	v20 =	vadd.f32 v26, v20;
	v18 =	vadd.f32 v18, v23  }
0x210: {  	v28 =	vld [tilespmem:s30+$0xFFFFFF70];
	v22 =	vadd.f32 v25, v22;
	v25 =	vperm.xlane v21, v2;
	v17 =	vadd.f32 v24, v17  }
0x211: {  	v29 =	vld [tilespmem:s30+$0xFFFFFF20];
	v16 =	vsel vm0, v16, v20;
	v18 =	vsel vm0, v18, v19;
	v19 =	vperm.xlane v14, v3  }
0x212: {  	v26 =	vld [tilespmem:s30+$0xFFFFFF60];
	v17 =	vsel vm0, v17, v22;
	v20 =	vadd.f32 v25, v21;
	v21 =	vperm.xlane v16, v2  }
0x213: {  	s20 =	simm.s32 $0x1CE90;
	v23 =	vld [tilespmem:s30+$0xFFFFFF30];
	v27 =	vperm.xlane v18, v2;
	v22 =	vperm.xlane v17, v2;
	v14 =	vadd.f32 v19, v14  }
0x214: {  	v19 =	vld [tilespmem:s20+$0xFFFFFFA0];
	v16 =	vadd.f32 v21, v16  }
0x215: {  	v24 =	vld [tilespmem:s20+$0xFFFFFFB0];
	v18 =	vadd.f32 v27, v18;
	v17 =	vadd.f32 v22, v17;
	v14 =	vsel vm2, v14, v15  }
0x216: {  	v21 =	vld [tilespmem:s20+$0xFFFFFF90];
	v22 =	vperm.xlane v14, v4  }
0x217: {  	v18 =	vsel vm1, v18, v20;
	v16 =	vsel vm1, v16, v17;
	v17 =	vld [tilespmem:s30+$0xFFFFFF50]  }
0x218: {  	v15 =	vperm.xlane v18, v3;
	v27 =	vperm.xlane v16, v3;
	v14 =	vadd.f32 v14, v22;
	v22 =	vld [tilespmem:s20+$0x0]  }
0x219: {  	v19 =	vmul.f32 v19, v29;
	v29 =	vld [tilespmem:s30+$0xFFFFFF10]  }
0x21a: {  	v15 =	vadd.f32 v15, v18;
	v18 =	vld [tilespmem:s20+$0xFFFFFFD0];
	v16 =	vadd.f32 v27, v16  }
0x21b: {  	v20 =	vld [tilespmem:s20+$0xFFFFFFF0]  }
0x21c: {  	v27 =	vld [tilespmem:s20+$0xFFFFFFE0];
	v14 =	vmul.f32 $1.442695020e+00, v14;
	v15 =	vsel vm2, v16, v15  }
0x21d: {  	v25 =	vld [tilespmem:s30+$0xFFFFFF40];
	v23 =	vmul.f32 v24, v23;
	v31 =	vperm.xlane v15, v4  }
0x21e: {  	v16 =	vld [tilespmem:s20+$0xFFFFFFC0];
	(erf) = vpow2.f32 v14;
	v22 =	vmul.f32 v22, v30  }
0x21f: {  	v47 =	vld [tilespmem:s20+$0xFFFFFF80];
	v21 =	vmul.f32 v21, v29;
	v17 =	vmul.f32 v18, v17  }
0x220: {  	v49 =	vld [tilespmem:s30+$0xFFFFFE30];
	v18 =	vmul.f32 v20, v28;
	v28 =	vperm.xlane v19, v1  }
0x221: {  	v14 =	vld [tilespmem:s30+$0xFFFFFE70];
	v26 =	vmul.f32 v27, v26;
	v15 =	vadd.f32 v15, v31;
	v31 =	vperm.xlane v23, v1  }
0x222: {  	v20 =	vld [tilespmem:s30+$0xFFFFFE80];
	v48 =	vperm.xlane v21, v1;
	v27 =	vperm.xlane v17, v1  }
0x223: {  	v19 =	vadd.f32 v28, v19;
	v24 =	vperm.xlane v18, v1;
	v28 =	vld [tilespmem:s20+$0xFFFFFF10];
	v16 =	vmul.f32 v16, v25  }
0x224: {  	v25 =	vld [tilespmem:s20+$0xFFFFFF70];
	v30 =	vperm.xlane v26, v1;
	v15 =	vmul.f32 $1.442695020e+00, v15  }
0x225: {  	s0 =	simm.s32 $0x19690;
	v51 =	vld [tilespmem:s20+$0xFFFFFF30];
	v23 =	vadd.f32 v31, v23;
	v17 =	vadd.f32 v27, v17;
	v27 =	vperm.xlane v22, v1  }
0x226: {  	v56 =	vld [tilespmem:s0+$0xFFFFFF50];
	v26 =	vadd.f32 v30, v26;
	v30 =	vperm.xlane v16, v1;
	(erf) = vpow2.f32 v15  }
0x227: {  	v29 =	vld [tilespmem:s30+$0xFFFFFE40];
	v15 =	vadd.f32 v24, v18;
	v18 =	vadd.f32 v48, v21;
	v20 =	vmul.f32 v47, v20  }
0x228: {  	v21 =	vld [tilespmem:s20+$0xFFFFFF60];
	v22 =	vadd.f32 v27, v22;
	v17 =	vsel vm0, v17, v26;
	v16 =	vadd.f32 v30, v16  }
0x229: {  	v27 =	vld [tilespmem:s30+$0xFFFFFE60];
	v18 =	vsel vm0, v18, v19;
	v26 =	vmul.f32 v28, v46;
	v14 =	vmul.f32 v25, v14  }
0x22a: {  	v24 =	vld [tilespmem:s20+$0xFFFFFF50];
	v25 =	vperm.xlane v17, v2;
	v19 =	vpop (erf);
	v16 =	vsel vm0, v23, v16;
	v23 =	vperm.xlane v18, v2  }
0x22b: {  	v15 =	vsel vm0, v15, v22;
	v22 =	vld [tilespmem:s30+$0xFFFFFE50];
	v44 =	vperm.xlane v19, v9;
	v47 =	vperm.xlane v19, v8  }
0x22c: {  	v31 =	vld [tilespmem:s20+$0xFFFFFF40];
	v28 =	vperm.xlane v26, v1;
	v17 =	vadd.f32 v25, v17;
	v25 =	vperm.xlane v20, v1  }
0x22d: {  	s25 =	simm.s32 $0x1CF90;
	v57 =	vld [tilespmem:s0+$0xFFFFFF20];
	v30 =	vperm.xlane v15, v2;
	v50 =	vperm.xlane v14, v1;
	v18 =	vadd.f32 v23, v18  }
0x22e: {  	v59 =	vld [tilespmem:s25+$0x0];
	v21 =	vmul.f32 v21, v27;
	v20 =	vadd.f32 v25, v20;
	v25 =	vperm.xlane v16, v2  }
0x22f: {  	v23 =	vld [tilespmem:s20+$0xFFFFFF20];
	v15 =	vadd.f32 v30, v15;
	v27 =	vperm.xlane v19, v5;
	v33 =	vadd.f32 v50, v14  }
0x230: {  	v30 =	vld [tilespmem:s30+$0xFFFFFE20];
	v52 =	vperm.xlane v21, v1;
	v22 =	vmul.f32 v24, v22;
	v16 =	vadd.f32 v25, v16  }
0x231: {  	v60 =	vld [tilespmem:s25+$0xFFFFFFE0];
	v15 =	vsel vm1, v17, v15;
	v17 =	vmul.f32 v31, v29;
	v29 =	vmul.f32 v51, v49  }
0x232: {  	v62 =	vld [tilespmem:s25+$0xFFFFFFC0];
	v14 =	vpop (erf);
	v20 =	vsel vm0, v33, v20;
	v31 =	vperm.xlane v19, v6;
	v24 =	vperm.xlane v15, v3  }
0x233: {  	s31 =	simm.s32 $0x1E130;
	s15 =	simm.s32 $0x19890;
	v63 =	vld [tilespmem:s0+$0xFFFFFF10];
	v26 =	vadd.f32 v28, v26;
	v25 =	vperm.xlane v14, v5;
	v28 =	vperm.xlane v20, v2  }
0x234: {  	v35 =	vld [tilespmem:s15+$0xFFFFFF40];
	[tilespmem:s31+$0x80] =	vst v27;
	v54 =	vperm.xlane v14, v6;
	v16 =	vsel vm1, v18, v16;
	v18 =	vperm.xlane v22, v1  }
0x235: {  	v27 =	vld [tilespmem:s29+$0xFFFFFF90];
	v58 =	vperm.xlane v14, v7;
	v21 =	vadd.f32 v52, v21;
	v23 =	vmul.f32 v23, v30  }
0x236: {  	v45 =	vld [tilespmem:s0+$0xFFFFFE80];
	v32 =	vperm.xlane v29, v1;
	[tilespmem:s31+$0xFFFFFFF0] =	vst v25;
	v25 =	vperm.xlane v17, v1;
	v18 =	vadd.f32 v18, v22  }
0x237: {  	v15 =	vadd.f32 v24, v15;
	v24 =	vperm.xlane v16, v3;
	v30 =	vld [tilespmem:s29+$0xFFFFFE90];
	v53 =	vperm.xlane v23, v1  }
0x238: {  	v22 =	vld [tilespmem:s0+$0xFFFFFF30];
	v29 =	vadd.f32 v32, v29;
	v17 =	vadd.f32 v25, v17;
	v18 =	vsel vm0, v18, v21  }
0x239: {  	v20 =	vadd.f32 v28, v20;
	v21 =	vld [tilespmem:s25+$0xFFFFFFB0];
	v23 =	vadd.f32 v53, v23;
	v55 =	vperm.xlane v18, v2  }
0x23a: {  	v16 =	vadd.f32 v24, v16;
	v24 =	vld [tilespmem:s25+$0xFFFFFFA0];
	v27 =	vmul.f32 v27, v31;
	v17 =	vsel vm0, v29, v17  }
0x23b: {  	v48 =	vld [tilespmem:s25+$0xFFFFFF10];
	v29 =	vperm.xlane v17, v2;
	v23 =	vsel vm0, v26, v23;
	v18 =	vadd.f32 v55, v18  }
0x23c: {  	v32 =	vperm.xlane v19, v11;
	v25 =	vld [tilespmem:s0+$0xFFFFFF70];
	v15 =	vsel vm2, v16, v15;
	v28 =	vperm.xlane v23, v2  }
0x23d: {  	[tilespmem:s31+$0x0] =	vst v27;
	v26 =	vmul.f32 v30, v54;
	v30 =	vld [tilespmem:s0+$0xFFFFFF40];
	v17 =	vadd.f32 v29, v17;
	v18 =	vsel vm1, v18, v20  }
0x23e: {  	v27 =	vld [tilespmem:s29+$0xFFFFFFA0];
	v21 =	vmul.f32 v21, v22;
	v23 =	vadd.f32 v28, v23;
	v16 =	vperm.xlane v18, v3  }
0x23f: {  	v24 =	vmul.f32 v24, v57;
	v20 =	vld [tilespmem:s25+$0xFFFFFF90];
	v28 =	vperm.xlane v15, v4  }
0x240: {  	[tilespmem:s31+$0xFFFFFF70] =	vst v26;
	v22 =	vld [tilespmem:s0+$0xFFFFFE10];
	v51 =	vperm.xlane v21, v1;
	v17 =	vsel vm1, v23, v17;
	v16 =	vadd.f32 v16, v18  }
0x241: {  	v26 =	vld [tilespmem:s29+$0xFFFFFEA0];
	v18 =	vperm.xlane v19, v7;
	v28 =	vadd.f32 v15, v28;
	v15 =	vperm.xlane v19, v12  }
0x242: {  	v31 =	vld [tilespmem:s0+$0xFFFFFF60];
	v30 =	vmul.f32 v62, v30;
	v29 =	vperm.xlane v17, v3  }
0x243: {  	v23 =	vld [tilespmem:s25+$0xFFFFFFF0];
	v27 =	vmul.f32 v27, v18;
	v28 =	vmul.f32 $1.442695020e+00, v28  }
0x244: {  	v18 =	vperm.xlane v19, v10;
	v20 =	vmul.f32 v20, v63;
	v17 =	vadd.f32 v29, v17;
	v29 =	vld [tilespmem:s25+$0xFFFFFFD0]  }
0x245: {  	v41 =	vld [tilespmem:s15+$0xFFFFFF30];
	v53 =	vperm.xlane v30, v1;
	v22 =	vmul.f32 v48, v22  }
0x246: {  	v19 =	vperm.xlane v19, v13;
	[tilespmem:s31+$0x10] =	vst v27;
	v16 =	vsel vm2, v17, v16;
	v17 =	vmul.f32 v26, v58;
	v26 =	vld [tilespmem:s0+$0xFFFFFF80]  }
0x247: {  	(erf) = vpow2.f32 v28;
	v28 =	vmul.f32 v60, v31;
	v46 =	vld [tilespmem:s29+$0xFFFFFFB0]  }
0x248: {  	v50 =	vld [tilespmem:s25+$0xFFFFFF70];
	v55 =	vperm.xlane v20, v1;
	v23 =	vmul.f32 v23, v25  }
0x249: {  	v21 =	vadd.f32 v51, v21;
	v27 =	vld [tilespmem:s0+$0xFFFFFE70];
	v25 =	vperm.xlane v24, v1;
	v29 =	vmul.f32 v29, v56  }
0x24a: {  	v57 =	vld [tilespmem:s0+$0xFFFFFE50];
	v61 =	vperm.xlane v16, v4;
	v49 =	vperm.xlane v28, v1;
	v20 =	vadd.f32 v55, v20  }
0x24b: {  	v62 =	vld [tilespmem:s25+$0xFFFFFF30];
	v24 =	vadd.f32 v25, v24;
	v25 =	vperm.xlane v23, v1;
	v31 =	vperm.xlane v29, v1  }
0x24c: {  	[tilespmem:s31+$0xFFFFFF80] =	vst v17;
	v17 =	vld [tilespmem:s25+$0xFFFFFF80];
	v16 =	vadd.f32 v16, v61;
	v26 =	vmul.f32 v59, v26;
	v34 =	vmul.f32 v46, v47  }
0x24d: {  	v28 =	vadd.f32 v49, v28;
	v52 =	vld [tilespmem:s29+$0xFFFFFEB0];
	v56 =	vperm.xlane v22, v1;
	v23 =	vadd.f32 v25, v23  }
0x24e: {  	v25 =	vld [tilespmem:s0+$0xFFFFFE60];
	v27 =	vmul.f32 v50, v27;
	v29 =	vadd.f32 v31, v29;
	v31 =	vperm.xlane v26, v1;
	[tilespmem:s31+$0x20] =	vst v34  }
0x24f: {  	v20 =	vsel vm0, v20, v24;
	v16 =	vmul.f32 $1.442695020e+00, v16;
	v59 =	vperm.xlane v14, v8;
	v24 =	vld [tilespmem:s29+$0xFFFFFFC0]  }
0x250: {  	v22 =	vadd.f32 v56, v22;
	v26 =	vadd.f32 v31, v26;
	v28 =	vsel vm0, v29, v28;
	v29 =	vld [tilespmem:s25+$0xFFFFFF60]  }
0x251: {  	v60 =	vperm.xlane v27, v1;
	(erf) = vpow2.f32 v16;
	v16 =	vadd.f32 v53, v30;
	v31 =	vld [tilespmem:s25+$0xFFFFFF50]  }
0x252: {  	v61 =	vld [tilespmem:s0+$0xFFFFFE30];
	v17 =	vmul.f32 v17, v45;
	v30 =	vperm.xlane v28, v2;
	v23 =	vsel vm0, v23, v26  }
0x253: {  	v54 =	vld [tilespmem:s0+$0xFFFFFE40];
	v21 =	vsel vm0, v21, v16;
	v26 =	vperm.xlane v20, v2;
	v16 =	vperm.xlane v23, v2  }
0x254: {  	v58 =	vld [tilespmem:s25+$0xFFFFFF40];
	v28 =	vadd.f32 v30, v28;
	v30 =	vperm.xlane v17, v1;
	v24 =	vmul.f32 v24, v44  }
0x255: {  	v46 =	vld [tilespmem:s0+$0xFFFFFE20];
	v27 =	vadd.f32 v60, v27;
	v25 =	vmul.f32 v29, v25;
	v29 =	vmul.f32 v52, v59  }
0x256: {  	v44 =	vld [tilespmem:s25+$0xFFFFFF20];
	v17 =	vadd.f32 v30, v17;
	v30 =	vperm.xlane v21, v2;
	v31 =	vmul.f32 v31, v57  }
0x257: {  	s25 =	simm.s32 $0x1D090;
	v23 =	vadd.f32 v16, v23;
	v52 =	vperm.xlane v14, v9;
	v57 =	vld [tilespmem:s15+$0xFFFFFF70];
	[tilespmem:s31+$0x30] =	vst v24;
	v24 =	vmul.f32 v62, v61  }
0x258: {  	v20 =	vadd.f32 v26, v20;
	v42 =	vld [tilespmem:s25+$0xFFFFFFB0];
	v61 =	vperm.xlane v14, v10;
	v63 =	vperm.xlane v25, v1  }
0x259: {  	v16 =	vpop (erf);
	v23 =	vsel vm1, v28, v23;
	[tilespmem:s31+$0xFFFFFF90] =	vst v29;
	v27 =	vsel vm0, v27, v17;
	v28 =	vmul.f32 v58, v54;
	v50 =	vld [tilespmem:s29+$0xFFFFFFD0]  }
0x25a: {  	v21 =	vadd.f32 v30, v21;
	v30 =	vperm.xlane v31, v1;
	v45 =	vperm.xlane v16, v5;
	v48 =	vld [tilespmem:s29+$0xFFFFFEC0]  }
0x25b: {  	s3 =	simm.s32 $0x1E250;
	v29 =	vperm.xlane v23, v3;
	v26 =	vperm.xlane v27, v2;
	v25 =	vadd.f32 v63, v25;
	v63 =	vld [tilespmem:s25+$0xFFFFFFF0]  }
0x25c: {  	v55 =	vperm.xlane v24, v1;
	v56 =	vperm.xlane v16, v6;
	v17 =	vpop (erf);
	v30 =	vadd.f32 v30, v31;
	[tilespmem:s3+$0x80] =	vst v45;
	v45 =	vld [tilespmem:s25+$0xFFFFFFC0]  }
0x25d: {  	v51 =	vperm.xlane v28, v1;
	v47 =	vperm.xlane v17, v5;
	v49 =	vld [tilespmem:s30+$0xFFFFFF90]  }
0x25e: {  	v20 =	vsel vm1, v20, v21;
	v21 =	vmul.f32 v44, v46;
	v25 =	vsel vm0, v30, v25;
	v30 =	vld [tilespmem:s15+$0xFFFFFF60]  }
0x25f: {  	v46 =	vperm.xlane v16, v9;
	v58 =	vperm.xlane v20, v3;
	v28 =	vadd.f32 v51, v28;
	v51 =	vld [tilespmem:s25+$0xFFFFFFD0];
	[tilespmem:s3+$0xFFFFFFF0] =	vst v47  }
0x260: {  	v53 =	vperm.xlane v17, v6;
	v23 =	vadd.f32 v29, v23;
	v31 =	vperm.xlane v21, v1;
	v54 =	vld [tilespmem:s30+$0xFFFFFE90]  }
0x261: {  	v29 =	vperm.xlane v25, v2;
	v20 =	vadd.f32 v58, v20;
	v37 =	vmul.f32 v48, v52;
	v52 =	vld [tilespmem:s25+$0x0]  }
0x262: {  	v26 =	vadd.f32 v26, v27;
	v41 =	vmul.f32 v42, v41;
	v34 =	vmul.f32 v63, v57;
	v63 =	vld [tilespmem:s25+$0xFFFFFF70]  }
0x263: {  	v21 =	vadd.f32 v31, v21;
	v20 =	vsel vm2, v20, v23;
	v23 =	vadd.f32 v29, v25;
	[tilespmem:s31+$0xFFFFFFA0] =	vst v37;
	v37 =	vld [tilespmem:s15+$0xFFFFFE80]  }
0x264: {  	v24 =	vadd.f32 v55, v24;
	v48 =	vperm.xlane v17, v7;
	v25 =	vmul.f32 v50, v18;
	v31 =	vld [tilespmem:s29+$0xFFFFFED0]  }
0x265: {  	v18 =	vperm.xlane v16, v12;
	v21 =	vsel vm0, v22, v21;
	v23 =	vsel vm1, v23, v26;
	v26 =	vld [tilespmem:s25+$0xFFFFFF90]  }
0x266: {  	v22 =	vsel vm0, v24, v28;
	v29 =	vperm.xlane v20, v4;
	v33 =	vmul.f32 v49, v56;
	v49 =	vld [tilespmem:s15+$0xFFFFFF20]  }
0x267: {  	v59 =	vperm.xlane v21, v2;
	v60 =	vperm.xlane v22, v2;
	v56 =	vld [tilespmem:s15+$0xFFFFFF10]  }
0x268: {  	v35 =	vmul.f32 v45, v35;
	v62 =	vperm.xlane v23, v3;
	v20 =	vadd.f32 v20, v29;
	v29 =	vld [tilespmem:s15+$0xFFFFFF50]  }
0x269: {  	v24 =	vmul.f32 v54, v53;
	v21 =	vadd.f32 v59, v21;
	v22 =	vadd.f32 v60, v22;
	v53 =	vld [tilespmem:s25+$0xFFFFFFE0]  }
0x26a: {  	[tilespmem:s3+$0x0] =	vst v33;
	v54 =	vld [tilespmem:s15+$0xFFFFFF80];
	v23 =	vadd.f32 v62, v23;
	v50 =	vmul.f32 $1.442695020e+00, v20;
	v20 =	vperm.xlane v14, v12  }
0x26b: {  	v28 =	vld [tilespmem:s30+$0xFFFFFFA0];
	v62 =	vperm.xlane v16, v8;
	v21 =	vsel vm1, v21, v22;
	v22 =	vperm.xlane v16, v7  }
0x26c: {  	[tilespmem:s3+$0xFFFFFF70] =	vst v24;
	v24 =	vld [tilespmem:s25+$0xFFFFFFA0];
	v47 =	vperm.xlane v21, v3;
	v31 =	vmul.f32 v31, v61  }
0x26d: {  	v60 =	vld [tilespmem:s15+$0xFFFFFE10];
	(erf) = vpow2.f32 v50;
	v61 =	vperm.xlane v34, v1  }
0x26e: {  	v27 =	vld [tilespmem:s30+$0xFFFFFEA0];
	v26 =	vmul.f32 v26, v56;
	v56 =	vperm.xlane v35, v1  }
0x26f: {  	v29 =	vmul.f32 v51, v29;
	v21 =	vadd.f32 v47, v21;
	v30 =	vmul.f32 v53, v30;
	v47 =	vld [tilespmem:s25+$0xFFFFFF10]  }
0x270: {  	v38 =	vmul.f32 v52, v54;
	v34 =	vadd.f32 v61, v34;
	v61 =	vld [tilespmem:s25+$0xFFFFFF60];
	v28 =	vmul.f32 v28, v22  }
0x271: {  	v22 =	vperm.xlane v16, v10;
	v24 =	vmul.f32 v24, v49;
	v49 =	vld [tilespmem:s15+$0xFFFFFE50]  }
0x272: {  	v58 =	vperm.xlane v29, v1;
	v21 =	vsel vm2, v21, v23;
	v52 =	vperm.xlane v30, v1;
	[tilespmem:s3+$0x10] =	vst v28;
	v28 =	vld [tilespmem:s15+$0xFFFFFE70]  }
0x273: {  	v35 =	vadd.f32 v56, v35;
	v53 =	vperm.xlane v38, v1;
	v55 =	vperm.xlane v21, v4;
	v59 =	vld [tilespmem:s30+$0xFFFFFFB0]  }
0x274: {  	v27 =	vmul.f32 v27, v48;
	v48 =	vperm.xlane v41, v1;
	v30 =	vadd.f32 v52, v30;
	v52 =	vld [tilespmem:s25+$0xFFFFFF40]  }
0x275: {  	v57 =	vperm.xlane v24, v1;
	v33 =	vadd.f32 v53, v38;
	v53 =	vld [tilespmem:s15+$0xFFFFFE30];
	v21 =	vadd.f32 v21, v55  }
0x276: {  	v23 =	vperm.xlane v14, v11;
	[tilespmem:s3+$0xFFFFFF80] =	vst v27;
	v27 =	vadd.f32 v58, v29;
	v29 =	vld [tilespmem:s25+$0xFFFFFF80];
	v55 =	vadd.f32 v48, v41  }
0x277: {  	v58 =	vld [tilespmem:s25+$0xFFFFFF50];
	v24 =	vadd.f32 v57, v24;
	v57 =	vperm.xlane v26, v1;
	v33 =	vsel vm0, v34, v33  }
0x278: {  	v41 =	vld [tilespmem:s15+$0xFFFFFE40];
	v21 =	vmul.f32 $1.442695020e+00, v21;
	v27 =	vsel vm0, v27, v30;
	v30 =	vmul.f32 v47, v60  }
0x279: {  	[tilespmem:s31+$0x40] =	vst v25;
	v54 =	vld [tilespmem:s30+$0xFFFFFEB0];
	v25 =	vsel vm0, v55, v35;
	v48 =	vperm.xlane v33, v2;
	v39 =	vmul.f32 v59, v62  }
0x27a: {  	v55 =	vld [tilespmem:s25+$0xFFFFFF30];
	v28 =	vmul.f32 v63, v28;
	v26 =	vadd.f32 v57, v26;
	v60 =	vperm.xlane v27, v2  }
0x27b: {  	v59 =	vld [tilespmem:s15+$0xFFFFFE60];
	(erf) = vpow2.f32 v21;
	v29 =	vmul.f32 v29, v37;
	[tilespmem:s3+$0x20] =	vst v39  }
0x27c: {  	[tilespmem:s31+$0xFFFFFFB0] =	vst v31;
	v21 =	vsel vm0, v26, v24;
	v26 =	vperm.xlane v30, v1;
	v38 =	vmul.f32 v58, v49;
	v24 =	vld [tilespmem:s30+$0xFFFFFFC0]  }
0x27d: {  	v51 =	vld [tilespmem:s29+$0xFFFFFEE0];
	v31 =	vadd.f32 v60, v27;
	v37 =	vmul.f32 v52, v41;
	v62 =	vperm.xlane v21, v2  }
0x27e: {  	v63 =	vld [tilespmem:s29+$0xFFFFFFE0];
	v50 =	vperm.xlane v29, v1;
	v27 =	vadd.f32 v26, v30;
	v26 =	vperm.xlane v17, v8  }
0x27f: {  	v57 =	vld [tilespmem:s25+$0xFFFFFF20];
	v33 =	vadd.f32 v48, v33;
	v30 =	vperm.xlane v28, v1;
	v39 =	vmul.f32 v55, v53  }
0x280: {  	v60 =	vld [tilespmem:s15+$0xFFFFFE20];
	v42 =	vperm.xlane v37, v1;
	v34 =	vadd.f32 v62, v21;
	v26 =	vmul.f32 v54, v26  }
0x281: {  	v21 =	vpop (erf);
	v44 =	vmul.f32 v61, v59;
	v29 =	vadd.f32 v50, v29;
	v24 =	vmul.f32 v24, v46  }
0x282: {  	v54 =	vperm.xlane v25, v2;
	v28 =	vadd.f32 v30, v28;
	v59 =	vperm.xlane v21, v5;
	[tilespmem:s3+$0xFFFFFF90] =	vst v26  }
0x283: {  	s14 =	simm.s32 $0x1E370;
	v33 =	vsel vm1, v31, v33;
	v30 =	vmul.f32 v63, v32;
	[tilespmem:s3+$0x30] =	vst v24;
	v24 =	vmul.f32 v51, v23  }
0x284: {  	v63 =	vperm.xlane v38, v1;
	v43 =	vperm.xlane v39, v1;
	v28 =	vsel vm0, v28, v29;
	[tilespmem:s14+$0x80] =	vst v59;
	v29 =	vld [tilespmem:s30+$0xFFFFFEC0]  }
0x285: {  	v41 =	vmul.f32 v57, v60;
	v26 =	vperm.xlane v33, v3;
	v35 =	vld [tilespmem:s0+$0xFFFFFF90];
	v23 =	vpop (erf);
	[tilespmem:s31+$0xFFFFFFC0] =	vst v24  }
0x286: {  	v56 =	vperm.xlane v44, v1;
	v58 =	vadd.f32 v54, v25;
	[tilespmem:s31+$0x50] =	vst v30;
	v62 =	vperm.xlane v23, v5;
	v24 =	vld [tilespmem:s29+$0xFFFFFEF0]  }
0x287: {  	v30 =	vperm.xlane v17, v9;
	v61 =	vperm.xlane v28, v2;
	v32 =	vadd.f32 v26, v33;
	v26 =	vld [tilespmem:s29+$0xFFFFFFF0]  }
0x288: {  	v31 =	vsel vm1, v34, v58;
	v40 =	vadd.f32 v56, v44;
	v44 =	vadd.f32 v63, v38;
	v25 =	vld [tilespmem:s30+$0xFFFFFFD0];
	[tilespmem:s14+$0xFFFFFFF0] =	vst v62  }
0x289: {  	s19 =	simm.s32 $0x6;
	s20 =	simm.s32 $0x19A90;
	v38 =	vperm.xlane v21, v6;
	v33 =	vadd.f32 v61, v28;
	v34 =	vperm.xlane v23, v6;
	v36 =	vld [tilespmem:s0+$0xFFFFFE90]  }
.LBB2_7:
0x28a: {  	v28 =	vld [tilespmem:s20+$0xFFFFFF30];
	s19 =	sadd.s32 $0x2, s19;
	v45 =	vperm.xlane v41, v1;
	v37 =	vadd.f32 v42, v37;
	s25 =	sadd.s32 $0x100, s25;
	v29 =	vmul.f32 v29, v30  }
0x28b: {  	v42 =	vperm.xlane v31, v3;
	v30 =	vld [tilespmem:s20+$0xFFFFFF70];
	p1 =	slt.u32 s19, $0x26;
	v40 =	vsel vm0, v44, v40;
	v20 =	vmul.f32 v24, v20  }
0x28c: {  	v39 =	vadd.f32 v43, v39;
	v24 =	vld [tilespmem:s25+$0xFFFFFFB0];
	v41 =	vadd.f32 v45, v41;
	[tilespmem:s3+$0xFFFFFFA0] =	vst v29;
	v15 =	vmul.f32 v26, v15  }
0x28d: {  	v29 =	vperm.xlane v40, v2;
	v31 =	vadd.f32 v42, v31;
	v26 =	vld [tilespmem:s20+$0xFFFFFF60];
	v35 =	vmul.f32 v35, v38;
	[tilespmem:s31+$0xFFFFFFD0] =	vst v20  }
0x28e: {  	v20 =	vsel vm0, v27, v41;
	v27 =	vsel vm0, v39, v37;
	v34 =	vmul.f32 v36, v34;
	v36 =	vld [tilespmem:s30+$0xFFFFFED0];
	[tilespmem:s31+$0x60] =	vst v15  }
0x28f: {  	v22 =	vmul.f32 v25, v22;
	v31 =	vsel vm2, v31, v32;
	v41 =	vperm.xlane v20, v2;
	[tilespmem:s14+$0x0] =	vst v35;
	v25 =	vld [tilespmem:s29+$0x0]  }
0x290: {  	v29 =	vadd.f32 v29, v40;
	v32 =	vperm.xlane v27, v2;
	v35 =	vperm.xlane v31, v4;
	[tilespmem:s14+$0xFFFFFF70] =	vst v34;
	v34 =	vld [tilespmem:s29+$0xFFFFFF00];
	s29 =	smov.u32 s30;
	s30 =	smov.u32 s0;
	s0 =	smov.u32 s15  }
0x291: {  	v38 =	vperm.xlane v21, v12;
	v39 =	vperm.xlane v17, v10;
	s15 =	smov.u32 s20;
	v20 =	vadd.f32 v41, v20;
	v37 =	vld [tilespmem:s30+$0xFFFFFFA0];
	[tilespmem:s3+$0x40] =	vst v22  }
0x292: {  	v15 =	vmovc v18;
	v22 =	vadd.f32 v32, v27;
	v27 =	vsel vm1, v29, v33;
	v29 =	vperm.xlane v14, v13;
	v40 =	vld [tilespmem:s20+$0xFFFFFF40]  }
0x293: {  	v18 =	vmovc v38;
	v14 =	vmovc v17;
	v17 =	vmov v23;
	v33 =	vperm.xlane v27, v3;
	v32 =	vld [tilespmem:s25+$0xFFFFFFA0];
	v36 =	vmul.f32 v36, v39  }
0x294: {  	v23 =	vperm.xlane v21, v7;
	v20 =	vsel vm1, v20, v22;
	v22 =	vld [tilespmem:s30+$0xFFFFFEA0];
	v19 =	vmul.f32 v25, v19  }
0x295: {  	v27 =	vadd.f32 v33, v27;
	v25 =	vld [tilespmem:s25+$0xFFFFFF90];
	[tilespmem:s3+$0xFFFFFFB0] =	vst v36;
	v29 =	vmul.f32 v34, v29  }
0x296: {  	v31 =	vadd.f32 v31, v35;
	v34 =	vperm.xlane v20, v3;
	v33 =	vld [tilespmem:s25+$0xFFFFFFF0];
	v23 =	vmul.f32 v37, v23;
	[tilespmem:s31+$0x70] =	vst v19  }
0x297: {  	v19 =	vperm.xlane v17, v7;
	v35 =	vld [tilespmem:s20+$0xFFFFFF50];
	[tilespmem:s31+$0xFFFFFFE0] =	vst v29;
	s31 =	smov.u32 s3;
	s3 =	smov.u32 s14;
	s14 =	sadd.s32 $0x120, s14  }
0x298: {  	v31 =	vmul.f32 $1.442695020e+00, v31;
	v20 =	vadd.f32 v34, v20;
	v29 =	vld [tilespmem:s20+$0xFFFFFF20];
	[tilespmem:s3+$0x10] =	vst v23  }
0x299: {  	v23 =	vld [tilespmem:s25+$0x0];
	v19 =	vmul.f32 v22, v19  }
0x29a: {  	v34 =	vld [tilespmem:s25+$0xFFFFFFD0]  }
0x29b: {  	v37 =	vperm.xlane v16, v11;
	v36 =	vld [tilespmem:s25+$0xFFFFFFE0];
	[tilespmem:s3+$0xFFFFFF80] =	vst v19;
	v19 =	vperm.xlane v16, v13;
	v16 =	vmov v21  }
0x29c: {  	v38 =	vperm.xlane v14, v11;
	v27 =	vsel vm2, v20, v27;
	v20 =	vperm.xlane v14, v12;
	v21 =	vld [tilespmem:s20+$0xFFFFFF80]  }
0x29d: {  	v41 =	vperm.xlane v27, v4;
	v22 =	vperm.xlane v16, v10;
	v39 =	vld [tilespmem:s25+$0xFFFFFFC0]  }
0x29e: {  	v29 =	vmul.f32 v32, v29;
	v32 =	vperm.xlane v16, v9;
	v42 =	vld [tilespmem:s20+$0xFFFFFF10]  }
0x29f: {  	v30 =	vmul.f32 v33, v30;
	v43 =	vld [tilespmem:s20+$0xFFFFFE80];
	v34 =	vmul.f32 v34, v35  }
0x2a0: {  	v35 =	vperm.xlane v29, v1;
	v33 =	vld [tilespmem:s20+$0xFFFFFE70];
	(erf) = vpow2.f32 v31  }
0x2a1: {  	v26 =	vmul.f32 v36, v26;
	v31 =	vperm.xlane v34, v1;
	v36 =	vld [tilespmem:s30+$0xFFFFFFB0]  }
0x2a2: {  	v24 =	vmul.f32 v24, v28;
	v21 =	vmul.f32 v23, v21;
	v23 =	vadd.f32 v35, v29;
	v44 =	vld [tilespmem:s20+$0xFFFFFE10]  }
0x2a3: {  	v27 =	vadd.f32 v27, v41;
	v29 =	vperm.xlane v30, v1;
	v35 =	vperm.xlane v16, v8;
	v28 =	vld [tilespmem:s25+$0xFFFFFF70]  }
0x2a4: {  	v39 =	vmul.f32 v39, v40;
	v40 =	vperm.xlane v26, v1;
	v41 =	vld [tilespmem:s25+$0xFFFFFF10]  }
0x2a5: {  	v46 =	vperm.xlane v24, v1;
	v31 =	vadd.f32 v31, v34;
	v34 =	vperm.xlane v21, v1;
	v45 =	vld [tilespmem:s25+$0xFFFFFF80]  }
0x2a6: {  	v25 =	vmul.f32 v25, v42;
	v26 =	vadd.f32 v40, v26;
	v40 =	vld [tilespmem:s30+$0xFFFFFEB0];
	v35 =	vmul.f32 v36, v35  }
0x2a7: {  	v24 =	vadd.f32 v46, v24;
	v27 =	vmul.f32 $1.442695020e+00, v27;
	v42 =	vperm.xlane v39, v1;
	v36 =	vld [tilespmem:s20+$0xFFFFFE40]  }
0x2a8: {  	v47 =	vperm.xlane v25, v1;
	v34 =	vadd.f32 v34, v21;
	v26 =	vsel vm0, v31, v26;
	v46 =	vld [tilespmem:s25+$0xFFFFFF40];
	[tilespmem:s3+$0x20] =	vst v35  }
0x2a9: {  	v29 =	vadd.f32 v29, v30;
	v39 =	vadd.f32 v42, v39;
	v31 =	vmul.f32 v41, v44;
	v35 =	vld [tilespmem:s25+$0xFFFFFF50];
	v21 =	vpop (erf)  }
0x2aa: {  	v25 =	vadd.f32 v47, v25;
	v28 =	vmul.f32 v28, v33;
	v33 =	vperm.xlane v26, v2;
	v30 =	vld [tilespmem:s20+$0xFFFFFE60]  }
0x2ab: {  	v24 =	vsel vm0, v24, v39;
	v42 =	vmul.f32 v45, v43;
	v41 =	vld [tilespmem:s25+$0xFFFFFF60];
	(erf) = vpow2.f32 v27  }
0x2ac: {  	v23 =	vsel vm0, v25, v23;
	v25 =	vsel vm0, v29, v34;
	v27 =	vperm.xlane v31, v1;
	v29 =	vld [tilespmem:s30+$0xFFFFFFC0]  }
0x2ad: {  	v34 =	vperm.xlane v23, v2;
	v26 =	vadd.f32 v33, v26;
	v33 =	vperm.xlane v25, v2;
	v39 =	vld [tilespmem:s29+$0xFFFFFFE0]  }
0x2ae: {  	v44 =	vperm.xlane v17, v8;
	v27 =	vadd.f32 v27, v31;
	v31 =	vperm.xlane v42, v1;
	v43 =	vld [tilespmem:s20+$0xFFFFFE50]  }
0x2af: {  	v45 =	vperm.xlane v28, v1;
	v34 =	vadd.f32 v34, v23;
	v23 =	vadd.f32 v33, v25;
	v25 =	vld [tilespmem:s29+$0xFFFFFEE0]  }
0x2b0: {  	v40 =	vmul.f32 v40, v44;
	v33 =	vld [tilespmem:s20+$0xFFFFFE30];
	v30 =	vmul.f32 v41, v30  }
0x2b1: {  	v31 =	vadd.f32 v31, v42;
	v41 =	vperm.xlane v24, v2;
	v29 =	vmul.f32 v29, v32  }
0x2b2: {  	v28 =	vadd.f32 v45, v28;
	v32 =	vld [tilespmem:s25+$0xFFFFFF30];
	v44 =	vperm.xlane v30, v1;
	v39 =	vmul.f32 v39, v37  }
0x2b3: {  	v24 =	vadd.f32 v41, v24;
	v45 =	vld [tilespmem:s25+$0xFFFFFF20];
	v47 =	vmul.f32 v35, v43;
	v35 =	vperm.xlane v21, v5;
	[tilespmem:s3+$0xFFFFFF90] =	vst v40  }
0x2b4: {  	v26 =	vsel vm1, v26, v23;
	v28 =	vsel vm0, v28, v31;
	v41 =	vld [tilespmem:s20+$0xFFFFFE20];
	v23 =	vpop (erf);
	[tilespmem:s3+$0x30] =	vst v29;
	v38 =	vmul.f32 v25, v38  }
0x2b5: {  	v37 =	vmul.f32 v46, v36;
	v31 =	vsel vm1, v34, v24;
	v24 =	vperm.xlane v26, v3;
	v25 =	vld [tilespmem:s30+$0xFFFFFFD0];
	[tilespmem:s31+$0x50] =	vst v39  }
.Ltmp4:
0x2b6: {  	v34 =	vperm.xlane v28, v2;
	v36 =	vperm.xlane v23, v5;
	v29 =	vld [tilespmem:s30+$0xFFFFFEC0];
	[tilespmem:s31+$0xFFFFFFC0] =	vst v38;
	(pc) =	sbr.rel @p1 .LBB2_7-.Ltmp4, $4  }
0x2b7: {  	v38 =	vperm.xlane v47, v1;
	v39 =	vmul.f32 v32, v33;
	v32 =	vadd.f32 v24, v26;
	v24 =	vld [tilespmem:s29+$0xFFFFFEF0]  }
0x2b8: {  	v42 =	vperm.xlane v37, v1;
	v40 =	vadd.f32 v44, v30;
	v30 =	vperm.xlane v17, v9;
	[tilespmem:s14+$0x80] =	vst v35;
	v26 =	vld [tilespmem:s29+$0xFFFFFFF0]  }
0x2b9: {  	v33 =	vadd.f32 v34, v28;
	v34 =	vperm.xlane v23, v6;
	v41 =	vmul.f32 v45, v41;
	[tilespmem:s14+$0xFFFFFFF0] =	vst v36;
	v35 =	vld [tilespmem:s0+$0xFFFFFF90]  }
0x2ba: {  	s20 =	sadd.s32 $0x200, s20;
	v44 =	vadd.f32 v38, v47;
	v38 =	vperm.xlane v21, v6;
	v43 =	vperm.xlane v39, v1;
	v36 =	vld [tilespmem:s0+$0xFFFFFE90]  }
0x2bb: {  	v28 =	vperm.xlane v41, v1  }
0x2bc: {  	v37 =	vadd.f32 v42, v37  }
0x2bd: {  	v39 =	vadd.f32 v43, v39;
	v28 =	vadd.f32 v28, v41  }
0x2be: {  	v40 =	vsel vm0, v44, v40  }
0x2bf: {  	v61 =	vperm.xlane v40, v2;
	v62 =	vsel vm0, v39, v37;
	v27 =	vsel vm0, v27, v28  }
0x2c0: {  	v39 =	vperm.xlane v62, v2;
	v63 =	vperm.xlane v27, v2  }
0x2c1: {  	v40 =	vadd.f32 v61, v40  }
0x2c2: {  	v28 =	vadd.f32 v39, v62;
	v27 =	vadd.f32 v63, v27;
	_ =	sdelay $0x1  }
0x2c3: {  	v44 =	vperm.xlane v31, v3;
	v33 =	vsel vm1, v40, v33;
	v27 =	vsel vm1, v27, v28  }
0x2c4: {  	v45 =	vperm.xlane v33, v3;
	v46 =	vperm.xlane v27, v3  }
0x2c5: {  	v31 =	vadd.f32 v44, v31  }
0x2c6: {  	v28 =	vadd.f32 v45, v33;
	v27 =	vadd.f32 v46, v27  }
0x2c7: {  	v31 =	vsel vm2, v31, v32  }
0x2c8: {  	v32 =	vperm.xlane v31, v4;
	v27 =	vsel vm2, v27, v28  }
0x2c9: {  	v28 =	vperm.xlane v27, v4  }
0x2ca: {  	v31 =	vadd.f32 v31, v32  }
0x2cb: {  	v27 =	vadd.f32 v27, v28  }
0x2cc: {  	v47 =	vmul.f32 $1.442695020e+00, v31  }
0x2cd: {  	v27 =	vmul.f32 $1.442695020e+00, v27  }
0x2ce: {  	(erf) = vpow2.f32 v47  }
0x2cf: {  	(erf) = vpow2.f32 v27;
	_ =	sdelay $0x7  }
0x2d0: {  	v28 =	vpop (erf)  }
0x2d1: {  	v48 =	vperm.xlane v28, v5;
	v27 =	vpop (erf)  }
0x2d2: {  	s19 =	sadd.s32 $0x120, s14;
	v49 =	vperm.xlane v27, v5  }
0x2d3: {  	[tilespmem:s19+$0x80] =	vst v48  }
0x2d4: {  	v31 =	vld [tilespmem:s15+$0xFFFFFF90];
	[tilespmem:s19+$0xFFFFFFF0] =	vst v49  }
0x2d5: {  	v32 =	vld [tilespmem:s15+$0xFFFFFE90];
	_ =	sdelay $0x1  }
0x2d6: {  	v50 =	vmul.f32 v35, v38;
	v51 =	vperm.xlane v28, v6  }
0x2d7: {  	v34 =	vmul.f32 v36, v34;
	v52 =	vperm.xlane v27, v6  }
0x2d8: {  	[tilespmem:s14+$0x0] =	vst v50;
	v31 =	vmul.f32 v31, v51  }
0x2d9: {  	[tilespmem:s14+$0xFFFFFF70] =	vst v34;
	v33 =	vld [tilespmem:s0+$0xFFFFFFA0];
	v32 =	vmul.f32 v32, v52  }
0x2da: {  	v34 =	vld [tilespmem:s0+$0xFFFFFEA0];
	[tilespmem:s19+$0x0] =	vst v31  }
0x2db: {  	v31 =	vld [tilespmem:s15+$0xFFFFFFA0];
	[tilespmem:s19+$0xFFFFFF70] =	vst v32  }
0x2dc: {  	v53 =	vperm.xlane v21, v7;
	v54 =	vld [tilespmem:s15+$0xFFFFFEA0]  }
0x2dd: {  	v55 =	vperm.xlane v23, v7  }
0x2de: {  	v56 =	vperm.xlane v28, v7;
	v32 =	vmul.f32 v33, v53  }
0x2df: {  	v34 =	vmul.f32 v34, v55;
	v57 =	vperm.xlane v27, v7  }
0x2e0: {  	v31 =	vmul.f32 v31, v56;
	[tilespmem:s14+$0x10] =	vst v32  }
0x2e1: {  	[tilespmem:s14+$0xFFFFFF80] =	vst v34;
	v32 =	vld [tilespmem:s0+$0xFFFFFFB0];
	v58 =	vmul.f32 v54, v57  }
0x2e2: {  	v34 =	vld [tilespmem:s0+$0xFFFFFEB0];
	[tilespmem:s19+$0x10] =	vst v31  }
0x2e3: {  	v31 =	vld [tilespmem:s15+$0xFFFFFFB0];
	[tilespmem:s19+$0xFFFFFF80] =	vst v58  }
0x2e4: {  	v59 =	vperm.xlane v21, v8;
	v60 =	vld [tilespmem:s15+$0xFFFFFEB0]  }
0x2e5: {  	v61 =	vperm.xlane v23, v8  }
0x2e6: {  	v62 =	vperm.xlane v28, v8;
	v32 =	vmul.f32 v32, v59  }
0x2e7: {  	v34 =	vmul.f32 v34, v61;
	v63 =	vperm.xlane v27, v8  }
0x2e8: {  	v31 =	vmul.f32 v31, v62;
	[tilespmem:s14+$0x20] =	vst v32  }
0x2e9: {  	[tilespmem:s14+$0xFFFFFF90] =	vst v34;
	v32 =	vld [tilespmem:s0+$0xFFFFFFC0];
	v37 =	vmul.f32 v60, v63  }
0x2ea: {  	v34 =	vld [tilespmem:s0+$0xFFFFFEC0];
	[tilespmem:s19+$0x20] =	vst v31  }
0x2eb: {  	v31 =	vld [tilespmem:s15+$0xFFFFFFC0];
	[tilespmem:s19+$0xFFFFFF90] =	vst v37  }
0x2ec: {  	v38 =	vperm.xlane v21, v9;
	v39 =	vld [tilespmem:s15+$0xFFFFFEC0]  }
0x2ed: {  	v29 =	vmul.f32 v29, v30;
	v40 =	vperm.xlane v23, v9  }
0x2ee: {  	v41 =	vperm.xlane v28, v9;
	v32 =	vmul.f32 v32, v38  }
0x2ef: {  	[tilespmem:s3+$0xFFFFFFA0] =	vst v29;
	v42 =	vmul.f32 v34, v40;
	v43 =	vperm.xlane v27, v9  }
0x2f0: {  	v44 =	vld [tilespmem:s30+$0xFFFFFED0];
	v31 =	vmul.f32 v31, v41;
	[tilespmem:s14+$0x30] =	vst v32  }
0x2f1: {  	[tilespmem:s14+$0xFFFFFFA0] =	vst v42;
	v32 =	vld [tilespmem:s0+$0xFFFFFFD0];
	v45 =	vmul.f32 v39, v43  }
0x2f2: {  	v46 =	vld [tilespmem:s0+$0xFFFFFED0];
	[tilespmem:s19+$0x30] =	vst v31  }
0x2f3: {  	v47 =	vperm.xlane v17, v10;
	v48 =	vld [tilespmem:s15+$0xFFFFFFD0];
	[tilespmem:s19+$0xFFFFFFA0] =	vst v45  }
0x2f4: {  	v22 =	vmul.f32 v25, v22;
	v49 =	vperm.xlane v21, v10;
	v29 =	vld [tilespmem:s15+$0xFFFFFED0]  }
0x2f5: {  	v50 =	vperm.xlane v23, v10;
	v31 =	vmul.f32 v44, v47  }
0x2f6: {  	[tilespmem:s3+$0x40] =	vst v22;
	v52 =	vperm.xlane v28, v10;
	v51 =	vmul.f32 v32, v49  }
0x2f7: {  	v30 =	vmul.f32 v46, v50;
	v53 =	vld [tilespmem:s30+$0xFFFFFFE0];
	v54 =	vperm.xlane v27, v10;
	[tilespmem:s3+$0xFFFFFFB0] =	vst v31  }
0x2f8: {  	v55 =	vld [tilespmem:s30+$0xFFFFFEE0];
	v56 =	vmul.f32 v48, v52;
	[tilespmem:s14+$0x40] =	vst v51  }
0x2f9: {  	[tilespmem:s14+$0xFFFFFFB0] =	vst v30;
	v57 =	vld [tilespmem:s0+$0xFFFFFFE0];
	v29 =	vmul.f32 v29, v54  }
0x2fa: {  	v58 =	vperm.xlane v16, v11;
	v59 =	vld [tilespmem:s0+$0xFFFFFEE0];
	[tilespmem:s19+$0x40] =	vst v56  }
0x2fb: {  	v20 =	vmul.f32 v24, v20;
	v60 =	vperm.xlane v17, v11;
	v61 =	vld [tilespmem:s15+$0xFFFFFFE0];
	[tilespmem:s19+$0xFFFFFFB0] =	vst v29  }
0x2fc: {  	v62 =	vperm.xlane v21, v11;
	v30 =	vmul.f32 v53, v58;
	v63 =	vld [tilespmem:s15+$0xFFFFFEE0]  }
0x2fd: {  	[tilespmem:s31+$0xFFFFFFD0] =	vst v20;
	v36 =	vperm.xlane v23, v11;
	v22 =	vmul.f32 v55, v60  }
0x2fe: {  	[tilespmem:s3+$0x50] =	vst v30;
	v37 =	vperm.xlane v28, v11;
	v25 =	vmul.f32 v57, v62  }
0x2ff: {  	v40 =	vperm.xlane v27, v11;
	v38 =	vld [tilespmem:s30+$0xFFFFFFF0];
	v39 =	vmul.f32 v59, v36;
	[tilespmem:s3+$0xFFFFFFC0] =	vst v22  }
0x300: {  	v41 =	vld [tilespmem:s30+$0xFFFFFEF0];
	v42 =	vmul.f32 v61, v37;
	[tilespmem:s14+$0x50] =	vst v25  }
0x301: {  	[tilespmem:s14+$0xFFFFFFC0] =	vst v39;
	v43 =	vld [tilespmem:s0+$0xFFFFFFF0];
	v44 =	vmul.f32 v63, v40  }
0x302: {  	v15 =	vmul.f32 v26, v15;
	v45 =	vld [tilespmem:s0+$0xFFFFFEF0];
	[tilespmem:s19+$0x50] =	vst v42  }
0x303: {  	v46 =	vperm.xlane v17, v12;
	v25 =	vld [tilespmem:s15+$0xFFFFFFF0];
	[tilespmem:s19+$0xFFFFFFC0] =	vst v44  }
0x304: {  	[tilespmem:s31+$0x60] =	vst v15;
	v15 =	vperm.xlane v21, v12;
	v18 =	vmul.f32 v38, v18;
	v47 =	vld [tilespmem:s15+$0xFFFFFEF0]  }
0x305: {  	v50 =	vld [tilespmem:s29+$0xFFFFFF00];
	v49 =	vperm.xlane v23, v12;
	v24 =	vmul.f32 v41, v46  }
0x306: {  	v48 =	vld [tilespmem:s29+$0x0];
	[tilespmem:s3+$0x60] =	vst v18;
	v51 =	vperm.xlane v28, v12;
	v15 =	vmul.f32 v43, v15  }
0x307: {  	v53 =	vperm.xlane v27, v12;
	v52 =	vld [tilespmem:s30+$0x0];
	v26 =	vmul.f32 v45, v49;
	[tilespmem:s3+$0xFFFFFFD0] =	vst v24  }
0x308: {  	v14 =	vperm.xlane v14, v13;
	v54 =	vld [tilespmem:s30+$0xFFFFFF00];
	[tilespmem:s14+$0x60] =	vst v15;
	v15 =	vmul.f32 v25, v51  }
0x309: {  	[tilespmem:s14+$0xFFFFFFD0] =	vst v26;
	v55 =	vld [tilespmem:s0+$0x0];
	v22 =	vmul.f32 v47, v53  }
0x30a: {  	v14 =	vmul.f32 v50, v14;
	v56 =	vperm.xlane v16, v13;
	v57 =	vld [tilespmem:s0+$0xFFFFFF00];
	[tilespmem:s19+$0x60] =	vst v15  }
0x30b: {  	v19 =	vmul.f32 v48, v19;
	v15 =	vperm.xlane v17, v13;
	v58 =	vld [tilespmem:s15+$0x0];
	[tilespmem:s19+$0xFFFFFFD0] =	vst v22  }
0x30c: {  	[tilespmem:s31+$0xFFFFFFE0] =	vst v14;
	v59 =	vperm.xlane v21, v13;
	v16 =	vmul.f32 v52, v56;
	v60 =	vld [tilespmem:s15+$0xFFFFFF00]  }
0x30d: {  	[tilespmem:s31+$0x70] =	vst v19;
	v14 =	vmul.f32 v54, v15;
	v15 =	vperm.xlane v23, v13  }
0x30e: {  	[tilespmem:s3+$0x70] =	vst v16;
	v62 =	vperm.xlane v28, v13;
	v61 =	vmul.f32 v55, v59  }
0x30f: {  	[tilespmem:s3+$0xFFFFFFE0] =	vst v14;
	v14 =	vmul.f32 v57, v15;
	v15 =	vperm.xlane v27, v13  }
0x310: {  	[tilespmem:s14+$0x70] =	vst v61;
	v63 =	vmul.f32 v58, v62  }
0x311: {  	[tilespmem:s14+$0xFFFFFFE0] =	vst v14;
	v14 =	vmul.f32 v60, v15  }
0x312: {  	[tilespmem:s19+$0x70] =	vst v63  }
.Ltmp5:
0x313: {  	[tilespmem:s19+$0xFFFFFFE0] =	vst v14;
	(pc) =	sbr.rel @p0 .LBB2_10-.Ltmp5, $4  }
0x314: {  	[spmem:s2] =	stream.indirect.scatter.add.f32 [tilespmem:s8], [sflag:$0x7], $0x90, s10, s16, $0xb8;
	[tilespmem:$0x1F720] =	vst v63  }
0x315: {  	_ =	swait.ge [sflag:s9], $0x1680  }
0x316: {  	[sflag:s9] =	ssyncset.done $0x0  }
0x317: {  	[sflag:s9] =	ssyncadd.s32 $0xFFFFE980  }
0x318: {  	s0 =	sadd.s32 s28, s13  }
0x319: {  	s0 =	smul.u32 $0x5, s0  }
.Ltmp6:
0x31a: {  	_ = 	snop;
	(pc) =	sbr.rel .LBB2_4-.Ltmp6, $4  }
0x31b: {  	s3 =	sadd.s32 s6, s0  }
0x31c: {  	[tilespmem:s17], [sflag:$0x2] =	stream.linear.gather [hbm4b:s3+s4], $0x28, $0x38;
	[tilespmem:$0x1F720] =	vst v63  }
0x31d: {  	s26 =	sadd.s32 $0x1, s26;
	s0 =	sadd.s32 s7, s0  }
0x31e: {  	[tilespmem:s10], [sflag:$0x2] =	stream.linear.gather [hbm4b:s0+s4], $0x28, $0x38;
	[tilespmem:$0x1F720] =	vst v63  }
.LBB2_11:
0x31f: {  	_ =	sfence.sel $0x180000  }
0x320: {  	[bflag:$0x0] =	sbarrier.arrive $0xFFFF  }
0x321: {  	_ =	strace $0x90000047  }
0x322: {  	s0 =	stileid.u32;
	[bflag:$0x2] =	sbarrier.arrive $0xFFFF  }
0x323: {  	p0 =	sne.s32 s0, $0x0;
	s0 =	rddreg [dreg:$0x3]  }
0x324: {  	s0 =	sadd.s32 @!p0 $0x100000, s0  }
0x325: {  	[sflag:s0] =	ssyncadd.tile.s32 @!p0 $0x1;
	_ =	shalt  }
.Lfunc_end2:
_tile_overlayer_lowered:
.L_overlay_start_2:
0x326: {  	(tag) =	ssettag $0x2  }
0x327: {  	s0 =	rddreg [dreg:$0x0];
	s2 =	stileid.u32  }
0x328: {  	s1 =	rddreg [dreg:$0x1];
	p0 =	sne.s32 s2, $0x0  }
0x329: {  	s3 =	rddreg [dreg:$0x2];
	[bflag:$0x3] =	sbarrier.arrive $0xFFFF;
	s2 =	simm.s32 @!p0 $0x1C07  }
0x32a: {  	[timem:s3], [sflag:s2] =	dma.local @!p0 [hbm:s0], s1  }
0x32b: {  	s0 =	simm.s32 @!p0 $0x7  }
0x32c: {  	_ =	swait.ge @!p0 [sflag:s0], s1  }
0x32d: {  	s1 =	ssub.s32 @!p0 $0x0, s1;
	[sflag:s0] =	ssyncset.done @!p0 $0x0  }
0x32e: {  	[sflag:s0] =	ssyncadd.s32 @!p0 s1  }
0x32f: {  	[bflag:$0x3] =	sbarrier.arrive $0xFFFF  }
0x330: {  	_ =	shalt  }

</sc_bundles>
